<compile_context>
chip_gen: v7x
topology: tpu7x:2x2x1
jax: 0.10.2.dev20260603
libtpu: 0.0.44.dev20260713+nightly
codegen_flags: <defaults>
</compile_context>

<pallas_src>
import functools

import jax
import jax.numpy as jnp
from jax import lax
from jax.experimental import pallas as pl
from jax.experimental.pallas import tpu as pltpu
from jax.experimental.pallas import tpu_sc as plsc

N = 10000
D = 128
E = 320000
NC = 2
NS = 16
NW = NC * NS
EPW = E // NW
K = 80
NCHUNK = EPW // K
NSUP = 5
CPS = NCHUNK // NSUP
NBUF = 4
PF = NBUF - 1
KD = 80
CPSD = EPW // KD // NSUP
RPT = N // NS
ZROWS = 125

_mesh = plsc.VectorSubcoreMesh(core_axis_name="c", subcore_axis_name="s")


@functools.partial(
    pl.kernel,
    out_type=jax.ShapeDtypeStruct((NC, 1, N), jnp.float32),
    mesh=_mesh,
    scratch_types=[
        pltpu.VMEM((CPSD, KD), jnp.int32),
        pltpu.VMEM((KD,), jnp.float32),
        pltpu.VMEM((N,), jnp.float32),
        pltpu.VMEM_SHARED((N,), jnp.float32),
        pltpu.SemaphoreType.DMA,
    ],
)
def _deg_kernel(dst_hbm, out_hbm, didx, ones_v, zbuf, acc, dsem):
    c = lax.axis_index("c")
    s = lax.axis_index("s")
    wid = c * NS + s
    for i in range(KD // 16):
        ones_v[pl.ds(i * 16, 16)] = jnp.ones((16,), jnp.float32)

    @pl.when(s == 0)
    def _():
        def zr(i, carry):
            zbuf[pl.ds(i * 16, 16)] = jnp.zeros((16,), jnp.float32)
            return carry
        lax.fori_loop(0, N // 16, zr, 0)
        pltpu.sync_copy(zbuf, acc)

    plsc.subcore_barrier()

    def sup(sc, carry):
        pltpu.sync_copy(dst_hbm.at[wid, sc], didx)

        def body(j, carry2):
            pltpu.async_copy(ones_v, acc.at[didx.at[j]], dsem, add=True)
            return carry2
        lax.fori_loop(0, CPSD, body, 0)

        def drain(j, carry2):
            pltpu.make_async_copy(ones_v, acc.at[didx.at[0]], dsem).wait()
            return carry2
        lax.fori_loop(0, CPSD, drain, 0)
        return carry
    lax.fori_loop(0, NSUP, sup, 0)

    plsc.subcore_barrier()

    @pl.when(s == 0)
    def _():
        pltpu.sync_copy(acc, out_hbm.at[c, 0])


@functools.partial(
    pl.kernel,
    out_type=jax.ShapeDtypeStruct((NC, N, D), jnp.float32),
    mesh=_mesh,
    scratch_types=[
        pltpu.VMEM((CPS, K), jnp.int32),
        pltpu.VMEM((CPS, K), jnp.int32),
        pltpu.VMEM((NBUF, K, D), jnp.float32),
        pltpu.VMEM_SHARED((N, D), jnp.float32),
        pltpu.SemaphoreType.DMA((NBUF,)),
        pltpu.SemaphoreType.DMA((NBUF,)),
    ],
)
def _edge_kernel(g_hbm, src_hbm, dst_hbm, out_hbm, sidx, didx, rows, acc, gsem,
                 ssem):
    c = lax.axis_index("c")
    s = lax.axis_index("s")
    wid = c * NS + s

    def zr(i, carry):
        for jj in range(D // 16):
            rows[0, i, pl.ds(jj * 16, 16)] = jnp.zeros((16,), jnp.float32)
        return carry
    lax.fori_loop(0, K, zr, 0)
    for t in range(RPT // K):
        pltpu.sync_copy(rows.at[0], acc.at[pl.ds(s * RPT + t * K, K)])
    pltpu.sync_copy(rows.at[0, pl.ds(0, RPT % K)],
                    acc.at[pl.ds(s * RPT + (RPT // K) * K, RPT % K)])

    plsc.subcore_barrier()

    def sup(sc, carry):
        pltpu.sync_copy(src_hbm.at[wid, sc], sidx)
        pltpu.sync_copy(dst_hbm.at[wid, sc], didx)

        for i in range(PF):
            pltpu.async_copy(g_hbm.at[sidx.at[i]], rows.at[i], gsem.at[i])

        def body(j, carry2):
            rb = lax.rem(j, NBUF)
            nb = lax.rem(j + PF, NBUF)
            pltpu.make_async_copy(g_hbm.at[sidx.at[j]], rows.at[rb],
                                  gsem.at[rb]).wait()

            @pl.when(jnp.logical_and(j >= 1, j + PF < CPS))
            def _():
                pltpu.make_async_copy(rows.at[nb], acc.at[didx.at[j - 1]],
                                      ssem.at[nb]).wait()

            @pl.when(j + PF < CPS)
            def _():
                pltpu.async_copy(g_hbm.at[sidx.at[j + PF]], rows.at[nb],
                                 gsem.at[nb])

            pltpu.async_copy(rows.at[rb], acc.at[didx.at[j]], ssem.at[rb],
                             add=True)
            return carry2
        lax.fori_loop(0, CPS, body, 0)

        for jj in range(CPS - NBUF, CPS):
            pltpu.make_async_copy(rows.at[jj % NBUF], acc.at[didx.at[jj]],
                                  ssem.at[jj % NBUF]).wait()
        return carry
    lax.fori_loop(0, NSUP, sup, 0)

    plsc.subcore_barrier()
    WA = (N // NS) // 8 * 8

    @pl.when(s < NS - 1)
    def _():
        pltpu.sync_copy(acc.at[pl.ds(s * WA, WA)], out_hbm.at[c, pl.ds(s * WA, WA)])

    @pl.when(s == NS - 1)
    def _():
        pltpu.sync_copy(acc.at[pl.ds((NS - 1) * WA, N - (NS - 1) * WA)],
                        out_hbm.at[c, pl.ds((NS - 1) * WA, N - (NS - 1) * WA)])


BM = 2000


def _mm1_body(x_ref, w_ref, degt_ref, g_ref):
    deg = degt_ref[:, 0] + degt_ref[:, 1] + 1.0
    dis = lax.rsqrt(deg)
    h = jnp.dot(x_ref[...], w_ref[...], preferred_element_type=jnp.float32)
    g_ref[...] = h * dis[:, None]


def _mm2_body(p_ref, g1_ref, degt_ref, b1_ref, w_ref, g_ref):
    deg = degt_ref[:, 0] + degt_ref[:, 1] + 1.0
    dis = lax.rsqrt(deg)
    u = jnp.maximum(
        dis[:, None] * (p_ref[0] + p_ref[1] + g1_ref[...]) + b1_ref[...], 0.0)
    h = jnp.dot(u, w_ref[...], preferred_element_type=jnp.float32)
    g_ref[...] = h * dis[:, None]


def _fin_body(q_ref, g2_ref, degt_ref, b2_ref, z_ref):
    deg = degt_ref[:, 0] + degt_ref[:, 1] + 1.0
    dis = lax.rsqrt(deg)
    z_ref[...] = dis[:, None] * (q_ref[0] + q_ref[1] + g2_ref[...]) + b2_ref[...]


def _mm1(x, W1, degt):
    return pl.pallas_call(
        _mm1_body,
        grid=(N // BM,),
        in_specs=[
            pl.BlockSpec((BM, D), lambda i: (i, 0)),
            pl.BlockSpec((D, D), lambda i: (0, 0)),
            pl.BlockSpec((BM, 2), lambda i: (i, 0)),
        ],
        out_specs=pl.BlockSpec((BM, D), lambda i: (i, 0)),
        out_shape=jax.ShapeDtypeStruct((N, D), jnp.float32),
    )(x, W1, degt)


def _mm2(p, g1, degt, b1, W2):
    return pl.pallas_call(
        _mm2_body,
        grid=(N // BM,),
        in_specs=[
            pl.BlockSpec((NC, BM, D), lambda i: (0, i, 0)),
            pl.BlockSpec((BM, D), lambda i: (i, 0)),
            pl.BlockSpec((BM, 2), lambda i: (i, 0)),
            pl.BlockSpec((1, D), lambda i: (0, 0)),
            pl.BlockSpec((D, D), lambda i: (0, 0)),
        ],
        out_specs=pl.BlockSpec((BM, D), lambda i: (i, 0)),
        out_shape=jax.ShapeDtypeStruct((N, D), jnp.float32),
    )(p, g1, degt, b1, W2)


def _fin(q, g2, degt, b2):
    return pl.pallas_call(
        _fin_body,
        grid=(N // BM,),
        in_specs=[
            pl.BlockSpec((NC, BM, D), lambda i: (0, i, 0)),
            pl.BlockSpec((BM, D), lambda i: (i, 0)),
            pl.BlockSpec((BM, 2), lambda i: (i, 0)),
            pl.BlockSpec((1, D), lambda i: (0, 0)),
        ],
        out_specs=pl.BlockSpec((BM, D), lambda i: (i, 0)),
        out_shape=jax.ShapeDtypeStruct((N, D), jnp.float32),
    )(q, g2, degt, b2)


def kernel(x, edge_index, W1, b1, W2, b2):
    ei = edge_index.astype(jnp.int32)
    src = ei[0].reshape(NW, NSUP, CPS, K)
    dst = ei[1].reshape(NW, NSUP, CPS, K)

    dstd = ei[1].reshape(NW, NSUP, CPSD, KD)
    degp = _deg_kernel(dstd)
    degt = degp.reshape(NC, N).T
    g1 = _mm1(x, W1, degt)
    p = _edge_kernel(g1, src, dst)
    g2 = _mm2(p, g1, degt, b1.reshape(1, D), W2)
    q = _edge_kernel(g2, src, dst)
    return _fin(q, g2, degt, b2.reshape(1, D))

# --- scband reference (transcript-rebuilt; emitter-appended) ---
"""Pipeline reference for scband-net-17609365913905 (READ-ONLY COPY).

The authoritative reference and input builder live on the scoring server;
editing this copy changes nothing except your own understanding.
"""

import jax, jax.numpy as jnp
import numpy as np

N_NODES = 10000
N_EDGES = 320000
D_IN = 128
D_HID = 128


def gcn_conv(x, edge_index, W, b):
    # Faithful GCNConv: add self-loops, symmetric normalization D^-1/2 (A+I) D^-1/2, then linear.
    N = x.shape[0]
    src = edge_index[0]
    dst = edge_index[1]
    loop = jnp.arange(N, dtype=src.dtype)
    src = jnp.concatenate([src, loop])
    dst = jnp.concatenate([dst, loop])
    deg = jnp.zeros((N,), dtype=x.dtype).at[dst].add(1.0)
    deg_inv_sqrt = jnp.where(deg > 0, 1.0 / jnp.sqrt(deg), 0.0)
    norm = deg_inv_sqrt[src] * deg_inv_sqrt[dst]
    h = x @ W  # linear transform first (as PyG GCNConv does)
    msg = h[src] * norm[:, None]
    out = jnp.zeros((N, h.shape[1]), dtype=x.dtype).at[dst].add(msg)
    return out + b


def setup_inputs(seed: int = 0) -> dict:
    key = jax.random.key(seed)
    k1, k2, k3, k4, k5, k6 = jax.random.split(key, 6)
    x = jax.random.normal(k1, (N_NODES, D_IN), dtype=jnp.float32)
    edge_index = jax.random.randint(k2, (2, N_EDGES), 0, N_NODES, dtype=jnp.int64)
    # Glorot-style init for GCN weights
    W1 = jax.random.normal(k3, (D_IN, D_HID), dtype=jnp.float32) * (1.0 / np.sqrt(D_IN))
    b1 = jnp.zeros((D_HID,), dtype=jnp.float32)
    W2 = jax.random.normal(k4, (D_HID, D_HID), dtype=jnp.float32) * (1.0 / np.sqrt(D_HID))
    b2 = jnp.zeros((D_HID,), dtype=jnp.float32)
    return {"x": x, "edge_index": edge_index, "W1": W1, "b1": b1, "W2": W2, "b2": b2}


def reference(x, edge_index, W1, b1, W2, b2):
    # Net.encode: conv1 -> relu -> conv2
    h = gcn_conv(x, edge_index, W1, b1)
    h = jax.nn.relu(h)
    z = gcn_conv(h, edge_index, W2, b2)
    return z

if __name__ == "__main__":
    import jax
    _d = setup_inputs()
    print(jax.jit(kernel)(*tuple(_d.values())))

</pallas_src>

<mosaic_0001>
#map = affine_map<(d0, d1) -> (0, 0, 0, 0)>
#map1 = affine_map<(d0, d1) -> (0, 0, 0)>
module attributes {stable_mosaic.version = 14 : i64} {
  func.func @_deg_kernel(%arg0: i32, %arg1: i32, %arg2: memref<32x5x25x80xi32, #tpu.memory_space<hbm>>, %arg3: memref<2x1x10000xf32, #tpu.memory_space<hbm>>, %arg4: memref<25x80xi32, #tpu.memory_space<vmem>>, %arg5: memref<80xf32, #tpu.memory_space<vmem>>, %arg6: memref<10000xf32, #tpu.memory_space<vmem>>, %arg7: memref<10000xf32, #tpu.memory_space<vmem_shared>>, %arg8: memref<!tpu.dma_semaphore, #tpu.memory_space<semaphore_mem>>) attributes {dimension_semantics = [#tpu.dimension_semantics<core_parallel>, #tpu.dimension_semantics<subcore_parallel>], iteration_bounds = array<i64: 2, 16>, scalar_prefetch = 0 : i64, scratch_operands = 5 : i64, tpu.core_type = #tpu.core_type<sc_vector_subcore>, window_params = [{transform_indices = #map}, {transform_indices = #map1}]} {
    %mul3A = arith.constant 16 : i32
    %mul3A_0 = arith.muli %arg0, %mul3A : i32
    %add3A = arith.addi %mul3A_0, %arg1 : i32
    %broadcast_in_dim3A = arith.constant 1.000000e+00 : f32
    %broadcast_in_dim3A_1 = vector.broadcast %broadcast_in_dim3A : f32 to vector<16xf32>
    %swap3A = arith.constant 0 : index
    %swap3A_2 = tpu.vector_load %arg5[%swap3A] {strides = array<i32>} : memref<80xf32, #tpu.memory_space<vmem>>, vector<16xf32>,
    %swap3A_3 = vector.shape_cast %swap3A_2 : vector<16xf32> to vector<16xf32>
    %swap3A_4 = vector.shape_cast %broadcast_in_dim3A_1 : vector<16xf32> to vector<16xf32>
    tpu.vector_store %arg5[%swap3A], %swap3A_4 {strides = array<i32>} : memref<80xf32, #tpu.memory_space<vmem>>, vector<16xf32>,
    %broadcast_in_dim3A_5 = arith.constant 1.000000e+00 : f32
    %broadcast_in_dim3A_6 = vector.broadcast %broadcast_in_dim3A_5 : f32 to vector<16xf32>
    %swap3A_7 = arith.constant 16 : index
    %swap3A_8 = tpu.vector_load %arg5[%swap3A_7] {strides = array<i32>} : memref<80xf32, #tpu.memory_space<vmem>>, vector<16xf32>,
    %swap3A_9 = vector.shape_cast %swap3A_8 : vector<16xf32> to vector<16xf32>
    %swap3A_10 = vector.shape_cast %broadcast_in_dim3A_6 : vector<16xf32> to vector<16xf32>
    tpu.vector_store %arg5[%swap3A_7], %swap3A_10 {strides = array<i32>} : memref<80xf32, #tpu.memory_space<vmem>>, vector<16xf32>,
    %broadcast_in_dim3A_11 = arith.constant 1.000000e+00 : f32
    %broadcast_in_dim3A_12 = vector.broadcast %broadcast_in_dim3A_11 : f32 to vector<16xf32>
    %swap3A_13 = arith.constant 32 : index
    %swap3A_14 = tpu.vector_load %arg5[%swap3A_13] {strides = array<i32>} : memref<80xf32, #tpu.memory_space<vmem>>, vector<16xf32>,
    %swap3A_15 = vector.shape_cast %swap3A_14 : vector<16xf32> to vector<16xf32>
    %swap3A_16 = vector.shape_cast %broadcast_in_dim3A_12 : vector<16xf32> to vector<16xf32>
    tpu.vector_store %arg5[%swap3A_13], %swap3A_16 {strides = array<i32>} : memref<80xf32, #tpu.memory_space<vmem>>, vector<16xf32>,
    %broadcast_in_dim3A_17 = arith.constant 1.000000e+00 : f32
    %broadcast_in_dim3A_18 = vector.broadcast %broadcast_in_dim3A_17 : f32 to vector<16xf32>
    %swap3A_19 = arith.constant 48 : index
    %swap3A_20 = tpu.vector_load %arg5[%swap3A_19] {strides = array<i32>} : memref<80xf32, #tpu.memory_space<vmem>>, vector<16xf32>,
    %swap3A_21 = vector.shape_cast %swap3A_20 : vector<16xf32> to vector<16xf32>
    %swap3A_22 = vector.shape_cast %broadcast_in_dim3A_18 : vector<16xf32> to vector<16xf32>
    tpu.vector_store %arg5[%swap3A_19], %swap3A_22 {strides = array<i32>} : memref<80xf32, #tpu.memory_space<vmem>>, vector<16xf32>,
    %broadcast_in_dim3A_23 = arith.constant 1.000000e+00 : f32
    %broadcast_in_dim3A_24 = vector.broadcast %broadcast_in_dim3A_23 : f32 to vector<16xf32>
    %swap3A_25 = arith.constant 64 : index
    %swap3A_26 = tpu.vector_load %arg5[%swap3A_25] {strides = array<i32>} : memref<80xf32, #tpu.memory_space<vmem>>, vector<16xf32>,
    %swap3A_27 = vector.shape_cast %swap3A_26 : vector<16xf32> to vector<16xf32>
    %swap3A_28 = vector.shape_cast %broadcast_in_dim3A_24 : vector<16xf32> to vector<16xf32>
    tpu.vector_store %arg5[%swap3A_25], %swap3A_28 {strides = array<i32>} : memref<80xf32, #tpu.memory_space<vmem>>, vector<16xf32>,
    %eq3A = arith.constant 0 : i32
    %eq3A_29 = arith.cmpi eq, %arg1, %eq3A : i32
    %convert_element_type3A = arith.extui %eq3A_29 : i1 to i32
    %cond3A = arith.constant 0 : i32
    %cond3A_30 = arith.cmpi ne, %convert_element_type3A, %cond3A : i32
    scf.if %cond3A_30 {
      %scan3A_42 = arith.constant 0 : i32
      %scan3A_43 = arith.constant 0 : i32
      %scan3A_44 = arith.constant 625 : i32
      %scan3A_45 = arith.addi %scan3A_43, %scan3A_44 : i32
      %scan3A_46 = arith.constant 1 : i32
      scf.for %scan3A_48 = %scan3A_43 to %scan3A_45 step %scan3A_46  : i32 {
        %broadcast_in_dim3A_49 = arith.constant 0.000000e+00 : f32
        %broadcast_in_dim3A_50 = vector.broadcast %broadcast_in_dim3A_49 : f32 to vector<16xf32>
        %mul3A_51 = arith.constant 16 : i32
        %mul3A_52 = arith.muli %scan3A_48, %mul3A_51 : i32
        %swap3A_53 = arith.index_cast %mul3A_52 : i32 to index
        %swap3A_54 = tpu.vector_load %arg6[%swap3A_53] {strides = array<i32>} : memref<10000xf32, #tpu.memory_space<vmem>>, vector<16xf32>,
        %swap3A_55 = vector.shape_cast %swap3A_54 : vector<16xf32> to vector<16xf32>
        %swap3A_56 = vector.shape_cast %broadcast_in_dim3A_50 : vector<16xf32> to vector<16xf32>
        tpu.vector_store %arg6[%swap3A_53], %swap3A_56 {strides = array<i32>} : memref<10000xf32, #tpu.memory_space<vmem>>, vector<16xf32>,
      }
      %scan3A_47 = arith.constant 625 : i32
      "tpu.region"() ({
        %run_scoped3A = tpu.sem_alloc : memref<!tpu.dma_semaphore, #tpu.memory_space<semaphore_mem>>
        tpu.enqueue_dma source(%arg6 : memref<10000xf32, #tpu.memory_space<vmem>>) target(%arg7 : memref<10000xf32, #tpu.memory_space<vmem_shared>>) target_semaphore(%run_scoped3A : memref<!tpu.dma_semaphore, #tpu.memory_space<semaphore_mem>>)
        tpu.wait_dma2 semaphore(%run_scoped3A : memref<!tpu.dma_semaphore, #tpu.memory_space<semaphore_mem>>) src(%arg6 : memref<10000xf32, #tpu.memory_space<vmem>>) dst(%arg7 : memref<10000xf32, #tpu.memory_space<vmem_shared>>)
        tpu.yield
      }) : () -> ()
    } else {
    }
    %barrier3A = arith.constant 0 : index
    tpu.barrier barrier_id(%barrier3A)
    %scan3A = arith.constant 0 : i32
    %scan3A_31 = arith.constant 0 : i32
    %scan3A_32 = arith.constant 5 : i32
    %scan3A_33 = arith.addi %scan3A_31, %scan3A_32 : i32
    %scan3A_34 = arith.constant 1 : i32
    scf.for %scan3A_42 = %scan3A_31 to %scan3A_33 step %scan3A_34  : i32 {
      "tpu.region"() ({
        %run_scoped3A = tpu.sem_alloc : memref<!tpu.dma_semaphore, #tpu.memory_space<semaphore_mem>>
        %dma_start3A = arith.constant 0 : i32
        %dma_start3A_55 = arith.constant 0 : i32
        %dma_start3A_56 = tpu.memref_slice %arg2[%add3A, %scan3A_42, %dma_start3A, %dma_start3A_55] : memref<32x5x25x80xi32, #tpu.memory_space<hbm>> -> memref<1x1x25x80xi32, #tpu.memory_space<hbm>>
        %dma_start3A_57 = tpu.memref_squeeze %dma_start3A_56 : memref<1x1x25x80xi32, #tpu.memory_space<hbm>> -> memref<25x80xi32, #tpu.memory_space<hbm>>
        %dma_start3A_58 = arith.constant 0 : i32
        %dma_start3A_59 = arith.constant 0 : i32
        %dma_start3A_60 = tpu.memref_slice %arg2[%add3A, %scan3A_42, %dma_start3A_58, %dma_start3A_59] : memref<32x5x25x80xi32, #tpu.memory_space<hbm>> -> memref<1x1x25x80xi32, #tpu.memory_space<hbm>>
        %dma_start3A_61 = tpu.memref_squeeze %dma_start3A_60 : memref<1x1x25x80xi32, #tpu.memory_space<hbm>> -> memref<25x80xi32, #tpu.memory_space<hbm>>
        tpu.enqueue_dma source(%dma_start3A_61 : memref<25x80xi32, #tpu.memory_space<hbm>>) target(%arg4 : memref<25x80xi32, #tpu.memory_space<vmem>>) target_semaphore(%run_scoped3A : memref<!tpu.dma_semaphore, #tpu.memory_space<semaphore_mem>>)
        %dma_wait3A = arith.constant 0 : i32
        %dma_wait3A_62 = arith.constant 0 : i32
        %dma_wait3A_63 = tpu.memref_slice %arg2[%add3A, %scan3A_42, %dma_wait3A, %dma_wait3A_62] : memref<32x5x25x80xi32, #tpu.memory_space<hbm>> -> memref<1x1x25x80xi32, #tpu.memory_space<hbm>>
        %dma_wait3A_64 = tpu.memref_squeeze %dma_wait3A_63 : memref<1x1x25x80xi32, #tpu.memory_space<hbm>> -> memref<25x80xi32, #tpu.memory_space<hbm>>
        %dma_wait3A_65 = arith.constant 0 : i32
        %dma_wait3A_66 = arith.constant 0 : i32
        %dma_wait3A_67 = tpu.memref_slice %arg2[%add3A, %scan3A_42, %dma_wait3A_65, %dma_wait3A_66] : memref<32x5x25x80xi32, #tpu.memory_space<hbm>> -> memref<1x1x25x80xi32, #tpu.memory_space<hbm>>
        %dma_wait3A_68 = tpu.memref_squeeze %dma_wait3A_67 : memref<1x1x25x80xi32, #tpu.memory_space<hbm>> -> memref<25x80xi32, #tpu.memory_space<hbm>>
        tpu.wait_dma2 semaphore(%run_scoped3A : memref<!tpu.dma_semaphore, #tpu.memory_space<semaphore_mem>>) src(%dma_wait3A_68 : memref<25x80xi32, #tpu.memory_space<hbm>>) dst(%arg4 : memref<25x80xi32, #tpu.memory_space<vmem>>)
        tpu.yield
      }) : () -> ()
      %scan3A_43 = arith.constant 0 : i32
      %scan3A_44 = arith.constant 0 : i32
      %scan3A_45 = arith.constant 25 : i32
      %scan3A_46 = arith.addi %scan3A_44, %scan3A_45 : i32
      %scan3A_47 = arith.constant 1 : i32
      scf.for %scan3A_55 = %scan3A_44 to %scan3A_46 step %scan3A_47  : i32 {
        %dma_start3A = arith.constant 0 : i32
        %dma_start3A_56 = tpu.memref_slice %arg4[%scan3A_55, %dma_start3A] : memref<25x80xi32, #tpu.memory_space<vmem>> -> memref<1x80xi32, #tpu.memory_space<vmem>>
        %dma_start3A_57 = tpu.memref_squeeze %dma_start3A_56 : memref<1x80xi32, #tpu.memory_space<vmem>> -> memref<80xi32, #tpu.memory_space<vmem>>
        %dma_start3A_58 = arith.constant 0 : i32
        %dma_start3A_59 = tpu.memref_slice %arg7[%dma_start3A_58] : memref<10000xf32, #tpu.memory_space<vmem_shared>> -> memref<10000xf32, #tpu.memory_space<vmem_shared>>
        tpu.enqueue_indirect_dma source(%arg5 : memref<80xf32, #tpu.memory_space<vmem>>) target(%dma_start3A_59 : memref<10000xf32, #tpu.memory_space<vmem_shared>>) offsets(%dma_start3A_57 : memref<80xi32, #tpu.memory_space<vmem>>) semaphore(%arg8 : memref<!tpu.dma_semaphore, #tpu.memory_space<semaphore_mem>>) {add = true}
      }
      %scan3A_48 = arith.constant 25 : i32
      %scan3A_49 = arith.constant 0 : i32
      %scan3A_50 = arith.constant 0 : i32
      %scan3A_51 = arith.constant 25 : i32
      %scan3A_52 = arith.addi %scan3A_50, %scan3A_51 : i32
      %scan3A_53 = arith.constant 1 : i32
      scf.for %scan3A_55 = %scan3A_50 to %scan3A_52 step %scan3A_53  : i32 {
        %dma_wait3A = arith.constant 0 : i32
        %dma_wait3A_56 = arith.constant 0 : i32
        %dma_wait3A_57 = tpu.memref_slice %arg4[%dma_wait3A, %dma_wait3A_56] : memref<25x80xi32, #tpu.memory_space<vmem>> -> memref<1x80xi32, #tpu.memory_space<vmem>>
        %dma_wait3A_58 = tpu.memref_squeeze %dma_wait3A_57 : memref<1x80xi32, #tpu.memory_space<vmem>> -> memref<80xi32, #tpu.memory_space<vmem>>
        %dma_wait3A_59 = arith.constant 0 : i32
        %dma_wait3A_60 = tpu.memref_slice %arg7[%dma_wait3A_59] : memref<10000xf32, #tpu.memory_space<vmem_shared>> -> memref<10000xf32, #tpu.memory_space<vmem_shared>>
        tpu.wait_indirect_dma semaphore(%arg8 : memref<!tpu.dma_semaphore, #tpu.memory_space<semaphore_mem>>) src(%arg5 : memref<80xf32, #tpu.memory_space<vmem>>) dst(%dma_wait3A_60 : memref<10000xf32, #tpu.memory_space<vmem_shared>>)
      }
      %scan3A_54 = arith.constant 25 : i32
    }
    %scan3A_35 = arith.constant 5 : i32
    %barrier3A_36 = arith.constant 0 : index
    tpu.barrier barrier_id(%barrier3A_36)
    %eq3A_37 = arith.constant 0 : i32
    %eq3A_38 = arith.cmpi eq, %arg1, %eq3A_37 : i32
    %convert_element_type3A_39 = arith.extui %eq3A_38 : i1 to i32
    %cond3A_40 = arith.constant 0 : i32
    %cond3A_41 = arith.cmpi ne, %convert_element_type3A_39, %cond3A_40 : i32
    scf.if %cond3A_41 {
      %run_scoped3A = arith.constant 0 : i32
      "tpu.region"() ({
        %run_scoped3A_42 = tpu.sem_alloc : memref<!tpu.dma_semaphore, #tpu.memory_space<semaphore_mem>>
        %dma_start3A = arith.constant 0 : i32
        %dma_start3A_43 = tpu.memref_slice %arg3[%arg0, %run_scoped3A, %dma_start3A] : memref<2x1x10000xf32, #tpu.memory_space<hbm>> -> memref<1x1x10000xf32, #tpu.memory_space<hbm>>
        %dma_start3A_44 = tpu.memref_squeeze %dma_start3A_43 : memref<1x1x10000xf32, #tpu.memory_space<hbm>> -> memref<10000xf32, #tpu.memory_space<hbm>>
        tpu.enqueue_dma source(%arg7 : memref<10000xf32, #tpu.memory_space<vmem_shared>>) target(%dma_start3A_44 : memref<10000xf32, #tpu.memory_space<hbm>>) target_semaphore(%run_scoped3A_42 : memref<!tpu.dma_semaphore, #tpu.memory_space<semaphore_mem>>)
        %dma_wait3A = arith.constant 0 : i32
        %dma_wait3A_45 = tpu.memref_slice %arg3[%arg0, %run_scoped3A, %dma_wait3A] : memref<2x1x10000xf32, #tpu.memory_space<hbm>> -> memref<1x1x10000xf32, #tpu.memory_space<hbm>>
        %dma_wait3A_46 = tpu.memref_squeeze %dma_wait3A_45 : memref<1x1x10000xf32, #tpu.memory_space<hbm>> -> memref<10000xf32, #tpu.memory_space<hbm>>
        tpu.wait_dma2 semaphore(%run_scoped3A_42 : memref<!tpu.dma_semaphore, #tpu.memory_space<semaphore_mem>>) src(%arg7 : memref<10000xf32, #tpu.memory_space<vmem_shared>>) dst(%dma_wait3A_46 : memref<10000xf32, #tpu.memory_space<hbm>>)
        tpu.yield
      }) : () -> ()
    } else {
    }
    return
  }
}

#map = affine_map<(d0, d1) -> (0, 0)>
#map1 = affine_map<(d0, d1) -> (0, 0, 0, 0)>
#map2 = affine_map<(d0, d1) -> (0, 0, 0)>
module attributes {stable_mosaic.version = 14 : i64} {
  func.func @_edge_kernel(%arg0: i32, %arg1: i32, %arg2: memref<10000x128xf32, #tpu.memory_space<hbm>>, %arg3: memref<32x5x25x80xi32, #tpu.memory_space<hbm>>, %arg4: memref<32x5x25x80xi32, #tpu.memory_space<hbm>>, %arg5: memref<2x10000x128xf32, #tpu.memory_space<hbm>>, %arg6: memref<25x80xi32, #tpu.memory_space<vmem>>, %arg7: memref<25x80xi32, #tpu.memory_space<vmem>>, %arg8: memref<4x80x128xf32, #tpu.memory_space<vmem>>, %arg9: memref<10000x128xf32, #tpu.memory_space<vmem_shared>>, %arg10: memref<4x!tpu.dma_semaphore, #tpu.memory_space<semaphore_mem>>, %arg11: memref<4x!tpu.dma_semaphore, #tpu.memory_space<semaphore_mem>>) attributes {dimension_semantics = [#tpu.dimension_semantics<core_parallel>, #tpu.dimension_semantics<subcore_parallel>], iteration_bounds = array<i64: 2, 16>, scalar_prefetch = 0 : i64, scratch_operands = 6 : i64, tpu.core_type = #tpu.core_type<sc_vector_subcore>, window_params = [{transform_indices = #map}, {transform_indices = #map1}, {transform_indices = #map1}, {transform_indices = #map2}]} {
    %mul3A = arith.constant 16 : i32
    %mul3A_0 = arith.muli %arg0, %mul3A : i32
    %add3A = arith.addi %mul3A_0, %arg1 : i32
    %scan3A = arith.constant 0 : i32
    %scan3A_1 = arith.constant 0 : i32
    %scan3A_2 = arith.constant 80 : i32
    %scan3A_3 = arith.addi %scan3A_1, %scan3A_2 : i32
    %scan3A_4 = arith.constant 1 : i32
    scf.for %scan3A_58 = %scan3A_1 to %scan3A_3 step %scan3A_4  : i32 {
      %broadcast_in_dim3A = arith.constant 0.000000e+00 : f32
      %broadcast_in_dim3A_59 = vector.broadcast %broadcast_in_dim3A : f32 to vector<16xf32>
      %swap3A = arith.constant 0 : i32
      %swap3A_60 = arith.index_cast %swap3A : i32 to index
      %swap3A_61 = arith.index_cast %scan3A_58 : i32 to index
      %swap3A_62 = arith.constant 0 : index
      %swap3A_63 = tpu.vector_load %arg8[%swap3A_60, %swap3A_61, %swap3A_62] {strides = array<i32>} : memref<4x80x128xf32, #tpu.memory_space<vmem>>, vector<1x1x16xf32>,
      %swap3A_64 = vector.shape_cast %swap3A_63 : vector<1x1x16xf32> to vector<16xf32>
      %swap3A_65 = vector.shape_cast %broadcast_in_dim3A_59 : vector<16xf32> to vector<1x1x16xf32>
      tpu.vector_store %arg8[%swap3A_60, %swap3A_61, %swap3A_62], %swap3A_65 {strides = array<i32>} : memref<4x80x128xf32, #tpu.memory_space<vmem>>, vector<1x1x16xf32>,
      %broadcast_in_dim3A_66 = arith.constant 0.000000e+00 : f32
      %broadcast_in_dim3A_67 = vector.broadcast %broadcast_in_dim3A_66 : f32 to vector<16xf32>
      %swap3A_68 = arith.constant 0 : i32
      %swap3A_69 = arith.index_cast %swap3A_68 : i32 to index
      %swap3A_70 = arith.index_cast %scan3A_58 : i32 to index
      %swap3A_71 = arith.constant 16 : index
      %swap3A_72 = tpu.vector_load %arg8[%swap3A_69, %swap3A_70, %swap3A_71] {strides = array<i32>} : memref<4x80x128xf32, #tpu.memory_space<vmem>>, vector<1x1x16xf32>,
      %swap3A_73 = vector.shape_cast %swap3A_72 : vector<1x1x16xf32> to vector<16xf32>
      %swap3A_74 = vector.shape_cast %broadcast_in_dim3A_67 : vector<16xf32> to vector<1x1x16xf32>
      tpu.vector_store %arg8[%swap3A_69, %swap3A_70, %swap3A_71], %swap3A_74 {strides = array<i32>} : memref<4x80x128xf32, #tpu.memory_space<vmem>>, vector<1x1x16xf32>,
      %broadcast_in_dim3A_75 = arith.constant 0.000000e+00 : f32
      %broadcast_in_dim3A_76 = vector.broadcast %broadcast_in_dim3A_75 : f32 to vector<16xf32>
      %swap3A_77 = arith.constant 0 : i32
      %swap3A_78 = arith.index_cast %swap3A_77 : i32 to index
      %swap3A_79 = arith.index_cast %scan3A_58 : i32 to index
      %swap3A_80 = arith.constant 32 : index
      %swap3A_81 = tpu.vector_load %arg8[%swap3A_78, %swap3A_79, %swap3A_80] {strides = array<i32>} : memref<4x80x128xf32, #tpu.memory_space<vmem>>, vector<1x1x16xf32>,
      %swap3A_82 = vector.shape_cast %swap3A_81 : vector<1x1x16xf32> to vector<16xf32>
      %swap3A_83 = vector.shape_cast %broadcast_in_dim3A_76 : vector<16xf32> to vector<1x1x16xf32>
      tpu.vector_store %arg8[%swap3A_78, %swap3A_79, %swap3A_80], %swap3A_83 {strides = array<i32>} : memref<4x80x128xf32, #tpu.memory_space<vmem>>, vector<1x1x16xf32>,
      %broadcast_in_dim3A_84 = arith.constant 0.000000e+00 : f32
      %broadcast_in_dim3A_85 = vector.broadcast %broadcast_in_dim3A_84 : f32 to vector<16xf32>
      %swap3A_86 = arith.constant 0 : i32
      %swap3A_87 = arith.index_cast %swap3A_86 : i32 to index
      %swap3A_88 = arith.index_cast %scan3A_58 : i32 to index
      %swap3A_89 = arith.constant 48 : index
      %swap3A_90 = tpu.vector_load %arg8[%swap3A_87, %swap3A_88, %swap3A_89] {strides = array<i32>} : memref<4x80x128xf32, #tpu.memory_space<vmem>>, vector<1x1x16xf32>,
      %swap3A_91 = vector.shape_cast %swap3A_90 : vector<1x1x16xf32> to vector<16xf32>
      %swap3A_92 = vector.shape_cast %broadcast_in_dim3A_85 : vector<16xf32> to vector<1x1x16xf32>
      tpu.vector_store %arg8[%swap3A_87, %swap3A_88, %swap3A_89], %swap3A_92 {strides = array<i32>} : memref<4x80x128xf32, #tpu.memory_space<vmem>>, vector<1x1x16xf32>,
      %broadcast_in_dim3A_93 = arith.constant 0.000000e+00 : f32
      %broadcast_in_dim3A_94 = vector.broadcast %broadcast_in_dim3A_93 : f32 to vector<16xf32>
      %swap3A_95 = arith.constant 0 : i32
      %swap3A_96 = arith.index_cast %swap3A_95 : i32 to index
      %swap3A_97 = arith.index_cast %scan3A_58 : i32 to index
      %swap3A_98 = arith.constant 64 : index
      %swap3A_99 = tpu.vector_load %arg8[%swap3A_96, %swap3A_97, %swap3A_98] {strides = array<i32>} : memref<4x80x128xf32, #tpu.memory_space<vmem>>, vector<1x1x16xf32>,
      %swap3A_100 = vector.shape_cast %swap3A_99 : vector<1x1x16xf32> to vector<16xf32>
      %swap3A_101 = vector.shape_cast %broadcast_in_dim3A_94 : vector<16xf32> to vector<1x1x16xf32>
      tpu.vector_store %arg8[%swap3A_96, %swap3A_97, %swap3A_98], %swap3A_101 {strides = array<i32>} : memref<4x80x128xf32, #tpu.memory_space<vmem>>, vector<1x1x16xf32>,
      %broadcast_in_dim3A_102 = arith.constant 0.000000e+00 : f32
      %broadcast_in_dim3A_103 = vector.broadcast %broadcast_in_dim3A_102 : f32 to vector<16xf32>
      %swap3A_104 = arith.constant 0 : i32
      %swap3A_105 = arith.index_cast %swap3A_104 : i32 to index
      %swap3A_106 = arith.index_cast %scan3A_58 : i32 to index
      %swap3A_107 = arith.constant 80 : index
      %swap3A_108 = tpu.vector_load %arg8[%swap3A_105, %swap3A_106, %swap3A_107] {strides = array<i32>} : memref<4x80x128xf32, #tpu.memory_space<vmem>>, vector<1x1x16xf32>,
      %swap3A_109 = vector.shape_cast %swap3A_108 : vector<1x1x16xf32> to vector<16xf32>
      %swap3A_110 = vector.shape_cast %broadcast_in_dim3A_103 : vector<16xf32> to vector<1x1x16xf32>
      tpu.vector_store %arg8[%swap3A_105, %swap3A_106, %swap3A_107], %swap3A_110 {strides = array<i32>} : memref<4x80x128xf32, #tpu.memory_space<vmem>>, vector<1x1x16xf32>,
      %broadcast_in_dim3A_111 = arith.constant 0.000000e+00 : f32
      %broadcast_in_dim3A_112 = vector.broadcast %broadcast_in_dim3A_111 : f32 to vector<16xf32>
      %swap3A_113 = arith.constant 0 : i32
      %swap3A_114 = arith.index_cast %swap3A_113 : i32 to index
      %swap3A_115 = arith.index_cast %scan3A_58 : i32 to index
      %swap3A_116 = arith.constant 96 : index
      %swap3A_117 = tpu.vector_load %arg8[%swap3A_114, %swap3A_115, %swap3A_116] {strides = array<i32>} : memref<4x80x128xf32, #tpu.memory_space<vmem>>, vector<1x1x16xf32>,
      %swap3A_118 = vector.shape_cast %swap3A_117 : vector<1x1x16xf32> to vector<16xf32>
      %swap3A_119 = vector.shape_cast %broadcast_in_dim3A_112 : vector<16xf32> to vector<1x1x16xf32>
      tpu.vector_store %arg8[%swap3A_114, %swap3A_115, %swap3A_116], %swap3A_119 {strides = array<i32>} : memref<4x80x128xf32, #tpu.memory_space<vmem>>, vector<1x1x16xf32>,
      %broadcast_in_dim3A_120 = arith.constant 0.000000e+00 : f32
      %broadcast_in_dim3A_121 = vector.broadcast %broadcast_in_dim3A_120 : f32 to vector<16xf32>
      %swap3A_122 = arith.constant 0 : i32
      %swap3A_123 = arith.index_cast %swap3A_122 : i32 to index
      %swap3A_124 = arith.index_cast %scan3A_58 : i32 to index
      %swap3A_125 = arith.constant 112 : index
      %swap3A_126 = tpu.vector_load %arg8[%swap3A_123, %swap3A_124, %swap3A_125] {strides = array<i32>} : memref<4x80x128xf32, #tpu.memory_space<vmem>>, vector<1x1x16xf32>,
      %swap3A_127 = vector.shape_cast %swap3A_126 : vector<1x1x16xf32> to vector<16xf32>
      %swap3A_128 = vector.shape_cast %broadcast_in_dim3A_121 : vector<16xf32> to vector<1x1x16xf32>
      tpu.vector_store %arg8[%swap3A_123, %swap3A_124, %swap3A_125], %swap3A_128 {strides = array<i32>} : memref<4x80x128xf32, #tpu.memory_space<vmem>>, vector<1x1x16xf32>,
    }
    %scan3A_5 = arith.constant 80 : i32
    %mul3A_6 = arith.constant 625 : i32
    %mul3A_7 = arith.muli %arg1, %mul3A_6 : i32
    %add3A_8 = arith.constant 0 : i32
    %add3A_9 = arith.addi %mul3A_7, %add3A_8 : i32
    %run_scoped3A = arith.constant 0 : i32
    "tpu.region"() ({
      %run_scoped3A_58 = tpu.sem_alloc : memref<!tpu.dma_semaphore, #tpu.memory_space<semaphore_mem>>
      %dma_start3A = arith.constant 0 : i32
      %dma_start3A_59 = arith.constant 0 : i32
      %dma_start3A_60 = tpu.memref_slice %arg8[%run_scoped3A, %dma_start3A, %dma_start3A_59] : memref<4x80x128xf32, #tpu.memory_space<vmem>> -> memref<1x80x128xf32, #tpu.memory_space<vmem>>
      %dma_start3A_61 = tpu.memref_squeeze %dma_start3A_60 : memref<1x80x128xf32, #tpu.memory_space<vmem>> -> memref<80x128xf32, #tpu.memory_space<vmem>>
      %dma_start3A_62 = arith.constant 0 : i32
      %dma_start3A_63 = tpu.memref_slice %arg9[%add3A_9, %dma_start3A_62] : memref<10000x128xf32, #tpu.memory_space<vmem_shared>> -> memref<80x128xf32, #tpu.memory_space<vmem_shared>>
      %dma_start3A_64 = arith.constant 0 : i32
      %dma_start3A_65 = tpu.memref_slice %arg9[%add3A_9, %dma_start3A_64] : memref<10000x128xf32, #tpu.memory_space<vmem_shared>> -> memref<80x128xf32, #tpu.memory_space<vmem_shared>>
      %dma_start3A_66 = arith.constant 0 : i32
      %dma_start3A_67 = arith.constant 0 : i32
      %dma_start3A_68 = tpu.memref_slice %arg8[%run_scoped3A, %dma_start3A_66, %dma_start3A_67] : memref<4x80x128xf32, #tpu.memory_space<vmem>> -> memref<1x80x128xf32, #tpu.memory_space<vmem>>
      %dma_start3A_69 = tpu.memref_squeeze %dma_start3A_68 : memref<1x80x128xf32, #tpu.memory_space<vmem>> -> memref<80x128xf32, #tpu.memory_space<vmem>>
      tpu.enqueue_dma source(%dma_start3A_69 : memref<80x128xf32, #tpu.memory_space<vmem>>) target(%dma_start3A_65 : memref<80x128xf32, #tpu.memory_space<vmem_shared>>) target_semaphore(%run_scoped3A_58 : memref<!tpu.dma_semaphore, #tpu.memory_space<semaphore_mem>>)
      %dma_wait3A = arith.constant 0 : i32
      %dma_wait3A_70 = arith.constant 0 : i32
      %dma_wait3A_71 = tpu.memref_slice %arg8[%run_scoped3A, %dma_wait3A, %dma_wait3A_70] : memref<4x80x128xf32, #tpu.memory_space<vmem>> -> memref<1x80x128xf32, #tpu.memory_space<vmem>>
      %dma_wait3A_72 = tpu.memref_squeeze %dma_wait3A_71 : memref<1x80x128xf32, #tpu.memory_space<vmem>> -> memref<80x128xf32, #tpu.memory_space<vmem>>
      %dma_wait3A_73 = arith.constant 0 : i32
      %dma_wait3A_74 = tpu.memref_slice %arg9[%add3A_9, %dma_wait3A_73] : memref<10000x128xf32, #tpu.memory_space<vmem_shared>> -> memref<80x128xf32, #tpu.memory_space<vmem_shared>>
      %dma_wait3A_75 = arith.constant 0 : i32
      %dma_wait3A_76 = tpu.memref_slice %arg9[%add3A_9, %dma_wait3A_75] : memref<10000x128xf32, #tpu.memory_space<vmem_shared>> -> memref<80x128xf32, #tpu.memory_space<vmem_shared>>
      %dma_wait3A_77 = arith.constant 0 : i32
      %dma_wait3A_78 = arith.constant 0 : i32
      %dma_wait3A_79 = tpu.memref_slice %arg8[%run_scoped3A, %dma_wait3A_77, %dma_wait3A_78] : memref<4x80x128xf32, #tpu.memory_space<vmem>> -> memref<1x80x128xf32, #tpu.memory_space<vmem>>
      %dma_wait3A_80 = tpu.memref_squeeze %dma_wait3A_79 : memref<1x80x128xf32, #tpu.memory_space<vmem>> -> memref<80x128xf32, #tpu.memory_space<vmem>>
      tpu.wait_dma2 semaphore(%run_scoped3A_58 : memref<!tpu.dma_semaphore, #tpu.memory_space<semaphore_mem>>) src(%dma_wait3A_80 : memref<80x128xf32, #tpu.memory_space<vmem>>) dst(%dma_wait3A_76 : memref<80x128xf32, #tpu.memory_space<vmem_shared>>)
      tpu.yield
    }) : () -> ()
    %mul3A_10 = arith.constant 625 : i32
    %mul3A_11 = arith.muli %arg1, %mul3A_10 : i32
    %add3A_12 = arith.constant 80 : i32
    %add3A_13 = arith.addi %mul3A_11, %add3A_12 : i32
    %run_scoped3A_14 = arith.constant 0 : i32
    "tpu.region"() ({
      %run_scoped3A_58 = tpu.sem_alloc : memref<!tpu.dma_semaphore, #tpu.memory_space<semaphore_mem>>
      %dma_start3A = arith.constant 0 : i32
      %dma_start3A_59 = arith.constant 0 : i32
      %dma_start3A_60 = tpu.memref_slice %arg8[%run_scoped3A_14, %dma_start3A, %dma_start3A_59] : memref<4x80x128xf32, #tpu.memory_space<vmem>> -> memref<1x80x128xf32, #tpu.memory_space<vmem>>
      %dma_start3A_61 = tpu.memref_squeeze %dma_start3A_60 : memref<1x80x128xf32, #tpu.memory_space<vmem>> -> memref<80x128xf32, #tpu.memory_space<vmem>>
      %dma_start3A_62 = arith.constant 0 : i32
      %dma_start3A_63 = tpu.memref_slice %arg9[%add3A_13, %dma_start3A_62] : memref<10000x128xf32, #tpu.memory_space<vmem_shared>> -> memref<80x128xf32, #tpu.memory_space<vmem_shared>>
      %dma_start3A_64 = arith.constant 0 : i32
      %dma_start3A_65 = tpu.memref_slice %arg9[%add3A_13, %dma_start3A_64] : memref<10000x128xf32, #tpu.memory_space<vmem_shared>> -> memref<80x128xf32, #tpu.memory_space<vmem_shared>>
      %dma_start3A_66 = arith.constant 0 : i32
      %dma_start3A_67 = arith.constant 0 : i32
      %dma_start3A_68 = tpu.memref_slice %arg8[%run_scoped3A_14, %dma_start3A_66, %dma_start3A_67] : memref<4x80x128xf32, #tpu.memory_space<vmem>> -> memref<1x80x128xf32, #tpu.memory_space<vmem>>
      %dma_start3A_69 = tpu.memref_squeeze %dma_start3A_68 : memref<1x80x128xf32, #tpu.memory_space<vmem>> -> memref<80x128xf32, #tpu.memory_space<vmem>>
      tpu.enqueue_dma source(%dma_start3A_69 : memref<80x128xf32, #tpu.memory_space<vmem>>) target(%dma_start3A_65 : memref<80x128xf32, #tpu.memory_space<vmem_shared>>) target_semaphore(%run_scoped3A_58 : memref<!tpu.dma_semaphore, #tpu.memory_space<semaphore_mem>>)
      %dma_wait3A = arith.constant 0 : i32
      %dma_wait3A_70 = arith.constant 0 : i32
      %dma_wait3A_71 = tpu.memref_slice %arg8[%run_scoped3A_14, %dma_wait3A, %dma_wait3A_70] : memref<4x80x128xf32, #tpu.memory_space<vmem>> -> memref<1x80x128xf32, #tpu.memory_space<vmem>>
      %dma_wait3A_72 = tpu.memref_squeeze %dma_wait3A_71 : memref<1x80x128xf32, #tpu.memory_space<vmem>> -> memref<80x128xf32, #tpu.memory_space<vmem>>
      %dma_wait3A_73 = arith.constant 0 : i32
      %dma_wait3A_74 = tpu.memref_slice %arg9[%add3A_13, %dma_wait3A_73] : memref<10000x128xf32, #tpu.memory_space<vmem_shared>> -> memref<80x128xf32, #tpu.memory_space<vmem_shared>>
      %dma_wait3A_75 = arith.constant 0 : i32
      %dma_wait3A_76 = tpu.memref_slice %arg9[%add3A_13, %dma_wait3A_75] : memref<10000x128xf32, #tpu.memory_space<vmem_shared>> -> memref<80x128xf32, #tpu.memory_space<vmem_shared>>
      %dma_wait3A_77 = arith.constant 0 : i32
      %dma_wait3A_78 = arith.constant 0 : i32
      %dma_wait3A_79 = tpu.memref_slice %arg8[%run_scoped3A_14, %dma_wait3A_77, %dma_wait3A_78] : memref<4x80x128xf32, #tpu.memory_space<vmem>> -> memref<1x80x128xf32, #tpu.memory_space<vmem>>
      %dma_wait3A_80 = tpu.memref_squeeze %dma_wait3A_79 : memref<1x80x128xf32, #tpu.memory_space<vmem>> -> memref<80x128xf32, #tpu.memory_space<vmem>>
      tpu.wait_dma2 semaphore(%run_scoped3A_58 : memref<!tpu.dma_semaphore, #tpu.memory_space<semaphore_mem>>) src(%dma_wait3A_80 : memref<80x128xf32, #tpu.memory_space<vmem>>) dst(%dma_wait3A_76 : memref<80x128xf32, #tpu.memory_space<vmem_shared>>)
      tpu.yield
    }) : () -> ()
    %mul3A_15 = arith.constant 625 : i32
    %mul3A_16 = arith.muli %arg1, %mul3A_15 : i32
    %add3A_17 = arith.constant 160 : i32
    %add3A_18 = arith.addi %mul3A_16, %add3A_17 : i32
    %run_scoped3A_19 = arith.constant 0 : i32
    "tpu.region"() ({
      %run_scoped3A_58 = tpu.sem_alloc : memref<!tpu.dma_semaphore, #tpu.memory_space<semaphore_mem>>
      %dma_start3A = arith.constant 0 : i32
      %dma_start3A_59 = arith.constant 0 : i32
      %dma_start3A_60 = tpu.memref_slice %arg8[%run_scoped3A_19, %dma_start3A, %dma_start3A_59] : memref<4x80x128xf32, #tpu.memory_space<vmem>> -> memref<1x80x128xf32, #tpu.memory_space<vmem>>
      %dma_start3A_61 = tpu.memref_squeeze %dma_start3A_60 : memref<1x80x128xf32, #tpu.memory_space<vmem>> -> memref<80x128xf32, #tpu.memory_space<vmem>>
      %dma_start3A_62 = arith.constant 0 : i32
      %dma_start3A_63 = tpu.memref_slice %arg9[%add3A_18, %dma_start3A_62] : memref<10000x128xf32, #tpu.memory_space<vmem_shared>> -> memref<80x128xf32, #tpu.memory_space<vmem_shared>>
      %dma_start3A_64 = arith.constant 0 : i32
      %dma_start3A_65 = tpu.memref_slice %arg9[%add3A_18, %dma_start3A_64] : memref<10000x128xf32, #tpu.memory_space<vmem_shared>> -> memref<80x128xf32, #tpu.memory_space<vmem_shared>>
      %dma_start3A_66 = arith.constant 0 : i32
      %dma_start3A_67 = arith.constant 0 : i32
      %dma_start3A_68 = tpu.memref_slice %arg8[%run_scoped3A_19, %dma_start3A_66, %dma_start3A_67] : memref<4x80x128xf32, #tpu.memory_space<vmem>> -> memref<1x80x128xf32, #tpu.memory_space<vmem>>
      %dma_start3A_69 = tpu.memref_squeeze %dma_start3A_68 : memref<1x80x128xf32, #tpu.memory_space<vmem>> -> memref<80x128xf32, #tpu.memory_space<vmem>>
      tpu.enqueue_dma source(%dma_start3A_69 : memref<80x128xf32, #tpu.memory_space<vmem>>) target(%dma_start3A_65 : memref<80x128xf32, #tpu.memory_space<vmem_shared>>) target_semaphore(%run_scoped3A_58 : memref<!tpu.dma_semaphore, #tpu.memory_space<semaphore_mem>>)
      %dma_wait3A = arith.constant 0 : i32
      %dma_wait3A_70 = arith.constant 0 : i32
      %dma_wait3A_71 = tpu.memref_slice %arg8[%run_scoped3A_19, %dma_wait3A, %dma_wait3A_70] : memref<4x80x128xf32, #tpu.memory_space<vmem>> -> memref<1x80x128xf32, #tpu.memory_space<vmem>>
      %dma_wait3A_72 = tpu.memref_squeeze %dma_wait3A_71 : memref<1x80x128xf32, #tpu.memory_space<vmem>> -> memref<80x128xf32, #tpu.memory_space<vmem>>
      %dma_wait3A_73 = arith.constant 0 : i32
      %dma_wait3A_74 = tpu.memref_slice %arg9[%add3A_18, %dma_wait3A_73] : memref<10000x128xf32, #tpu.memory_space<vmem_shared>> -> memref<80x128xf32, #tpu.memory_space<vmem_shared>>
      %dma_wait3A_75 = arith.constant 0 : i32
      %dma_wait3A_76 = tpu.memref_slice %arg9[%add3A_18, %dma_wait3A_75] : memref<10000x128xf32, #tpu.memory_space<vmem_shared>> -> memref<80x128xf32, #tpu.memory_space<vmem_shared>>
      %dma_wait3A_77 = arith.constant 0 : i32
      %dma_wait3A_78 = arith.constant 0 : i32
      %dma_wait3A_79 = tpu.memref_slice %arg8[%run_scoped3A_19, %dma_wait3A_77, %dma_wait3A_78] : memref<4x80x128xf32, #tpu.memory_space<vmem>> -> memref<1x80x128xf32, #tpu.memory_space<vmem>>
      %dma_wait3A_80 = tpu.memref_squeeze %dma_wait3A_79 : memref<1x80x128xf32, #tpu.memory_space<vmem>> -> memref<80x128xf32, #tpu.memory_space<vmem>>
      tpu.wait_dma2 semaphore(%run_scoped3A_58 : memref<!tpu.dma_semaphore, #tpu.memory_space<semaphore_mem>>) src(%dma_wait3A_80 : memref<80x128xf32, #tpu.memory_space<vmem>>) dst(%dma_wait3A_76 : memref<80x128xf32, #tpu.memory_space<vmem_shared>>)
      tpu.yield
    }) : () -> ()
    %mul3A_20 = arith.constant 625 : i32
    %mul3A_21 = arith.muli %arg1, %mul3A_20 : i32
    %add3A_22 = arith.constant 240 : i32
    %add3A_23 = arith.addi %mul3A_21, %add3A_22 : i32
    %run_scoped3A_24 = arith.constant 0 : i32
    "tpu.region"() ({
      %run_scoped3A_58 = tpu.sem_alloc : memref<!tpu.dma_semaphore, #tpu.memory_space<semaphore_mem>>
      %dma_start3A = arith.constant 0 : i32
      %dma_start3A_59 = arith.constant 0 : i32
      %dma_start3A_60 = tpu.memref_slice %arg8[%run_scoped3A_24, %dma_start3A, %dma_start3A_59] : memref<4x80x128xf32, #tpu.memory_space<vmem>> -> memref<1x80x128xf32, #tpu.memory_space<vmem>>
      %dma_start3A_61 = tpu.memref_squeeze %dma_start3A_60 : memref<1x80x128xf32, #tpu.memory_space<vmem>> -> memref<80x128xf32, #tpu.memory_space<vmem>>
      %dma_start3A_62 = arith.constant 0 : i32
      %dma_start3A_63 = tpu.memref_slice %arg9[%add3A_23, %dma_start3A_62] : memref<10000x128xf32, #tpu.memory_space<vmem_shared>> -> memref<80x128xf32, #tpu.memory_space<vmem_shared>>
      %dma_start3A_64 = arith.constant 0 : i32
      %dma_start3A_65 = tpu.memref_slice %arg9[%add3A_23, %dma_start3A_64] : memref<10000x128xf32, #tpu.memory_space<vmem_shared>> -> memref<80x128xf32, #tpu.memory_space<vmem_shared>>
      %dma_start3A_66 = arith.constant 0 : i32
      %dma_start3A_67 = arith.constant 0 : i32
      %dma_start3A_68 = tpu.memref_slice %arg8[%run_scoped3A_24, %dma_start3A_66, %dma_start3A_67] : memref<4x80x128xf32, #tpu.memory_space<vmem>> -> memref<1x80x128xf32, #tpu.memory_space<vmem>>
      %dma_start3A_69 = tpu.memref_squeeze %dma_start3A_68 : memref<1x80x128xf32, #tpu.memory_space<vmem>> -> memref<80x128xf32, #tpu.memory_space<vmem>>
      tpu.enqueue_dma source(%dma_start3A_69 : memref<80x128xf32, #tpu.memory_space<vmem>>) target(%dma_start3A_65 : memref<80x128xf32, #tpu.memory_space<vmem_shared>>) target_semaphore(%run_scoped3A_58 : memref<!tpu.dma_semaphore, #tpu.memory_space<semaphore_mem>>)
      %dma_wait3A = arith.constant 0 : i32
      %dma_wait3A_70 = arith.constant 0 : i32
      %dma_wait3A_71 = tpu.memref_slice %arg8[%run_scoped3A_24, %dma_wait3A, %dma_wait3A_70] : memref<4x80x128xf32, #tpu.memory_space<vmem>> -> memref<1x80x128xf32, #tpu.memory_space<vmem>>
      %dma_wait3A_72 = tpu.memref_squeeze %dma_wait3A_71 : memref<1x80x128xf32, #tpu.memory_space<vmem>> -> memref<80x128xf32, #tpu.memory_space<vmem>>
      %dma_wait3A_73 = arith.constant 0 : i32
      %dma_wait3A_74 = tpu.memref_slice %arg9[%add3A_23, %dma_wait3A_73] : memref<10000x128xf32, #tpu.memory_space<vmem_shared>> -> memref<80x128xf32, #tpu.memory_space<vmem_shared>>
      %dma_wait3A_75 = arith.constant 0 : i32
      %dma_wait3A_76 = tpu.memref_slice %arg9[%add3A_23, %dma_wait3A_75] : memref<10000x128xf32, #tpu.memory_space<vmem_shared>> -> memref<80x128xf32, #tpu.memory_space<vmem_shared>>
      %dma_wait3A_77 = arith.constant 0 : i32
      %dma_wait3A_78 = arith.constant 0 : i32
      %dma_wait3A_79 = tpu.memref_slice %arg8[%run_scoped3A_24, %dma_wait3A_77, %dma_wait3A_78] : memref<4x80x128xf32, #tpu.memory_space<vmem>> -> memref<1x80x128xf32, #tpu.memory_space<vmem>>
      %dma_wait3A_80 = tpu.memref_squeeze %dma_wait3A_79 : memref<1x80x128xf32, #tpu.memory_space<vmem>> -> memref<80x128xf32, #tpu.memory_space<vmem>>
      tpu.wait_dma2 semaphore(%run_scoped3A_58 : memref<!tpu.dma_semaphore, #tpu.memory_space<semaphore_mem>>) src(%dma_wait3A_80 : memref<80x128xf32, #tpu.memory_space<vmem>>) dst(%dma_wait3A_76 : memref<80x128xf32, #tpu.memory_space<vmem_shared>>)
      tpu.yield
    }) : () -> ()
    %mul3A_25 = arith.constant 625 : i32
    %mul3A_26 = arith.muli %arg1, %mul3A_25 : i32
    %add3A_27 = arith.constant 320 : i32
    %add3A_28 = arith.addi %mul3A_26, %add3A_27 : i32
    %run_scoped3A_29 = arith.constant 0 : i32
    "tpu.region"() ({
      %run_scoped3A_58 = tpu.sem_alloc : memref<!tpu.dma_semaphore, #tpu.memory_space<semaphore_mem>>
      %dma_start3A = arith.constant 0 : i32
      %dma_start3A_59 = arith.constant 0 : i32
      %dma_start3A_60 = tpu.memref_slice %arg8[%run_scoped3A_29, %dma_start3A, %dma_start3A_59] : memref<4x80x128xf32, #tpu.memory_space<vmem>> -> memref<1x80x128xf32, #tpu.memory_space<vmem>>
      %dma_start3A_61 = tpu.memref_squeeze %dma_start3A_60 : memref<1x80x128xf32, #tpu.memory_space<vmem>> -> memref<80x128xf32, #tpu.memory_space<vmem>>
      %dma_start3A_62 = arith.constant 0 : i32
      %dma_start3A_63 = tpu.memref_slice %arg9[%add3A_28, %dma_start3A_62] : memref<10000x128xf32, #tpu.memory_space<vmem_shared>> -> memref<80x128xf32, #tpu.memory_space<vmem_shared>>
      %dma_start3A_64 = arith.constant 0 : i32
      %dma_start3A_65 = tpu.memref_slice %arg9[%add3A_28, %dma_start3A_64] : memref<10000x128xf32, #tpu.memory_space<vmem_shared>> -> memref<80x128xf32, #tpu.memory_space<vmem_shared>>
      %dma_start3A_66 = arith.constant 0 : i32
      %dma_start3A_67 = arith.constant 0 : i32
      %dma_start3A_68 = tpu.memref_slice %arg8[%run_scoped3A_29, %dma_start3A_66, %dma_start3A_67] : memref<4x80x128xf32, #tpu.memory_space<vmem>> -> memref<1x80x128xf32, #tpu.memory_space<vmem>>
      %dma_start3A_69 = tpu.memref_squeeze %dma_start3A_68 : memref<1x80x128xf32, #tpu.memory_space<vmem>> -> memref<80x128xf32, #tpu.memory_space<vmem>>
      tpu.enqueue_dma source(%dma_start3A_69 : memref<80x128xf32, #tpu.memory_space<vmem>>) target(%dma_start3A_65 : memref<80x128xf32, #tpu.memory_space<vmem_shared>>) target_semaphore(%run_scoped3A_58 : memref<!tpu.dma_semaphore, #tpu.memory_space<semaphore_mem>>)
      %dma_wait3A = arith.constant 0 : i32
      %dma_wait3A_70 = arith.constant 0 : i32
      %dma_wait3A_71 = tpu.memref_slice %arg8[%run_scoped3A_29, %dma_wait3A, %dma_wait3A_70] : memref<4x80x128xf32, #tpu.memory_space<vmem>> -> memref<1x80x128xf32, #tpu.memory_space<vmem>>
      %dma_wait3A_72 = tpu.memref_squeeze %dma_wait3A_71 : memref<1x80x128xf32, #tpu.memory_space<vmem>> -> memref<80x128xf32, #tpu.memory_space<vmem>>
      %dma_wait3A_73 = arith.constant 0 : i32
      %dma_wait3A_74 = tpu.memref_slice %arg9[%add3A_28, %dma_wait3A_73] : memref<10000x128xf32, #tpu.memory_space<vmem_shared>> -> memref<80x128xf32, #tpu.memory_space<vmem_shared>>
      %dma_wait3A_75 = arith.constant 0 : i32
      %dma_wait3A_76 = tpu.memref_slice %arg9[%add3A_28, %dma_wait3A_75] : memref<10000x128xf32, #tpu.memory_space<vmem_shared>> -> memref<80x128xf32, #tpu.memory_space<vmem_shared>>
      %dma_wait3A_77 = arith.constant 0 : i32
      %dma_wait3A_78 = arith.constant 0 : i32
      %dma_wait3A_79 = tpu.memref_slice %arg8[%run_scoped3A_29, %dma_wait3A_77, %dma_wait3A_78] : memref<4x80x128xf32, #tpu.memory_space<vmem>> -> memref<1x80x128xf32, #tpu.memory_space<vmem>>
      %dma_wait3A_80 = tpu.memref_squeeze %dma_wait3A_79 : memref<1x80x128xf32, #tpu.memory_space<vmem>> -> memref<80x128xf32, #tpu.memory_space<vmem>>
      tpu.wait_dma2 semaphore(%run_scoped3A_58 : memref<!tpu.dma_semaphore, #tpu.memory_space<semaphore_mem>>) src(%dma_wait3A_80 : memref<80x128xf32, #tpu.memory_space<vmem>>) dst(%dma_wait3A_76 : memref<80x128xf32, #tpu.memory_space<vmem_shared>>)
      tpu.yield
    }) : () -> ()
    %mul3A_30 = arith.constant 625 : i32
    %mul3A_31 = arith.muli %arg1, %mul3A_30 : i32
    %add3A_32 = arith.constant 400 : i32
    %add3A_33 = arith.addi %mul3A_31, %add3A_32 : i32
    %run_scoped3A_34 = arith.constant 0 : i32
    "tpu.region"() ({
      %run_scoped3A_58 = tpu.sem_alloc : memref<!tpu.dma_semaphore, #tpu.memory_space<semaphore_mem>>
      %dma_start3A = arith.constant 0 : i32
      %dma_start3A_59 = arith.constant 0 : i32
      %dma_start3A_60 = tpu.memref_slice %arg8[%run_scoped3A_34, %dma_start3A, %dma_start3A_59] : memref<4x80x128xf32, #tpu.memory_space<vmem>> -> memref<1x80x128xf32, #tpu.memory_space<vmem>>
      %dma_start3A_61 = tpu.memref_squeeze %dma_start3A_60 : memref<1x80x128xf32, #tpu.memory_space<vmem>> -> memref<80x128xf32, #tpu.memory_space<vmem>>
      %dma_start3A_62 = arith.constant 0 : i32
      %dma_start3A_63 = tpu.memref_slice %arg9[%add3A_33, %dma_start3A_62] : memref<10000x128xf32, #tpu.memory_space<vmem_shared>> -> memref<80x128xf32, #tpu.memory_space<vmem_shared>>
      %dma_start3A_64 = arith.constant 0 : i32
      %dma_start3A_65 = tpu.memref_slice %arg9[%add3A_33, %dma_start3A_64] : memref<10000x128xf32, #tpu.memory_space<vmem_shared>> -> memref<80x128xf32, #tpu.memory_space<vmem_shared>>
      %dma_start3A_66 = arith.constant 0 : i32
      %dma_start3A_67 = arith.constant 0 : i32
      %dma_start3A_68 = tpu.memref_slice %arg8[%run_scoped3A_34, %dma_start3A_66, %dma_start3A_67] : memref<4x80x128xf32, #tpu.memory_space<vmem>> -> memref<1x80x128xf32, #tpu.memory_space<vmem>>
      %dma_start3A_69 = tpu.memref_squeeze %dma_start3A_68 : memref<1x80x128xf32, #tpu.memory_space<vmem>> -> memref<80x128xf32, #tpu.memory_space<vmem>>
      tpu.enqueue_dma source(%dma_start3A_69 : memref<80x128xf32, #tpu.memory_space<vmem>>) target(%dma_start3A_65 : memref<80x128xf32, #tpu.memory_space<vmem_shared>>) target_semaphore(%run_scoped3A_58 : memref<!tpu.dma_semaphore, #tpu.memory_space<semaphore_mem>>)
      %dma_wait3A = arith.constant 0 : i32
      %dma_wait3A_70 = arith.constant 0 : i32
      %dma_wait3A_71 = tpu.memref_slice %arg8[%run_scoped3A_34, %dma_wait3A, %dma_wait3A_70] : memref<4x80x128xf32, #tpu.memory_space<vmem>> -> memref<1x80x128xf32, #tpu.memory_space<vmem>>
      %dma_wait3A_72 = tpu.memref_squeeze %dma_wait3A_71 : memref<1x80x128xf32, #tpu.memory_space<vmem>> -> memref<80x128xf32, #tpu.memory_space<vmem>>
      %dma_wait3A_73 = arith.constant 0 : i32
      %dma_wait3A_74 = tpu.memref_slice %arg9[%add3A_33, %dma_wait3A_73] : memref<10000x128xf32, #tpu.memory_space<vmem_shared>> -> memref<80x128xf32, #tpu.memory_space<vmem_shared>>
      %dma_wait3A_75 = arith.constant 0 : i32
      %dma_wait3A_76 = tpu.memref_slice %arg9[%add3A_33, %dma_wait3A_75] : memref<10000x128xf32, #tpu.memory_space<vmem_shared>> -> memref<80x128xf32, #tpu.memory_space<vmem_shared>>
      %dma_wait3A_77 = arith.constant 0 : i32
      %dma_wait3A_78 = arith.constant 0 : i32
      %dma_wait3A_79 = tpu.memref_slice %arg8[%run_scoped3A_34, %dma_wait3A_77, %dma_wait3A_78] : memref<4x80x128xf32, #tpu.memory_space<vmem>> -> memref<1x80x128xf32, #tpu.memory_space<vmem>>
      %dma_wait3A_80 = tpu.memref_squeeze %dma_wait3A_79 : memref<1x80x128xf32, #tpu.memory_space<vmem>> -> memref<80x128xf32, #tpu.memory_space<vmem>>
      tpu.wait_dma2 semaphore(%run_scoped3A_58 : memref<!tpu.dma_semaphore, #tpu.memory_space<semaphore_mem>>) src(%dma_wait3A_80 : memref<80x128xf32, #tpu.memory_space<vmem>>) dst(%dma_wait3A_76 : memref<80x128xf32, #tpu.memory_space<vmem_shared>>)
      tpu.yield
    }) : () -> ()
    %mul3A_35 = arith.constant 625 : i32
    %mul3A_36 = arith.muli %arg1, %mul3A_35 : i32
    %add3A_37 = arith.constant 480 : i32
    %add3A_38 = arith.addi %mul3A_36, %add3A_37 : i32
    %run_scoped3A_39 = arith.constant 0 : i32
    "tpu.region"() ({
      %run_scoped3A_58 = tpu.sem_alloc : memref<!tpu.dma_semaphore, #tpu.memory_space<semaphore_mem>>
      %dma_start3A = arith.constant 0 : i32
      %dma_start3A_59 = arith.constant 0 : i32
      %dma_start3A_60 = tpu.memref_slice %arg8[%run_scoped3A_39, %dma_start3A, %dma_start3A_59] : memref<4x80x128xf32, #tpu.memory_space<vmem>> -> memref<1x80x128xf32, #tpu.memory_space<vmem>>
      %dma_start3A_61 = tpu.memref_squeeze %dma_start3A_60 : memref<1x80x128xf32, #tpu.memory_space<vmem>> -> memref<80x128xf32, #tpu.memory_space<vmem>>
      %dma_start3A_62 = arith.constant 0 : i32
      %dma_start3A_63 = tpu.memref_slice %arg9[%add3A_38, %dma_start3A_62] : memref<10000x128xf32, #tpu.memory_space<vmem_shared>> -> memref<80x128xf32, #tpu.memory_space<vmem_shared>>
      %dma_start3A_64 = arith.constant 0 : i32
      %dma_start3A_65 = tpu.memref_slice %arg9[%add3A_38, %dma_start3A_64] : memref<10000x128xf32, #tpu.memory_space<vmem_shared>> -> memref<80x128xf32, #tpu.memory_space<vmem_shared>>
      %dma_start3A_66 = arith.constant 0 : i32
      %dma_start3A_67 = arith.constant 0 : i32
      %dma_start3A_68 = tpu.memref_slice %arg8[%run_scoped3A_39, %dma_start3A_66, %dma_start3A_67] : memref<4x80x128xf32, #tpu.memory_space<vmem>> -> memref<1x80x128xf32, #tpu.memory_space<vmem>>
      %dma_start3A_69 = tpu.memref_squeeze %dma_start3A_68 : memref<1x80x128xf32, #tpu.memory_space<vmem>> -> memref<80x128xf32, #tpu.memory_space<vmem>>
      tpu.enqueue_dma source(%dma_start3A_69 : memref<80x128xf32, #tpu.memory_space<vmem>>) target(%dma_start3A_65 : memref<80x128xf32, #tpu.memory_space<vmem_shared>>) target_semaphore(%run_scoped3A_58 : memref<!tpu.dma_semaphore, #tpu.memory_space<semaphore_mem>>)
      %dma_wait3A = arith.constant 0 : i32
      %dma_wait3A_70 = arith.constant 0 : i32
      %dma_wait3A_71 = tpu.memref_slice %arg8[%run_scoped3A_39, %dma_wait3A, %dma_wait3A_70] : memref<4x80x128xf32, #tpu.memory_space<vmem>> -> memref<1x80x128xf32, #tpu.memory_space<vmem>>
      %dma_wait3A_72 = tpu.memref_squeeze %dma_wait3A_71 : memref<1x80x128xf32, #tpu.memory_space<vmem>> -> memref<80x128xf32, #tpu.memory_space<vmem>>
      %dma_wait3A_73 = arith.constant 0 : i32
      %dma_wait3A_74 = tpu.memref_slice %arg9[%add3A_38, %dma_wait3A_73] : memref<10000x128xf32, #tpu.memory_space<vmem_shared>> -> memref<80x128xf32, #tpu.memory_space<vmem_shared>>
      %dma_wait3A_75 = arith.constant 0 : i32
      %dma_wait3A_76 = tpu.memref_slice %arg9[%add3A_38, %dma_wait3A_75] : memref<10000x128xf32, #tpu.memory_space<vmem_shared>> -> memref<80x128xf32, #tpu.memory_space<vmem_shared>>
      %dma_wait3A_77 = arith.constant 0 : i32
      %dma_wait3A_78 = arith.constant 0 : i32
      %dma_wait3A_79 = tpu.memref_slice %arg8[%run_scoped3A_39, %dma_wait3A_77, %dma_wait3A_78] : memref<4x80x128xf32, #tpu.memory_space<vmem>> -> memref<1x80x128xf32, #tpu.memory_space<vmem>>
      %dma_wait3A_80 = tpu.memref_squeeze %dma_wait3A_79 : memref<1x80x128xf32, #tpu.memory_space<vmem>> -> memref<80x128xf32, #tpu.memory_space<vmem>>
      tpu.wait_dma2 semaphore(%run_scoped3A_58 : memref<!tpu.dma_semaphore, #tpu.memory_space<semaphore_mem>>) src(%dma_wait3A_80 : memref<80x128xf32, #tpu.memory_space<vmem>>) dst(%dma_wait3A_76 : memref<80x128xf32, #tpu.memory_space<vmem_shared>>)
      tpu.yield
    }) : () -> ()
    %mul3A_40 = arith.constant 625 : i32
    %mul3A_41 = arith.muli %arg1, %mul3A_40 : i32
    %add3A_42 = arith.constant 560 : i32
    %add3A_43 = arith.addi %mul3A_41, %add3A_42 : i32
    %run_scoped3A_44 = arith.constant 0 : i32
    "tpu.region"() ({
      %run_scoped3A_58 = tpu.sem_alloc : memref<!tpu.dma_semaphore, #tpu.memory_space<semaphore_mem>>
      %dma_start3A = arith.constant 0 : i32
      %dma_start3A_59 = arith.constant 0 : i32
      %dma_start3A_60 = tpu.memref_slice %arg8[%run_scoped3A_44, %dma_start3A, %dma_start3A_59] : memref<4x80x128xf32, #tpu.memory_space<vmem>> -> memref<1x65x128xf32, #tpu.memory_space<vmem>>
      %dma_start3A_61 = tpu.memref_squeeze %dma_start3A_60 : memref<1x65x128xf32, #tpu.memory_space<vmem>> -> memref<65x128xf32, #tpu.memory_space<vmem>>
      %dma_start3A_62 = arith.constant 0 : i32
      %dma_start3A_63 = tpu.memref_slice %arg9[%add3A_43, %dma_start3A_62] : memref<10000x128xf32, #tpu.memory_space<vmem_shared>> -> memref<65x128xf32, #tpu.memory_space<vmem_shared>>
      %dma_start3A_64 = arith.constant 0 : i32
      %dma_start3A_65 = tpu.memref_slice %arg9[%add3A_43, %dma_start3A_64] : memref<10000x128xf32, #tpu.memory_space<vmem_shared>> -> memref<65x128xf32, #tpu.memory_space<vmem_shared>>
      %dma_start3A_66 = arith.constant 0 : i32
      %dma_start3A_67 = arith.constant 0 : i32
      %dma_start3A_68 = tpu.memref_slice %arg8[%run_scoped3A_44, %dma_start3A_66, %dma_start3A_67] : memref<4x80x128xf32, #tpu.memory_space<vmem>> -> memref<1x65x128xf32, #tpu.memory_space<vmem>>
      %dma_start3A_69 = tpu.memref_squeeze %dma_start3A_68 : memref<1x65x128xf32, #tpu.memory_space<vmem>> -> memref<65x128xf32, #tpu.memory_space<vmem>>
      tpu.enqueue_dma source(%dma_start3A_69 : memref<65x128xf32, #tpu.memory_space<vmem>>) target(%dma_start3A_65 : memref<65x128xf32, #tpu.memory_space<vmem_shared>>) target_semaphore(%run_scoped3A_58 : memref<!tpu.dma_semaphore, #tpu.memory_space<semaphore_mem>>)
      %dma_wait3A = arith.constant 0 : i32
      %dma_wait3A_70 = arith.constant 0 : i32
      %dma_wait3A_71 = tpu.memref_slice %arg8[%run_scoped3A_44, %dma_wait3A, %dma_wait3A_70] : memref<4x80x128xf32, #tpu.memory_space<vmem>> -> memref<1x65x128xf32, #tpu.memory_space<vmem>>
      %dma_wait3A_72 = tpu.memref_squeeze %dma_wait3A_71 : memref<1x65x128xf32, #tpu.memory_space<vmem>> -> memref<65x128xf32, #tpu.memory_space<vmem>>
      %dma_wait3A_73 = arith.constant 0 : i32
      %dma_wait3A_74 = tpu.memref_slice %arg9[%add3A_43, %dma_wait3A_73] : memref<10000x128xf32, #tpu.memory_space<vmem_shared>> -> memref<65x128xf32, #tpu.memory_space<vmem_shared>>
      %dma_wait3A_75 = arith.constant 0 : i32
      %dma_wait3A_76 = tpu.memref_slice %arg9[%add3A_43, %dma_wait3A_75] : memref<10000x128xf32, #tpu.memory_space<vmem_shared>> -> memref<65x128xf32, #tpu.memory_space<vmem_shared>>
      %dma_wait3A_77 = arith.constant 0 : i32
      %dma_wait3A_78 = arith.constant 0 : i32
      %dma_wait3A_79 = tpu.memref_slice %arg8[%run_scoped3A_44, %dma_wait3A_77, %dma_wait3A_78] : memref<4x80x128xf32, #tpu.memory_space<vmem>> -> memref<1x65x128xf32, #tpu.memory_space<vmem>>
      %dma_wait3A_80 = tpu.memref_squeeze %dma_wait3A_79 : memref<1x65x128xf32, #tpu.memory_space<vmem>> -> memref<65x128xf32, #tpu.memory_space<vmem>>
      tpu.wait_dma2 semaphore(%run_scoped3A_58 : memref<!tpu.dma_semaphore, #tpu.memory_space<semaphore_mem>>) src(%dma_wait3A_80 : memref<65x128xf32, #tpu.memory_space<vmem>>) dst(%dma_wait3A_76 : memref<65x128xf32, #tpu.memory_space<vmem_shared>>)
      tpu.yield
    }) : () -> ()
    %barrier3A = arith.constant 0 : index
    tpu.barrier barrier_id(%barrier3A)
    %scan3A_45 = arith.constant 0 : i32
    %scan3A_46 = arith.constant 0 : i32
    %scan3A_47 = arith.constant 5 : i32
    %scan3A_48 = arith.addi %scan3A_46, %scan3A_47 : i32
    %scan3A_49 = arith.constant 1 : i32
    scf.for %scan3A_58 = %scan3A_46 to %scan3A_48 step %scan3A_49  : i32 {
      "tpu.region"() ({
        %run_scoped3A_168 = tpu.sem_alloc : memref<!tpu.dma_semaphore, #tpu.memory_space<semaphore_mem>>
        %dma_start3A_169 = arith.constant 0 : i32
        %dma_start3A_170 = arith.constant 0 : i32
        %dma_start3A_171 = tpu.memref_slice %arg3[%add3A, %scan3A_58, %dma_start3A_169, %dma_start3A_170] : memref<32x5x25x80xi32, #tpu.memory_space<hbm>> -> memref<1x1x25x80xi32, #tpu.memory_space<hbm>>
        %dma_start3A_172 = tpu.memref_squeeze %dma_start3A_171 : memref<1x1x25x80xi32, #tpu.memory_space<hbm>> -> memref<25x80xi32, #tpu.memory_space<hbm>>
        %dma_start3A_173 = arith.constant 0 : i32
        %dma_start3A_174 = arith.constant 0 : i32
        %dma_start3A_175 = tpu.memref_slice %arg3[%add3A, %scan3A_58, %dma_start3A_173, %dma_start3A_174] : memref<32x5x25x80xi32, #tpu.memory_space<hbm>> -> memref<1x1x25x80xi32, #tpu.memory_space<hbm>>
        %dma_start3A_176 = tpu.memref_squeeze %dma_start3A_175 : memref<1x1x25x80xi32, #tpu.memory_space<hbm>> -> memref<25x80xi32, #tpu.memory_space<hbm>>
        tpu.enqueue_dma source(%dma_start3A_176 : memref<25x80xi32, #tpu.memory_space<hbm>>) target(%arg6 : memref<25x80xi32, #tpu.memory_space<vmem>>) target_semaphore(%run_scoped3A_168 : memref<!tpu.dma_semaphore, #tpu.memory_space<semaphore_mem>>)
        %dma_wait3A_177 = arith.constant 0 : i32
        %dma_wait3A_178 = arith.constant 0 : i32
        %dma_wait3A_179 = tpu.memref_slice %arg3[%add3A, %scan3A_58, %dma_wait3A_177, %dma_wait3A_178] : memref<32x5x25x80xi32, #tpu.memory_space<hbm>> -> memref<1x1x25x80xi32, #tpu.memory_space<hbm>>
        %dma_wait3A_180 = tpu.memref_squeeze %dma_wait3A_179 : memref<1x1x25x80xi32, #tpu.memory_space<hbm>> -> memref<25x80xi32, #tpu.memory_space<hbm>>
        %dma_wait3A_181 = arith.constant 0 : i32
        %dma_wait3A_182 = arith.constant 0 : i32
        %dma_wait3A_183 = tpu.memref_slice %arg3[%add3A, %scan3A_58, %dma_wait3A_181, %dma_wait3A_182] : memref<32x5x25x80xi32, #tpu.memory_space<hbm>> -> memref<1x1x25x80xi32, #tpu.memory_space<hbm>>
        %dma_wait3A_184 = tpu.memref_squeeze %dma_wait3A_183 : memref<1x1x25x80xi32, #tpu.memory_space<hbm>> -> memref<25x80xi32, #tpu.memory_space<hbm>>
        tpu.wait_dma2 semaphore(%run_scoped3A_168 : memref<!tpu.dma_semaphore, #tpu.memory_space<semaphore_mem>>) src(%dma_wait3A_184 : memref<25x80xi32, #tpu.memory_space<hbm>>) dst(%arg6 : memref<25x80xi32, #tpu.memory_space<vmem>>)
        tpu.yield
      }) : () -> ()
      "tpu.region"() ({
        %run_scoped3A_168 = tpu.sem_alloc : memref<!tpu.dma_semaphore, #tpu.memory_space<semaphore_mem>>
        %dma_start3A_169 = arith.constant 0 : i32
        %dma_start3A_170 = arith.constant 0 : i32
        %dma_start3A_171 = tpu.memref_slice %arg4[%add3A, %scan3A_58, %dma_start3A_169, %dma_start3A_170] : memref<32x5x25x80xi32, #tpu.memory_space<hbm>> -> memref<1x1x25x80xi32, #tpu.memory_space<hbm>>
        %dma_start3A_172 = tpu.memref_squeeze %dma_start3A_171 : memref<1x1x25x80xi32, #tpu.memory_space<hbm>> -> memref<25x80xi32, #tpu.memory_space<hbm>>
        %dma_start3A_173 = arith.constant 0 : i32
        %dma_start3A_174 = arith.constant 0 : i32
        %dma_start3A_175 = tpu.memref_slice %arg4[%add3A, %scan3A_58, %dma_start3A_173, %dma_start3A_174] : memref<32x5x25x80xi32, #tpu.memory_space<hbm>> -> memref<1x1x25x80xi32, #tpu.memory_space<hbm>>
        %dma_start3A_176 = tpu.memref_squeeze %dma_start3A_175 : memref<1x1x25x80xi32, #tpu.memory_space<hbm>> -> memref<25x80xi32, #tpu.memory_space<hbm>>
        tpu.enqueue_dma source(%dma_start3A_176 : memref<25x80xi32, #tpu.memory_space<hbm>>) target(%arg7 : memref<25x80xi32, #tpu.memory_space<vmem>>) target_semaphore(%run_scoped3A_168 : memref<!tpu.dma_semaphore, #tpu.memory_space<semaphore_mem>>)
        %dma_wait3A_177 = arith.constant 0 : i32
        %dma_wait3A_178 = arith.constant 0 : i32
        %dma_wait3A_179 = tpu.memref_slice %arg4[%add3A, %scan3A_58, %dma_wait3A_177, %dma_wait3A_178] : memref<32x5x25x80xi32, #tpu.memory_space<hbm>> -> memref<1x1x25x80xi32, #tpu.memory_space<hbm>>
        %dma_wait3A_180 = tpu.memref_squeeze %dma_wait3A_179 : memref<1x1x25x80xi32, #tpu.memory_space<hbm>> -> memref<25x80xi32, #tpu.memory_space<hbm>>
        %dma_wait3A_181 = arith.constant 0 : i32
        %dma_wait3A_182 = arith.constant 0 : i32
        %dma_wait3A_183 = tpu.memref_slice %arg4[%add3A, %scan3A_58, %dma_wait3A_181, %dma_wait3A_182] : memref<32x5x25x80xi32, #tpu.memory_space<hbm>> -> memref<1x1x25x80xi32, #tpu.memory_space<hbm>>
        %dma_wait3A_184 = tpu.memref_squeeze %dma_wait3A_183 : memref<1x1x25x80xi32, #tpu.memory_space<hbm>> -> memref<25x80xi32, #tpu.memory_space<hbm>>
        tpu.wait_dma2 semaphore(%run_scoped3A_168 : memref<!tpu.dma_semaphore, #tpu.memory_space<semaphore_mem>>) src(%dma_wait3A_184 : memref<25x80xi32, #tpu.memory_space<hbm>>) dst(%arg7 : memref<25x80xi32, #tpu.memory_space<vmem>>)
        tpu.yield
      }) : () -> ()
      %dma_start3A = arith.constant 0 : i32
      %dma_start3A_59 = arith.constant 0 : i32
      %dma_start3A_60 = arith.constant 0 : i32
      %dma_start3A_61 = arith.constant 0 : i32
      %dma_start3A_62 = arith.constant 0 : i32
      %dma_start3A_63 = tpu.memref_slice %arg8[%dma_start3A_59, %dma_start3A_61, %dma_start3A_62] : memref<4x80x128xf32, #tpu.memory_space<vmem>> -> memref<1x80x128xf32, #tpu.memory_space<vmem>>
      %dma_start3A_64 = tpu.memref_squeeze %dma_start3A_63 : memref<1x80x128xf32, #tpu.memory_space<vmem>> -> memref<80x128xf32, #tpu.memory_space<vmem>>
      %dma_start3A_65 = arith.constant 0 : i32
      %dma_start3A_66 = tpu.memref_slice %arg6[%dma_start3A, %dma_start3A_65] : memref<25x80xi32, #tpu.memory_space<vmem>> -> memref<1x80xi32, #tpu.memory_space<vmem>>
      %dma_start3A_67 = tpu.memref_squeeze %dma_start3A_66 : memref<1x80xi32, #tpu.memory_space<vmem>> -> memref<80xi32, #tpu.memory_space<vmem>>
      %dma_start3A_68 = arith.constant 0 : i32
      %dma_start3A_69 = arith.constant 0 : i32
      %dma_start3A_70 = tpu.memref_slice %arg2[%dma_start3A_68, %dma_start3A_69] : memref<10000x128xf32, #tpu.memory_space<hbm>> -> memref<10000x128xf32, #tpu.memory_space<hbm>>
      %dma_start3A_71 = tpu.memref_slice %arg10[%dma_start3A_60] : memref<4x!tpu.dma_semaphore, #tpu.memory_space<semaphore_mem>> -> memref<1x!tpu.dma_semaphore, #tpu.memory_space<semaphore_mem>>
      %dma_start3A_72 = tpu.memref_squeeze %dma_start3A_71 : memref<1x!tpu.dma_semaphore, #tpu.memory_space<semaphore_mem>> -> memref<!tpu.dma_semaphore, #tpu.memory_space<semaphore_mem>>
      tpu.enqueue_indirect_dma source(%dma_start3A_70 : memref<10000x128xf32, #tpu.memory_space<hbm>>) target(%dma_start3A_64 : memref<80x128xf32, #tpu.memory_space<vmem>>) offsets(%dma_start3A_67 : memref<80xi32, #tpu.memory_space<vmem>>) semaphore(%dma_start3A_72 : memref<!tpu.dma_semaphore, #tpu.memory_space<semaphore_mem>>)
      %dma_start3A_73 = arith.constant 1 : i32
      %dma_start3A_74 = arith.constant 1 : i32
      %dma_start3A_75 = arith.constant 1 : i32
      %dma_start3A_76 = arith.constant 0 : i32
      %dma_start3A_77 = arith.constant 0 : i32
      %dma_start3A_78 = tpu.memref_slice %arg8[%dma_start3A_74, %dma_start3A_76, %dma_start3A_77] : memref<4x80x128xf32, #tpu.memory_space<vmem>> -> memref<1x80x128xf32, #tpu.memory_space<vmem>>
      %dma_start3A_79 = tpu.memref_squeeze %dma_start3A_78 : memref<1x80x128xf32, #tpu.memory_space<vmem>> -> memref<80x128xf32, #tpu.memory_space<vmem>>
      %dma_start3A_80 = arith.constant 0 : i32
      %dma_start3A_81 = tpu.memref_slice %arg6[%dma_start3A_73, %dma_start3A_80] : memref<25x80xi32, #tpu.memory_space<vmem>> -> memref<1x80xi32, #tpu.memory_space<vmem>>
      %dma_start3A_82 = tpu.memref_squeeze %dma_start3A_81 : memref<1x80xi32, #tpu.memory_space<vmem>> -> memref<80xi32, #tpu.memory_space<vmem>>
      %dma_start3A_83 = arith.constant 0 : i32
      %dma_start3A_84 = arith.constant 0 : i32
      %dma_start3A_85 = tpu.memref_slice %arg2[%dma_start3A_83, %dma_start3A_84] : memref<10000x128xf32, #tpu.memory_space<hbm>> -> memref<10000x128xf32, #tpu.memory_space<hbm>>
      %dma_start3A_86 = tpu.memref_slice %arg10[%dma_start3A_75] : memref<4x!tpu.dma_semaphore, #tpu.memory_space<semaphore_mem>> -> memref<1x!tpu.dma_semaphore, #tpu.memory_space<semaphore_mem>>
      %dma_start3A_87 = tpu.memref_squeeze %dma_start3A_86 : memref<1x!tpu.dma_semaphore, #tpu.memory_space<semaphore_mem>> -> memref<!tpu.dma_semaphore, #tpu.memory_space<semaphore_mem>>
      tpu.enqueue_indirect_dma source(%dma_start3A_85 : memref<10000x128xf32, #tpu.memory_space<hbm>>) target(%dma_start3A_79 : memref<80x128xf32, #tpu.memory_space<vmem>>) offsets(%dma_start3A_82 : memref<80xi32, #tpu.memory_space<vmem>>) semaphore(%dma_start3A_87 : memref<!tpu.dma_semaphore, #tpu.memory_space<semaphore_mem>>)
      %dma_start3A_88 = arith.constant 2 : i32
      %dma_start3A_89 = arith.constant 2 : i32
      %dma_start3A_90 = arith.constant 2 : i32
      %dma_start3A_91 = arith.constant 0 : i32
      %dma_start3A_92 = arith.constant 0 : i32
      %dma_start3A_93 = tpu.memref_slice %arg8[%dma_start3A_89, %dma_start3A_91, %dma_start3A_92] : memref<4x80x128xf32, #tpu.memory_space<vmem>> -> memref<1x80x128xf32, #tpu.memory_space<vmem>>
      %dma_start3A_94 = tpu.memref_squeeze %dma_start3A_93 : memref<1x80x128xf32, #tpu.memory_space<vmem>> -> memref<80x128xf32, #tpu.memory_space<vmem>>
      %dma_start3A_95 = arith.constant 0 : i32
      %dma_start3A_96 = tpu.memref_slice %arg6[%dma_start3A_88, %dma_start3A_95] : memref<25x80xi32, #tpu.memory_space<vmem>> -> memref<1x80xi32, #tpu.memory_space<vmem>>
      %dma_start3A_97 = tpu.memref_squeeze %dma_start3A_96 : memref<1x80xi32, #tpu.memory_space<vmem>> -> memref<80xi32, #tpu.memory_space<vmem>>
      %dma_start3A_98 = arith.constant 0 : i32
      %dma_start3A_99 = arith.constant 0 : i32
      %dma_start3A_100 = tpu.memref_slice %arg2[%dma_start3A_98, %dma_start3A_99] : memref<10000x128xf32, #tpu.memory_space<hbm>> -> memref<10000x128xf32, #tpu.memory_space<hbm>>
      %dma_start3A_101 = tpu.memref_slice %arg10[%dma_start3A_90] : memref<4x!tpu.dma_semaphore, #tpu.memory_space<semaphore_mem>> -> memref<1x!tpu.dma_semaphore, #tpu.memory_space<semaphore_mem>>
      %dma_start3A_102 = tpu.memref_squeeze %dma_start3A_101 : memref<1x!tpu.dma_semaphore, #tpu.memory_space<semaphore_mem>> -> memref<!tpu.dma_semaphore, #tpu.memory_space<semaphore_mem>>
      tpu.enqueue_indirect_dma source(%dma_start3A_100 : memref<10000x128xf32, #tpu.memory_space<hbm>>) target(%dma_start3A_94 : memref<80x128xf32, #tpu.memory_space<vmem>>) offsets(%dma_start3A_97 : memref<80xi32, #tpu.memory_space<vmem>>) semaphore(%dma_start3A_102 : memref<!tpu.dma_semaphore, #tpu.memory_space<semaphore_mem>>)
      %scan3A_103 = arith.constant 0 : i32
      %scan3A_104 = arith.constant 0 : i32
      %scan3A_105 = arith.constant 25 : i32
      %scan3A_106 = arith.addi %scan3A_104, %scan3A_105 : i32
      %scan3A_107 = arith.constant 1 : i32
      scf.for %scan3A_168 = %scan3A_104 to %scan3A_106 step %scan3A_107  : i32 {
        %rem3A = arith.constant 4 : i32
        %rem3A_169 = arith.remsi %scan3A_168, %rem3A : i32
        %add3A_170 = arith.constant 3 : i32
        %add3A_171 = arith.addi %scan3A_168, %add3A_170 : i32
        %rem3A_172 = arith.constant 4 : i32
        %rem3A_173 = arith.remsi %add3A_171, %rem3A_172 : i32
        %dma_wait3A_174 = arith.constant 0 : i32
        %dma_wait3A_175 = arith.constant 0 : i32
        %dma_wait3A_176 = tpu.memref_slice %arg8[%rem3A_169, %dma_wait3A_174, %dma_wait3A_175] : memref<4x80x128xf32, #tpu.memory_space<vmem>> -> memref<1x80x128xf32, #tpu.memory_space<vmem>>
        %dma_wait3A_177 = tpu.memref_squeeze %dma_wait3A_176 : memref<1x80x128xf32, #tpu.memory_space<vmem>> -> memref<80x128xf32, #tpu.memory_space<vmem>>
        %dma_wait3A_178 = arith.constant 0 : i32
        %dma_wait3A_179 = tpu.memref_slice %arg6[%scan3A_168, %dma_wait3A_178] : memref<25x80xi32, #tpu.memory_space<vmem>> -> memref<1x80xi32, #tpu.memory_space<vmem>>
        %dma_wait3A_180 = tpu.memref_squeeze %dma_wait3A_179 : memref<1x80xi32, #tpu.memory_space<vmem>> -> memref<80xi32, #tpu.memory_space<vmem>>
        %dma_wait3A_181 = arith.constant 0 : i32
        %dma_wait3A_182 = arith.constant 0 : i32
        %dma_wait3A_183 = tpu.memref_slice %arg2[%dma_wait3A_181, %dma_wait3A_182] : memref<10000x128xf32, #tpu.memory_space<hbm>> -> memref<10000x128xf32, #tpu.memory_space<hbm>>
        %dma_wait3A_184 = tpu.memref_slice %arg10[%rem3A_169] : memref<4x!tpu.dma_semaphore, #tpu.memory_space<semaphore_mem>> -> memref<1x!tpu.dma_semaphore, #tpu.memory_space<semaphore_mem>>
        %dma_wait3A_185 = tpu.memref_squeeze %dma_wait3A_184 : memref<1x!tpu.dma_semaphore, #tpu.memory_space<semaphore_mem>> -> memref<!tpu.dma_semaphore, #tpu.memory_space<semaphore_mem>>
        tpu.wait_indirect_dma semaphore(%dma_wait3A_185 : memref<!tpu.dma_semaphore, #tpu.memory_space<semaphore_mem>>) src(%dma_wait3A_183 : memref<10000x128xf32, #tpu.memory_space<hbm>>) dst(%dma_wait3A_177 : memref<80x128xf32, #tpu.memory_space<vmem>>)
        %ge3A = arith.constant 1 : i32
        %ge3A_186 = arith.cmpi sge, %scan3A_168, %ge3A : i32
        %add3A_187 = arith.constant 3 : i32
        %add3A_188 = arith.addi %scan3A_168, %add3A_187 : i32
        %lt3A_189 = arith.constant 25 : i32
        %lt3A_190 = arith.cmpi slt, %add3A_188, %lt3A_189 : i32
        %and3A = arith.andi %ge3A_186, %lt3A_190 : i1
        %convert_element_type3A_191 = arith.extui %and3A : i1 to i32
        %cond3A_192 = arith.constant 0 : i32
        %cond3A_193 = arith.cmpi ne, %convert_element_type3A_191, %cond3A_192 : i32
        scf.if %cond3A_193 {
          %sub3A = arith.constant 1 : i32
          %sub3A_213 = arith.subi %scan3A_168, %sub3A : i32
          %dma_wait3A_214 = arith.constant 0 : i32
          %dma_wait3A_215 = arith.constant 0 : i32
          %dma_wait3A_216 = tpu.memref_slice %arg8[%rem3A_173, %dma_wait3A_214, %dma_wait3A_215] : memref<4x80x128xf32, #tpu.memory_space<vmem>> -> memref<1x80x128xf32, #tpu.memory_space<vmem>>
          %dma_wait3A_217 = tpu.memref_squeeze %dma_wait3A_216 : memref<1x80x128xf32, #tpu.memory_space<vmem>> -> memref<80x128xf32, #tpu.memory_space<vmem>>
          %dma_wait3A_218 = arith.constant 0 : i32
          %dma_wait3A_219 = tpu.memref_slice %arg7[%sub3A_213, %dma_wait3A_218] : memref<25x80xi32, #tpu.memory_space<vmem>> -> memref<1x80xi32, #tpu.memory_space<vmem>>
          %dma_wait3A_220 = tpu.memref_squeeze %dma_wait3A_219 : memref<1x80xi32, #tpu.memory_space<vmem>> -> memref<80xi32, #tpu.memory_space<vmem>>
          %dma_wait3A_221 = arith.constant 0 : i32
          %dma_wait3A_222 = arith.constant 0 : i32
          %dma_wait3A_223 = tpu.memref_slice %arg9[%dma_wait3A_221, %dma_wait3A_222] : memref<10000x128xf32, #tpu.memory_space<vmem_shared>> -> memref<10000x128xf32, #tpu.memory_space<vmem_shared>>
          %dma_wait3A_224 = tpu.memref_slice %arg11[%rem3A_173] : memref<4x!tpu.dma_semaphore, #tpu.memory_space<semaphore_mem>> -> memref<1x!tpu.dma_semaphore, #tpu.memory_space<semaphore_mem>>
          %dma_wait3A_225 = tpu.memref_squeeze %dma_wait3A_224 : memref<1x!tpu.dma_semaphore, #tpu.memory_space<semaphore_mem>> -> memref<!tpu.dma_semaphore, #tpu.memory_space<semaphore_mem>>
          tpu.wait_indirect_dma semaphore(%dma_wait3A_225 : memref<!tpu.dma_semaphore, #tpu.memory_space<semaphore_mem>>) src(%dma_wait3A_217 : memref<80x128xf32, #tpu.memory_space<vmem>>) dst(%dma_wait3A_223 : memref<10000x128xf32, #tpu.memory_space<vmem_shared>>)
        } else {
        }
        %add3A_194 = arith.constant 3 : i32
        %add3A_195 = arith.addi %scan3A_168, %add3A_194 : i32
        %lt3A_196 = arith.constant 25 : i32
        %lt3A_197 = arith.cmpi slt, %add3A_195, %lt3A_196 : i32
        %convert_element_type3A_198 = arith.extui %lt3A_197 : i1 to i32
        %cond3A_199 = arith.constant 0 : i32
        %cond3A_200 = arith.cmpi ne, %convert_element_type3A_198, %cond3A_199 : i32
        scf.if %cond3A_200 {
          %add3A_213 = arith.constant 3 : i32
          %add3A_214 = arith.addi %scan3A_168, %add3A_213 : i32
          %dma_start3A_215 = arith.constant 0 : i32
          %dma_start3A_216 = arith.constant 0 : i32
          %dma_start3A_217 = tpu.memref_slice %arg8[%rem3A_173, %dma_start3A_215, %dma_start3A_216] : memref<4x80x128xf32, #tpu.memory_space<vmem>> -> memref<1x80x128xf32, #tpu.memory_space<vmem>>
          %dma_start3A_218 = tpu.memref_squeeze %dma_start3A_217 : memref<1x80x128xf32, #tpu.memory_space<vmem>> -> memref<80x128xf32, #tpu.memory_space<vmem>>
          %dma_start3A_219 = arith.constant 0 : i32
          %dma_start3A_220 = tpu.memref_slice %arg6[%add3A_214, %dma_start3A_219] : memref<25x80xi32, #tpu.memory_space<vmem>> -> memref<1x80xi32, #tpu.memory_space<vmem>>
          %dma_start3A_221 = tpu.memref_squeeze %dma_start3A_220 : memref<1x80xi32, #tpu.memory_space<vmem>> -> memref<80xi32, #tpu.memory_space<vmem>>
          %dma_start3A_222 = arith.constant 0 : i32
          %dma_start3A_223 = arith.constant 0 : i32
          %dma_start3A_224 = tpu.memref_slice %arg2[%dma_start3A_222, %dma_start3A_223] : memref<10000x128xf32, #tpu.memory_space<hbm>> -> memref<10000x128xf32, #tpu.memory_space<hbm>>
          %dma_start3A_225 = tpu.memref_slice %arg10[%rem3A_173] : memref<4x!tpu.dma_semaphore, #tpu.memory_space<semaphore_mem>> -> memref<1x!tpu.dma_semaphore, #tpu.memory_space<semaphore_mem>>
          %dma_start3A_226 = tpu.memref_squeeze %dma_start3A_225 : memref<1x!tpu.dma_semaphore, #tpu.memory_space<semaphore_mem>> -> memref<!tpu.dma_semaphore, #tpu.memory_space<semaphore_mem>>
          tpu.enqueue_indirect_dma source(%dma_start3A_224 : memref<10000x128xf32, #tpu.memory_space<hbm>>) target(%dma_start3A_218 : memref<80x128xf32, #tpu.memory_space<vmem>>) offsets(%dma_start3A_221 : memref<80xi32, #tpu.memory_space<vmem>>) semaphore(%dma_start3A_226 : memref<!tpu.dma_semaphore, #tpu.memory_space<semaphore_mem>>)
        } else {
        }
        %dma_start3A_201 = arith.constant 0 : i32
        %dma_start3A_202 = arith.constant 0 : i32
        %dma_start3A_203 = tpu.memref_slice %arg8[%rem3A_169, %dma_start3A_201, %dma_start3A_202] : memref<4x80x128xf32, #tpu.memory_space<vmem>> -> memref<1x80x128xf32, #tpu.memory_space<vmem>>
        %dma_start3A_204 = tpu.memref_squeeze %dma_start3A_203 : memref<1x80x128xf32, #tpu.memory_space<vmem>> -> memref<80x128xf32, #tpu.memory_space<vmem>>
        %dma_start3A_205 = arith.constant 0 : i32
        %dma_start3A_206 = tpu.memref_slice %arg7[%scan3A_168, %dma_start3A_205] : memref<25x80xi32, #tpu.memory_space<vmem>> -> memref<1x80xi32, #tpu.memory_space<vmem>>
        %dma_start3A_207 = tpu.memref_squeeze %dma_start3A_206 : memref<1x80xi32, #tpu.memory_space<vmem>> -> memref<80xi32, #tpu.memory_space<vmem>>
        %dma_start3A_208 = arith.constant 0 : i32
        %dma_start3A_209 = arith.constant 0 : i32
        %dma_start3A_210 = tpu.memref_slice %arg9[%dma_start3A_208, %dma_start3A_209] : memref<10000x128xf32, #tpu.memory_space<vmem_shared>> -> memref<10000x128xf32, #tpu.memory_space<vmem_shared>>
        %dma_start3A_211 = tpu.memref_slice %arg11[%rem3A_169] : memref<4x!tpu.dma_semaphore, #tpu.memory_space<semaphore_mem>> -> memref<1x!tpu.dma_semaphore, #tpu.memory_space<semaphore_mem>>
        %dma_start3A_212 = tpu.memref_squeeze %dma_start3A_211 : memref<1x!tpu.dma_semaphore, #tpu.memory_space<semaphore_mem>> -> memref<!tpu.dma_semaphore, #tpu.memory_space<semaphore_mem>>
        tpu.enqueue_indirect_dma source(%dma_start3A_204 : memref<80x128xf32, #tpu.memory_space<vmem>>) target(%dma_start3A_210 : memref<10000x128xf32, #tpu.memory_space<vmem_shared>>) offsets(%dma_start3A_207 : memref<80xi32, #tpu.memory_space<vmem>>) semaphore(%dma_start3A_212 : memref<!tpu.dma_semaphore, #tpu.memory_space<semaphore_mem>>) {add = true}
      }
      %scan3A_108 = arith.constant 25 : i32
      %dma_wait3A = arith.constant 1 : i32
      %dma_wait3A_109 = arith.constant 21 : i32
      %dma_wait3A_110 = arith.constant 1 : i32
      %dma_wait3A_111 = arith.constant 0 : i32
      %dma_wait3A_112 = arith.constant 0 : i32
      %dma_wait3A_113 = tpu.memref_slice %arg8[%dma_wait3A, %dma_wait3A_111, %dma_wait3A_112] : memref<4x80x128xf32, #tpu.memory_space<vmem>> -> memref<1x80x128xf32, #tpu.memory_space<vmem>>
      %dma_wait3A_114 = tpu.memref_squeeze %dma_wait3A_113 : memref<1x80x128xf32, #tpu.memory_space<vmem>> -> memref<80x128xf32, #tpu.memory_space<vmem>>
      %dma_wait3A_115 = arith.constant 0 : i32
      %dma_wait3A_116 = tpu.memref_slice %arg7[%dma_wait3A_109, %dma_wait3A_115] : memref<25x80xi32, #tpu.memory_space<vmem>> -> memref<1x80xi32, #tpu.memory_space<vmem>>
      %dma_wait3A_117 = tpu.memref_squeeze %dma_wait3A_116 : memref<1x80xi32, #tpu.memory_space<vmem>> -> memref<80xi32, #tpu.memory_space<vmem>>
      %dma_wait3A_118 = arith.constant 0 : i32
      %dma_wait3A_119 = arith.constant 0 : i32
      %dma_wait3A_120 = tpu.memref_slice %arg9[%dma_wait3A_118, %dma_wait3A_119] : memref<10000x128xf32, #tpu.memory_space<vmem_shared>> -> memref<10000x128xf32, #tpu.memory_space<vmem_shared>>
      %dma_wait3A_121 = tpu.memref_slice %arg11[%dma_wait3A_110] : memref<4x!tpu.dma_semaphore, #tpu.memory_space<semaphore_mem>> -> memref<1x!tpu.dma_semaphore, #tpu.memory_space<semaphore_mem>>
      %dma_wait3A_122 = tpu.memref_squeeze %dma_wait3A_121 : memref<1x!tpu.dma_semaphore, #tpu.memory_space<semaphore_mem>> -> memref<!tpu.dma_semaphore, #tpu.memory_space<semaphore_mem>>
      tpu.wait_indirect_dma semaphore(%dma_wait3A_122 : memref<!tpu.dma_semaphore, #tpu.memory_space<semaphore_mem>>) src(%dma_wait3A_114 : memref<80x128xf32, #tpu.memory_space<vmem>>) dst(%dma_wait3A_120 : memref<10000x128xf32, #tpu.memory_space<vmem_shared>>)
      %dma_wait3A_123 = arith.constant 2 : i32
      %dma_wait3A_124 = arith.constant 22 : i32
      %dma_wait3A_125 = arith.constant 2 : i32
      %dma_wait3A_126 = arith.constant 0 : i32
      %dma_wait3A_127 = arith.constant 0 : i32
      %dma_wait3A_128 = tpu.memref_slice %arg8[%dma_wait3A_123, %dma_wait3A_126, %dma_wait3A_127] : memref<4x80x128xf32, #tpu.memory_space<vmem>> -> memref<1x80x128xf32, #tpu.memory_space<vmem>>
      %dma_wait3A_129 = tpu.memref_squeeze %dma_wait3A_128 : memref<1x80x128xf32, #tpu.memory_space<vmem>> -> memref<80x128xf32, #tpu.memory_space<vmem>>
      %dma_wait3A_130 = arith.constant 0 : i32
      %dma_wait3A_131 = tpu.memref_slice %arg7[%dma_wait3A_124, %dma_wait3A_130] : memref<25x80xi32, #tpu.memory_space<vmem>> -> memref<1x80xi32, #tpu.memory_space<vmem>>
      %dma_wait3A_132 = tpu.memref_squeeze %dma_wait3A_131 : memref<1x80xi32, #tpu.memory_space<vmem>> -> memref<80xi32, #tpu.memory_space<vmem>>
      %dma_wait3A_133 = arith.constant 0 : i32
      %dma_wait3A_134 = arith.constant 0 : i32
      %dma_wait3A_135 = tpu.memref_slice %arg9[%dma_wait3A_133, %dma_wait3A_134] : memref<10000x128xf32, #tpu.memory_space<vmem_shared>> -> memref<10000x128xf32, #tpu.memory_space<vmem_shared>>
      %dma_wait3A_136 = tpu.memref_slice %arg11[%dma_wait3A_125] : memref<4x!tpu.dma_semaphore, #tpu.memory_space<semaphore_mem>> -> memref<1x!tpu.dma_semaphore, #tpu.memory_space<semaphore_mem>>
      %dma_wait3A_137 = tpu.memref_squeeze %dma_wait3A_136 : memref<1x!tpu.dma_semaphore, #tpu.memory_space<semaphore_mem>> -> memref<!tpu.dma_semaphore, #tpu.memory_space<semaphore_mem>>
      tpu.wait_indirect_dma semaphore(%dma_wait3A_137 : memref<!tpu.dma_semaphore, #tpu.memory_space<semaphore_mem>>) src(%dma_wait3A_129 : memref<80x128xf32, #tpu.memory_space<vmem>>) dst(%dma_wait3A_135 : memref<10000x128xf32, #tpu.memory_space<vmem_shared>>)
      %dma_wait3A_138 = arith.constant 3 : i32
      %dma_wait3A_139 = arith.constant 23 : i32
      %dma_wait3A_140 = arith.constant 3 : i32
      %dma_wait3A_141 = arith.constant 0 : i32
      %dma_wait3A_142 = arith.constant 0 : i32
      %dma_wait3A_143 = tpu.memref_slice %arg8[%dma_wait3A_138, %dma_wait3A_141, %dma_wait3A_142] : memref<4x80x128xf32, #tpu.memory_space<vmem>> -> memref<1x80x128xf32, #tpu.memory_space<vmem>>
      %dma_wait3A_144 = tpu.memref_squeeze %dma_wait3A_143 : memref<1x80x128xf32, #tpu.memory_space<vmem>> -> memref<80x128xf32, #tpu.memory_space<vmem>>
      %dma_wait3A_145 = arith.constant 0 : i32
      %dma_wait3A_146 = tpu.memref_slice %arg7[%dma_wait3A_139, %dma_wait3A_145] : memref<25x80xi32, #tpu.memory_space<vmem>> -> memref<1x80xi32, #tpu.memory_space<vmem>>
      %dma_wait3A_147 = tpu.memref_squeeze %dma_wait3A_146 : memref<1x80xi32, #tpu.memory_space<vmem>> -> memref<80xi32, #tpu.memory_space<vmem>>
      %dma_wait3A_148 = arith.constant 0 : i32
      %dma_wait3A_149 = arith.constant 0 : i32
      %dma_wait3A_150 = tpu.memref_slice %arg9[%dma_wait3A_148, %dma_wait3A_149] : memref<10000x128xf32, #tpu.memory_space<vmem_shared>> -> memref<10000x128xf32, #tpu.memory_space<vmem_shared>>
      %dma_wait3A_151 = tpu.memref_slice %arg11[%dma_wait3A_140] : memref<4x!tpu.dma_semaphore, #tpu.memory_space<semaphore_mem>> -> memref<1x!tpu.dma_semaphore, #tpu.memory_space<semaphore_mem>>
      %dma_wait3A_152 = tpu.memref_squeeze %dma_wait3A_151 : memref<1x!tpu.dma_semaphore, #tpu.memory_space<semaphore_mem>> -> memref<!tpu.dma_semaphore, #tpu.memory_space<semaphore_mem>>
      tpu.wait_indirect_dma semaphore(%dma_wait3A_152 : memref<!tpu.dma_semaphore, #tpu.memory_space<semaphore_mem>>) src(%dma_wait3A_144 : memref<80x128xf32, #tpu.memory_space<vmem>>) dst(%dma_wait3A_150 : memref<10000x128xf32, #tpu.memory_space<vmem_shared>>)
      %dma_wait3A_153 = arith.constant 0 : i32
      %dma_wait3A_154 = arith.constant 24 : i32
      %dma_wait3A_155 = arith.constant 0 : i32
      %dma_wait3A_156 = arith.constant 0 : i32
      %dma_wait3A_157 = arith.constant 0 : i32
      %dma_wait3A_158 = tpu.memref_slice %arg8[%dma_wait3A_153, %dma_wait3A_156, %dma_wait3A_157] : memref<4x80x128xf32, #tpu.memory_space<vmem>> -> memref<1x80x128xf32, #tpu.memory_space<vmem>>
      %dma_wait3A_159 = tpu.memref_squeeze %dma_wait3A_158 : memref<1x80x128xf32, #tpu.memory_space<vmem>> -> memref<80x128xf32, #tpu.memory_space<vmem>>
      %dma_wait3A_160 = arith.constant 0 : i32
      %dma_wait3A_161 = tpu.memref_slice %arg7[%dma_wait3A_154, %dma_wait3A_160] : memref<25x80xi32, #tpu.memory_space<vmem>> -> memref<1x80xi32, #tpu.memory_space<vmem>>
      %dma_wait3A_162 = tpu.memref_squeeze %dma_wait3A_161 : memref<1x80xi32, #tpu.memory_space<vmem>> -> memref<80xi32, #tpu.memory_space<vmem>>
      %dma_wait3A_163 = arith.constant 0 : i32
      %dma_wait3A_164 = arith.constant 0 : i32
      %dma_wait3A_165 = tpu.memref_slice %arg9[%dma_wait3A_163, %dma_wait3A_164] : memref<10000x128xf32, #tpu.memory_space<vmem_shared>> -> memref<10000x128xf32, #tpu.memory_space<vmem_shared>>
      %dma_wait3A_166 = tpu.memref_slice %arg11[%dma_wait3A_155] : memref<4x!tpu.dma_semaphore, #tpu.memory_space<semaphore_mem>> -> memref<1x!tpu.dma_semaphore, #tpu.memory_space<semaphore_mem>>
      %dma_wait3A_167 = tpu.memref_squeeze %dma_wait3A_166 : memref<1x!tpu.dma_semaphore, #tpu.memory_space<semaphore_mem>> -> memref<!tpu.dma_semaphore, #tpu.memory_space<semaphore_mem>>
      tpu.wait_indirect_dma semaphore(%dma_wait3A_167 : memref<!tpu.dma_semaphore, #tpu.memory_space<semaphore_mem>>) src(%dma_wait3A_159 : memref<80x128xf32, #tpu.memory_space<vmem>>) dst(%dma_wait3A_165 : memref<10000x128xf32, #tpu.memory_space<vmem_shared>>)
    }
    %scan3A_50 = arith.constant 5 : i32
    %barrier3A_51 = arith.constant 0 : index
    tpu.barrier barrier_id(%barrier3A_51)
    %lt3A = arith.constant 15 : i32
    %lt3A_52 = arith.cmpi slt, %arg1, %lt3A : i32
    %convert_element_type3A = arith.extui %lt3A_52 : i1 to i32
    %cond3A = arith.constant 0 : i32
    %cond3A_53 = arith.cmpi ne, %convert_element_type3A, %cond3A : i32
    scf.if %cond3A_53 {
      %mul3A_58 = arith.constant 624 : i32
      %mul3A_59 = arith.muli %arg1, %mul3A_58 : i32
      %mul3A_60 = arith.constant 624 : i32
      %mul3A_61 = arith.muli %arg1, %mul3A_60 : i32
      "tpu.region"() ({
        %run_scoped3A_62 = tpu.sem_alloc : memref<!tpu.dma_semaphore, #tpu.memory_space<semaphore_mem>>
        %dma_start3A = arith.constant 0 : i32
        %dma_start3A_63 = tpu.memref_slice %arg5[%arg0, %mul3A_61, %dma_start3A] : memref<2x10000x128xf32, #tpu.memory_space<hbm>> -> memref<1x624x128xf32, #tpu.memory_space<hbm>>
        %dma_start3A_64 = tpu.memref_squeeze %dma_start3A_63 : memref<1x624x128xf32, #tpu.memory_space<hbm>> -> memref<624x128xf32, #tpu.memory_space<hbm>>
        %dma_start3A_65 = arith.constant 0 : i32
        %dma_start3A_66 = tpu.memref_slice %arg9[%mul3A_59, %dma_start3A_65] : memref<10000x128xf32, #tpu.memory_space<vmem_shared>> -> memref<624x128xf32, #tpu.memory_space<vmem_shared>>
        tpu.enqueue_dma source(%dma_start3A_66 : memref<624x128xf32, #tpu.memory_space<vmem_shared>>) target(%dma_start3A_64 : memref<624x128xf32, #tpu.memory_space<hbm>>) target_semaphore(%run_scoped3A_62 : memref<!tpu.dma_semaphore, #tpu.memory_space<semaphore_mem>>)
        %dma_wait3A = arith.constant 0 : i32
        %dma_wait3A_67 = tpu.memref_slice %arg5[%arg0, %mul3A_61, %dma_wait3A] : memref<2x10000x128xf32, #tpu.memory_space<hbm>> -> memref<1x624x128xf32, #tpu.memory_space<hbm>>
        %dma_wait3A_68 = tpu.memref_squeeze %dma_wait3A_67 : memref<1x624x128xf32, #tpu.memory_space<hbm>> -> memref<624x128xf32, #tpu.memory_space<hbm>>
        %dma_wait3A_69 = arith.constant 0 : i32
        %dma_wait3A_70 = tpu.memref_slice %arg9[%mul3A_59, %dma_wait3A_69] : memref<10000x128xf32, #tpu.memory_space<vmem_shared>> -> memref<624x128xf32, #tpu.memory_space<vmem_shared>>
        tpu.wait_dma2 semaphore(%run_scoped3A_62 : memref<!tpu.dma_semaphore, #tpu.memory_space<semaphore_mem>>) src(%dma_wait3A_70 : memref<624x128xf32, #tpu.memory_space<vmem_shared>>) dst(%dma_wait3A_68 : memref<624x128xf32, #tpu.memory_space<hbm>>)
        tpu.yield
      }) : () -> ()
    } else {
    }
    %eq3A = arith.constant 15 : i32
    %eq3A_54 = arith.cmpi eq, %arg1, %eq3A : i32
    %convert_element_type3A_55 = arith.extui %eq3A_54 : i1 to i32
    %cond3A_56 = arith.constant 0 : i32
    %cond3A_57 = arith.cmpi ne, %convert_element_type3A_55, %cond3A_56 : i32
    scf.if %cond3A_57 {
      "tpu.region"() ({
        %run_scoped3A_58 = tpu.sem_alloc : memref<!tpu.dma_semaphore, #tpu.memory_space<semaphore_mem>>
        %dma_start3A = arith.constant 9360 : i32
        %dma_start3A_59 = arith.constant 0 : i32
        %dma_start3A_60 = tpu.memref_slice %arg5[%arg0, %dma_start3A, %dma_start3A_59] : memref<2x10000x128xf32, #tpu.memory_space<hbm>> -> memref<1x640x128xf32, #tpu.memory_space<hbm>>
        %dma_start3A_61 = tpu.memref_squeeze %dma_start3A_60 : memref<1x640x128xf32, #tpu.memory_space<hbm>> -> memref<640x128xf32, #tpu.memory_space<hbm>>
        %dma_start3A_62 = arith.constant 9360 : i32
        %dma_start3A_63 = arith.constant 0 : i32
        %dma_start3A_64 = tpu.memref_slice %arg9[%dma_start3A_62, %dma_start3A_63] : memref<10000x128xf32, #tpu.memory_space<vmem_shared>> -> memref<640x128xf32, #tpu.memory_space<vmem_shared>>
        tpu.enqueue_dma source(%dma_start3A_64 : memref<640x128xf32, #tpu.memory_space<vmem_shared>>) target(%dma_start3A_61 : memref<640x128xf32, #tpu.memory_space<hbm>>) target_semaphore(%run_scoped3A_58 : memref<!tpu.dma_semaphore, #tpu.memory_space<semaphore_mem>>)
        %dma_wait3A = arith.constant 9360 : i32
        %dma_wait3A_65 = arith.constant 0 : i32
        %dma_wait3A_66 = tpu.memref_slice %arg5[%arg0, %dma_wait3A, %dma_wait3A_65] : memref<2x10000x128xf32, #tpu.memory_space<hbm>> -> memref<1x640x128xf32, #tpu.memory_space<hbm>>
        %dma_wait3A_67 = tpu.memref_squeeze %dma_wait3A_66 : memref<1x640x128xf32, #tpu.memory_space<hbm>> -> memref<640x128xf32, #tpu.memory_space<hbm>>
        %dma_wait3A_68 = arith.constant 9360 : i32
        %dma_wait3A_69 = arith.constant 0 : i32
        %dma_wait3A_70 = tpu.memref_slice %arg9[%dma_wait3A_68, %dma_wait3A_69] : memref<10000x128xf32, #tpu.memory_space<vmem_shared>> -> memref<640x128xf32, #tpu.memory_space<vmem_shared>>
        tpu.wait_dma2 semaphore(%run_scoped3A_58 : memref<!tpu.dma_semaphore, #tpu.memory_space<semaphore_mem>>) src(%dma_wait3A_70 : memref<640x128xf32, #tpu.memory_space<vmem_shared>>) dst(%dma_wait3A_67 : memref<640x128xf32, #tpu.memory_space<hbm>>)
        tpu.yield
      }) : () -> ()
    } else {
    }
    return
  }
}

#map = affine_map<(d0, d1) -> (0, 0)>
#map1 = affine_map<(d0, d1) -> (0, 0, 0, 0)>
#map2 = affine_map<(d0, d1) -> (0, 0, 0)>
module attributes {stable_mosaic.version = 14 : i64} {
  func.func @_edge_kernel(%arg0: i32, %arg1: i32, %arg2: memref<10000x128xf32, #tpu.memory_space<hbm>>, %arg3: memref<32x5x25x80xi32, #tpu.memory_space<hbm>>, %arg4: memref<32x5x25x80xi32, #tpu.memory_space<hbm>>, %arg5: memref<2x10000x128xf32, #tpu.memory_space<hbm>>, %arg6: memref<25x80xi32, #tpu.memory_space<vmem>>, %arg7: memref<25x80xi32, #tpu.memory_space<vmem>>, %arg8: memref<4x80x128xf32, #tpu.memory_space<vmem>>, %arg9: memref<10000x128xf32, #tpu.memory_space<vmem_shared>>, %arg10: memref<4x!tpu.dma_semaphore, #tpu.memory_space<semaphore_mem>>, %arg11: memref<4x!tpu.dma_semaphore, #tpu.memory_space<semaphore_mem>>) attributes {dimension_semantics = [#tpu.dimension_semantics<core_parallel>, #tpu.dimension_semantics<subcore_parallel>], iteration_bounds = array<i64: 2, 16>, scalar_prefetch = 0 : i64, scratch_operands = 6 : i64, tpu.core_type = #tpu.core_type<sc_vector_subcore>, window_params = [{transform_indices = #map}, {transform_indices = #map1}, {transform_indices = #map1}, {transform_indices = #map2}]} {
    %mul3A = arith.constant 16 : i32
    %mul3A_0 = arith.muli %arg0, %mul3A : i32
    %add3A = arith.addi %mul3A_0, %arg1 : i32
    %scan3A = arith.constant 0 : i32
    %scan3A_1 = arith.constant 0 : i32
    %scan3A_2 = arith.constant 80 : i32
    %scan3A_3 = arith.addi %scan3A_1, %scan3A_2 : i32
    %scan3A_4 = arith.constant 1 : i32
    scf.for %scan3A_58 = %scan3A_1 to %scan3A_3 step %scan3A_4  : i32 {
      %broadcast_in_dim3A = arith.constant 0.000000e+00 : f32
      %broadcast_in_dim3A_59 = vector.broadcast %broadcast_in_dim3A : f32 to vector<16xf32>
      %swap3A = arith.constant 0 : i32
      %swap3A_60 = arith.index_cast %swap3A : i32 to index
      %swap3A_61 = arith.index_cast %scan3A_58 : i32 to index
      %swap3A_62 = arith.constant 0 : index
      %swap3A_63 = tpu.vector_load %arg8[%swap3A_60, %swap3A_61, %swap3A_62] {strides = array<i32>} : memref<4x80x128xf32, #tpu.memory_space<vmem>>, vector<1x1x16xf32>,
      %swap3A_64 = vector.shape_cast %swap3A_63 : vector<1x1x16xf32> to vector<16xf32>
      %swap3A_65 = vector.shape_cast %broadcast_in_dim3A_59 : vector<16xf32> to vector<1x1x16xf32>
      tpu.vector_store %arg8[%swap3A_60, %swap3A_61, %swap3A_62], %swap3A_65 {strides = array<i32>} : memref<4x80x128xf32, #tpu.memory_space<vmem>>, vector<1x1x16xf32>,
      %broadcast_in_dim3A_66 = arith.constant 0.000000e+00 : f32
      %broadcast_in_dim3A_67 = vector.broadcast %broadcast_in_dim3A_66 : f32 to vector<16xf32>
      %swap3A_68 = arith.constant 0 : i32
      %swap3A_69 = arith.index_cast %swap3A_68 : i32 to index
      %swap3A_70 = arith.index_cast %scan3A_58 : i32 to index
      %swap3A_71 = arith.constant 16 : index
      %swap3A_72 = tpu.vector_load %arg8[%swap3A_69, %swap3A_70, %swap3A_71] {strides = array<i32>} : memref<4x80x128xf32, #tpu.memory_space<vmem>>, vector<1x1x16xf32>,
      %swap3A_73 = vector.shape_cast %swap3A_72 : vector<1x1x16xf32> to vector<16xf32>
      %swap3A_74 = vector.shape_cast %broadcast_in_dim3A_67 : vector<16xf32> to vector<1x1x16xf32>
      tpu.vector_store %arg8[%swap3A_69, %swap3A_70, %swap3A_71], %swap3A_74 {strides = array<i32>} : memref<4x80x128xf32, #tpu.memory_space<vmem>>, vector<1x1x16xf32>,
      %broadcast_in_dim3A_75 = arith.constant 0.000000e+00 : f32
      %broadcast_in_dim3A_76 = vector.broadcast %broadcast_in_dim3A_75 : f32 to vector<16xf32>
      %swap3A_77 = arith.constant 0 : i32
      %swap3A_78 = arith.index_cast %swap3A_77 : i32 to index
      %swap3A_79 = arith.index_cast %scan3A_58 : i32 to index
      %swap3A_80 = arith.constant 32 : index
      %swap3A_81 = tpu.vector_load %arg8[%swap3A_78, %swap3A_79, %swap3A_80] {strides = array<i32>} : memref<4x80x128xf32, #tpu.memory_space<vmem>>, vector<1x1x16xf32>,
      %swap3A_82 = vector.shape_cast %swap3A_81 : vector<1x1x16xf32> to vector<16xf32>
      %swap3A_83 = vector.shape_cast %broadcast_in_dim3A_76 : vector<16xf32> to vector<1x1x16xf32>
      tpu.vector_store %arg8[%swap3A_78, %swap3A_79, %swap3A_80], %swap3A_83 {strides = array<i32>} : memref<4x80x128xf32, #tpu.memory_space<vmem>>, vector<1x1x16xf32>,
      %broadcast_in_dim3A_84 = arith.constant 0.000000e+00 : f32
      %broadcast_in_dim3A_85 = vector.broadcast %broadcast_in_dim3A_84 : f32 to vector<16xf32>
      %swap3A_86 = arith.constant 0 : i32
      %swap3A_87 = arith.index_cast %swap3A_86 : i32 to index
      %swap3A_88 = arith.index_cast %scan3A_58 : i32 to index
      %swap3A_89 = arith.constant 48 : index
      %swap3A_90 = tpu.vector_load %arg8[%swap3A_87, %swap3A_88, %swap3A_89] {strides = array<i32>} : memref<4x80x128xf32, #tpu.memory_space<vmem>>, vector<1x1x16xf32>,
      %swap3A_91 = vector.shape_cast %swap3A_90 : vector<1x1x16xf32> to vector<16xf32>
      %swap3A_92 = vector.shape_cast %broadcast_in_dim3A_85 : vector<16xf32> to vector<1x1x16xf32>
      tpu.vector_store %arg8[%swap3A_87, %swap3A_88, %swap3A_89], %swap3A_92 {strides = array<i32>} : memref<4x80x128xf32, #tpu.memory_space<vmem>>, vector<1x1x16xf32>,
      %broadcast_in_dim3A_93 = arith.constant 0.000000e+00 : f32
      %broadcast_in_dim3A_94 = vector.broadcast %broadcast_in_dim3A_93 : f32 to vector<16xf32>
      %swap3A_95 = arith.constant 0 : i32
      %swap3A_96 = arith.index_cast %swap3A_95 : i32 to index
      %swap3A_97 = arith.index_cast %scan3A_58 : i32 to index
      %swap3A_98 = arith.constant 64 : index
      %swap3A_99 = tpu.vector_load %arg8[%swap3A_96, %swap3A_97, %swap3A_98] {strides = array<i32>} : memref<4x80x128xf32, #tpu.memory_space<vmem>>, vector<1x1x16xf32>,
      %swap3A_100 = vector.shape_cast %swap3A_99 : vector<1x1x16xf32> to vector<16xf32>
      %swap3A_101 = vector.shape_cast %broadcast_in_dim3A_94 : vector<16xf32> to vector<1x1x16xf32>
      tpu.vector_store %arg8[%swap3A_96, %swap3A_97, %swap3A_98], %swap3A_101 {strides = array<i32>} : memref<4x80x128xf32, #tpu.memory_space<vmem>>, vector<1x1x16xf32>,
      %broadcast_in_dim3A_102 = arith.constant 0.000000e+00 : f32
      %broadcast_in_dim3A_103 = vector.broadcast %broadcast_in_dim3A_102 : f32 to vector<16xf32>
      %swap3A_104 = arith.constant 0 : i32
      %swap3A_105 = arith.index_cast %swap3A_104 : i32 to index
      %swap3A_106 = arith.index_cast %scan3A_58 : i32 to index
      %swap3A_107 = arith.constant 80 : index
      %swap3A_108 = tpu.vector_load %arg8[%swap3A_105, %swap3A_106, %swap3A_107] {strides = array<i32>} : memref<4x80x128xf32, #tpu.memory_space<vmem>>, vector<1x1x16xf32>,
      %swap3A_109 = vector.shape_cast %swap3A_108 : vector<1x1x16xf32> to vector<16xf32>
      %swap3A_110 = vector.shape_cast %broadcast_in_dim3A_103 : vector<16xf32> to vector<1x1x16xf32>
      tpu.vector_store %arg8[%swap3A_105, %swap3A_106, %swap3A_107], %swap3A_110 {strides = array<i32>} : memref<4x80x128xf32, #tpu.memory_space<vmem>>, vector<1x1x16xf32>,
      %broadcast_in_dim3A_111 = arith.constant 0.000000e+00 : f32
      %broadcast_in_dim3A_112 = vector.broadcast %broadcast_in_dim3A_111 : f32 to vector<16xf32>
      %swap3A_113 = arith.constant 0 : i32
      %swap3A_114 = arith.index_cast %swap3A_113 : i32 to index
      %swap3A_115 = arith.index_cast %scan3A_58 : i32 to index
      %swap3A_116 = arith.constant 96 : index
      %swap3A_117 = tpu.vector_load %arg8[%swap3A_114, %swap3A_115, %swap3A_116] {strides = array<i32>} : memref<4x80x128xf32, #tpu.memory_space<vmem>>, vector<1x1x16xf32>,
      %swap3A_118 = vector.shape_cast %swap3A_117 : vector<1x1x16xf32> to vector<16xf32>
      %swap3A_119 = vector.shape_cast %broadcast_in_dim3A_112 : vector<16xf32> to vector<1x1x16xf32>
      tpu.vector_store %arg8[%swap3A_114, %swap3A_115, %swap3A_116], %swap3A_119 {strides = array<i32>} : memref<4x80x128xf32, #tpu.memory_space<vmem>>, vector<1x1x16xf32>,
      %broadcast_in_dim3A_120 = arith.constant 0.000000e+00 : f32
      %broadcast_in_dim3A_121 = vector.broadcast %broadcast_in_dim3A_120 : f32 to vector<16xf32>
      %swap3A_122 = arith.constant 0 : i32
      %swap3A_123 = arith.index_cast %swap3A_122 : i32 to index
      %swap3A_124 = arith.index_cast %scan3A_58 : i32 to index
      %swap3A_125 = arith.constant 112 : index
      %swap3A_126 = tpu.vector_load %arg8[%swap3A_123, %swap3A_124, %swap3A_125] {strides = array<i32>} : memref<4x80x128xf32, #tpu.memory_space<vmem>>, vector<1x1x16xf32>,
      %swap3A_127 = vector.shape_cast %swap3A_126 : vector<1x1x16xf32> to vector<16xf32>
      %swap3A_128 = vector.shape_cast %broadcast_in_dim3A_121 : vector<16xf32> to vector<1x1x16xf32>
      tpu.vector_store %arg8[%swap3A_123, %swap3A_124, %swap3A_125], %swap3A_128 {strides = array<i32>} : memref<4x80x128xf32, #tpu.memory_space<vmem>>, vector<1x1x16xf32>,
    }
    %scan3A_5 = arith.constant 80 : i32
    %mul3A_6 = arith.constant 625 : i32
    %mul3A_7 = arith.muli %arg1, %mul3A_6 : i32
    %add3A_8 = arith.constant 0 : i32
    %add3A_9 = arith.addi %mul3A_7, %add3A_8 : i32
    %run_scoped3A = arith.constant 0 : i32
    "tpu.region"() ({
      %run_scoped3A_58 = tpu.sem_alloc : memref<!tpu.dma_semaphore, #tpu.memory_space<semaphore_mem>>
      %dma_start3A = arith.constant 0 : i32
      %dma_start3A_59 = arith.constant 0 : i32
      %dma_start3A_60 = tpu.memref_slice %arg8[%run_scoped3A, %dma_start3A, %dma_start3A_59] : memref<4x80x128xf32, #tpu.memory_space<vmem>> -> memref<1x80x128xf32, #tpu.memory_space<vmem>>
      %dma_start3A_61 = tpu.memref_squeeze %dma_start3A_60 : memref<1x80x128xf32, #tpu.memory_space<vmem>> -> memref<80x128xf32, #tpu.memory_space<vmem>>
      %dma_start3A_62 = arith.constant 0 : i32
      %dma_start3A_63 = tpu.memref_slice %arg9[%add3A_9, %dma_start3A_62] : memref<10000x128xf32, #tpu.memory_space<vmem_shared>> -> memref<80x128xf32, #tpu.memory_space<vmem_shared>>
      %dma_start3A_64 = arith.constant 0 : i32
      %dma_start3A_65 = tpu.memref_slice %arg9[%add3A_9, %dma_start3A_64] : memref<10000x128xf32, #tpu.memory_space<vmem_shared>> -> memref<80x128xf32, #tpu.memory_space<vmem_shared>>
      %dma_start3A_66 = arith.constant 0 : i32
      %dma_start3A_67 = arith.constant 0 : i32
      %dma_start3A_68 = tpu.memref_slice %arg8[%run_scoped3A, %dma_start3A_66, %dma_start3A_67] : memref<4x80x128xf32, #tpu.memory_space<vmem>> -> memref<1x80x128xf32, #tpu.memory_space<vmem>>
      %dma_start3A_69 = tpu.memref_squeeze %dma_start3A_68 : memref<1x80x128xf32, #tpu.memory_space<vmem>> -> memref<80x128xf32, #tpu.memory_space<vmem>>
      tpu.enqueue_dma source(%dma_start3A_69 : memref<80x128xf32, #tpu.memory_space<vmem>>) target(%dma_start3A_65 : memref<80x128xf32, #tpu.memory_space<vmem_shared>>) target_semaphore(%run_scoped3A_58 : memref<!tpu.dma_semaphore, #tpu.memory_space<semaphore_mem>>)
      %dma_wait3A = arith.constant 0 : i32
      %dma_wait3A_70 = arith.constant 0 : i32
      %dma_wait3A_71 = tpu.memref_slice %arg8[%run_scoped3A, %dma_wait3A, %dma_wait3A_70] : memref<4x80x128xf32, #tpu.memory_space<vmem>> -> memref<1x80x128xf32, #tpu.memory_space<vmem>>
      %dma_wait3A_72 = tpu.memref_squeeze %dma_wait3A_71 : memref<1x80x128xf32, #tpu.memory_space<vmem>> -> memref<80x128xf32, #tpu.memory_space<vmem>>
      %dma_wait3A_73 = arith.constant 0 : i32
      %dma_wait3A_74 = tpu.memref_slice %arg9[%add3A_9, %dma_wait3A_73] : memref<10000x128xf32, #tpu.memory_space<vmem_shared>> -> memref<80x128xf32, #tpu.memory_space<vmem_shared>>
      %dma_wait3A_75 = arith.constant 0 : i32
      %dma_wait3A_76 = tpu.memref_slice %arg9[%add3A_9, %dma_wait3A_75] : memref<10000x128xf32, #tpu.memory_space<vmem_shared>> -> memref<80x128xf32, #tpu.memory_space<vmem_shared>>
      %dma_wait3A_77 = arith.constant 0 : i32
      %dma_wait3A_78 = arith.constant 0 : i32
      %dma_wait3A_79 = tpu.memref_slice %arg8[%run_scoped3A, %dma_wait3A_77, %dma_wait3A_78] : memref<4x80x128xf32, #tpu.memory_space<vmem>> -> memref<1x80x128xf32, #tpu.memory_space<vmem>>
      %dma_wait3A_80 = tpu.memref_squeeze %dma_wait3A_79 : memref<1x80x128xf32, #tpu.memory_space<vmem>> -> memref<80x128xf32, #tpu.memory_space<vmem>>
      tpu.wait_dma2 semaphore(%run_scoped3A_58 : memref<!tpu.dma_semaphore, #tpu.memory_space<semaphore_mem>>) src(%dma_wait3A_80 : memref<80x128xf32, #tpu.memory_space<vmem>>) dst(%dma_wait3A_76 : memref<80x128xf32, #tpu.memory_space<vmem_shared>>)
      tpu.yield
    }) : () -> ()
    %mul3A_10 = arith.constant 625 : i32
    %mul3A_11 = arith.muli %arg1, %mul3A_10 : i32
    %add3A_12 = arith.constant 80 : i32
    %add3A_13 = arith.addi %mul3A_11, %add3A_12 : i32
    %run_scoped3A_14 = arith.constant 0 : i32
    "tpu.region"() ({
      %run_scoped3A_58 = tpu.sem_alloc : memref<!tpu.dma_semaphore, #tpu.memory_space<semaphore_mem>>
      %dma_start3A = arith.constant 0 : i32
      %dma_start3A_59 = arith.constant 0 : i32
      %dma_start3A_60 = tpu.memref_slice %arg8[%run_scoped3A_14, %dma_start3A, %dma_start3A_59] : memref<4x80x128xf32, #tpu.memory_space<vmem>> -> memref<1x80x128xf32, #tpu.memory_space<vmem>>
      %dma_start3A_61 = tpu.memref_squeeze %dma_start3A_60 : memref<1x80x128xf32, #tpu.memory_space<vmem>> -> memref<80x128xf32, #tpu.memory_space<vmem>>
      %dma_start3A_62 = arith.constant 0 : i32
      %dma_start3A_63 = tpu.memref_slice %arg9[%add3A_13, %dma_start3A_62] : memref<10000x128xf32, #tpu.memory_space<vmem_shared>> -> memref<80x128xf32, #tpu.memory_space<vmem_shared>>
      %dma_start3A_64 = arith.constant 0 : i32
      %dma_start3A_65 = tpu.memref_slice %arg9[%add3A_13, %dma_start3A_64] : memref<10000x128xf32, #tpu.memory_space<vmem_shared>> -> memref<80x128xf32, #tpu.memory_space<vmem_shared>>
      %dma_start3A_66 = arith.constant 0 : i32
      %dma_start3A_67 = arith.constant 0 : i32
      %dma_start3A_68 = tpu.memref_slice %arg8[%run_scoped3A_14, %dma_start3A_66, %dma_start3A_67] : memref<4x80x128xf32, #tpu.memory_space<vmem>> -> memref<1x80x128xf32, #tpu.memory_space<vmem>>
      %dma_start3A_69 = tpu.memref_squeeze %dma_start3A_68 : memref<1x80x128xf32, #tpu.memory_space<vmem>> -> memref<80x128xf32, #tpu.memory_space<vmem>>
      tpu.enqueue_dma source(%dma_start3A_69 : memref<80x128xf32, #tpu.memory_space<vmem>>) target(%dma_start3A_65 : memref<80x128xf32, #tpu.memory_space<vmem_shared>>) target_semaphore(%run_scoped3A_58 : memref<!tpu.dma_semaphore, #tpu.memory_space<semaphore_mem>>)
      %dma_wait3A = arith.constant 0 : i32
      %dma_wait3A_70 = arith.constant 0 : i32
      %dma_wait3A_71 = tpu.memref_slice %arg8[%run_scoped3A_14, %dma_wait3A, %dma_wait3A_70] : memref<4x80x128xf32, #tpu.memory_space<vmem>> -> memref<1x80x128xf32, #tpu.memory_space<vmem>>
      %dma_wait3A_72 = tpu.memref_squeeze %dma_wait3A_71 : memref<1x80x128xf32, #tpu.memory_space<vmem>> -> memref<80x128xf32, #tpu.memory_space<vmem>>
      %dma_wait3A_73 = arith.constant 0 : i32
      %dma_wait3A_74 = tpu.memref_slice %arg9[%add3A_13, %dma_wait3A_73] : memref<10000x128xf32, #tpu.memory_space<vmem_shared>> -> memref<80x128xf32, #tpu.memory_space<vmem_shared>>
      %dma_wait3A_75 = arith.constant 0 : i32
      %dma_wait3A_76 = tpu.memref_slice %arg9[%add3A_13, %dma_wait3A_75] : memref<10000x128xf32, #tpu.memory_space<vmem_shared>> -> memref<80x128xf32, #tpu.memory_space<vmem_shared>>
      %dma_wait3A_77 = arith.constant 0 : i32
      %dma_wait3A_78 = arith.constant 0 : i32
      %dma_wait3A_79 = tpu.memref_slice %arg8[%run_scoped3A_14, %dma_wait3A_77, %dma_wait3A_78] : memref<4x80x128xf32, #tpu.memory_space<vmem>> -> memref<1x80x128xf32, #tpu.memory_space<vmem>>
      %dma_wait3A_80 = tpu.memref_squeeze %dma_wait3A_79 : memref<1x80x128xf32, #tpu.memory_space<vmem>> -> memref<80x128xf32, #tpu.memory_space<vmem>>
      tpu.wait_dma2 semaphore(%run_scoped3A_58 : memref<!tpu.dma_semaphore, #tpu.memory_space<semaphore_mem>>) src(%dma_wait3A_80 : memref<80x128xf32, #tpu.memory_space<vmem>>) dst(%dma_wait3A_76 : memref<80x128xf32, #tpu.memory_space<vmem_shared>>)
      tpu.yield
    }) : () -> ()
    %mul3A_15 = arith.constant 625 : i32
    %mul3A_16 = arith.muli %arg1, %mul3A_15 : i32
    %add3A_17 = arith.constant 160 : i32
    %add3A_18 = arith.addi %mul3A_16, %add3A_17 : i32
    %run_scoped3A_19 = arith.constant 0 : i32
    "tpu.region"() ({
      %run_scoped3A_58 = tpu.sem_alloc : memref<!tpu.dma_semaphore, #tpu.memory_space<semaphore_mem>>
      %dma_start3A = arith.constant 0 : i32
      %dma_start3A_59 = arith.constant 0 : i32
      %dma_start3A_60 = tpu.memref_slice %arg8[%run_scoped3A_19, %dma_start3A, %dma_start3A_59] : memref<4x80x128xf32, #tpu.memory_space<vmem>> -> memref<1x80x128xf32, #tpu.memory_space<vmem>>
      %dma_start3A_61 = tpu.memref_squeeze %dma_start3A_60 : memref<1x80x128xf32, #tpu.memory_space<vmem>> -> memref<80x128xf32, #tpu.memory_space<vmem>>
      %dma_start3A_62 = arith.constant 0 : i32
      %dma_start3A_63 = tpu.memref_slice %arg9[%add3A_18, %dma_start3A_62] : memref<10000x128xf32, #tpu.memory_space<vmem_shared>> -> memref<80x128xf32, #tpu.memory_space<vmem_shared>>
      %dma_start3A_64 = arith.constant 0 : i32
      %dma_start3A_65 = tpu.memref_slice %arg9[%add3A_18, %dma_start3A_64] : memref<10000x128xf32, #tpu.memory_space<vmem_shared>> -> memref<80x128xf32, #tpu.memory_space<vmem_shared>>
      %dma_start3A_66 = arith.constant 0 : i32
      %dma_start3A_67 = arith.constant 0 : i32
      %dma_start3A_68 = tpu.memref_slice %arg8[%run_scoped3A_19, %dma_start3A_66, %dma_start3A_67] : memref<4x80x128xf32, #tpu.memory_space<vmem>> -> memref<1x80x128xf32, #tpu.memory_space<vmem>>
      %dma_start3A_69 = tpu.memref_squeeze %dma_start3A_68 : memref<1x80x128xf32, #tpu.memory_space<vmem>> -> memref<80x128xf32, #tpu.memory_space<vmem>>
      tpu.enqueue_dma source(%dma_start3A_69 : memref<80x128xf32, #tpu.memory_space<vmem>>) target(%dma_start3A_65 : memref<80x128xf32, #tpu.memory_space<vmem_shared>>) target_semaphore(%run_scoped3A_58 : memref<!tpu.dma_semaphore, #tpu.memory_space<semaphore_mem>>)
      %dma_wait3A = arith.constant 0 : i32
      %dma_wait3A_70 = arith.constant 0 : i32
      %dma_wait3A_71 = tpu.memref_slice %arg8[%run_scoped3A_19, %dma_wait3A, %dma_wait3A_70] : memref<4x80x128xf32, #tpu.memory_space<vmem>> -> memref<1x80x128xf32, #tpu.memory_space<vmem>>
      %dma_wait3A_72 = tpu.memref_squeeze %dma_wait3A_71 : memref<1x80x128xf32, #tpu.memory_space<vmem>> -> memref<80x128xf32, #tpu.memory_space<vmem>>
      %dma_wait3A_73 = arith.constant 0 : i32
      %dma_wait3A_74 = tpu.memref_slice %arg9[%add3A_18, %dma_wait3A_73] : memref<10000x128xf32, #tpu.memory_space<vmem_shared>> -> memref<80x128xf32, #tpu.memory_space<vmem_shared>>
      %dma_wait3A_75 = arith.constant 0 : i32
      %dma_wait3A_76 = tpu.memref_slice %arg9[%add3A_18, %dma_wait3A_75] : memref<10000x128xf32, #tpu.memory_space<vmem_shared>> -> memref<80x128xf32, #tpu.memory_space<vmem_shared>>
      %dma_wait3A_77 = arith.constant 0 : i32
      %dma_wait3A_78 = arith.constant 0 : i32
      %dma_wait3A_79 = tpu.memref_slice %arg8[%run_scoped3A_19, %dma_wait3A_77, %dma_wait3A_78] : memref<4x80x128xf32, #tpu.memory_space<vmem>> -> memref<1x80x128xf32, #tpu.memory_space<vmem>>
      %dma_wait3A_80 = tpu.memref_squeeze %dma_wait3A_79 : memref<1x80x128xf32, #tpu.memory_space<vmem>> -> memref<80x128xf32, #tpu.memory_space<vmem>>
      tpu.wait_dma2 semaphore(%run_scoped3A_58 : memref<!tpu.dma_semaphore, #tpu.memory_space<semaphore_mem>>) src(%dma_wait3A_80 : memref<80x128xf32, #tpu.memory_space<vmem>>) dst(%dma_wait3A_76 : memref<80x128xf32, #tpu.memory_space<vmem_shared>>)
      tpu.yield
    }) : () -> ()
    %mul3A_20 = arith.constant 625 : i32
    %mul3A_21 = arith.muli %arg1, %mul3A_20 : i32
    %add3A_22 = arith.constant 240 : i32
    %add3A_23 = arith.addi %mul3A_21, %add3A_22 : i32
    %run_scoped3A_24 = arith.constant 0 : i32
    "tpu.region"() ({
      %run_scoped3A_58 = tpu.sem_alloc : memref<!tpu.dma_semaphore, #tpu.memory_space<semaphore_mem>>
      %dma_start3A = arith.constant 0 : i32
      %dma_start3A_59 = arith.constant 0 : i32
      %dma_start3A_60 = tpu.memref_slice %arg8[%run_scoped3A_24, %dma_start3A, %dma_start3A_59] : memref<4x80x128xf32, #tpu.memory_space<vmem>> -> memref<1x80x128xf32, #tpu.memory_space<vmem>>
      %dma_start3A_61 = tpu.memref_squeeze %dma_start3A_60 : memref<1x80x128xf32, #tpu.memory_space<vmem>> -> memref<80x128xf32, #tpu.memory_space<vmem>>
      %dma_start3A_62 = arith.constant 0 : i32
      %dma_start3A_63 = tpu.memref_slice %arg9[%add3A_23, %dma_start3A_62] : memref<10000x128xf32, #tpu.memory_space<vmem_shared>> -> memref<80x128xf32, #tpu.memory_space<vmem_shared>>
      %dma_start3A_64 = arith.constant 0 : i32
      %dma_start3A_65 = tpu.memref_slice %arg9[%add3A_23, %dma_start3A_64] : memref<10000x128xf32, #tpu.memory_space<vmem_shared>> -> memref<80x128xf32, #tpu.memory_space<vmem_shared>>
      %dma_start3A_66 = arith.constant 0 : i32
      %dma_start3A_67 = arith.constant 0 : i32
      %dma_start3A_68 = tpu.memref_slice %arg8[%run_scoped3A_24, %dma_start3A_66, %dma_start3A_67] : memref<4x80x128xf32, #tpu.memory_space<vmem>> -> memref<1x80x128xf32, #tpu.memory_space<vmem>>
      %dma_start3A_69 = tpu.memref_squeeze %dma_start3A_68 : memref<1x80x128xf32, #tpu.memory_space<vmem>> -> memref<80x128xf32, #tpu.memory_space<vmem>>
      tpu.enqueue_dma source(%dma_start3A_69 : memref<80x128xf32, #tpu.memory_space<vmem>>) target(%dma_start3A_65 : memref<80x128xf32, #tpu.memory_space<vmem_shared>>) target_semaphore(%run_scoped3A_58 : memref<!tpu.dma_semaphore, #tpu.memory_space<semaphore_mem>>)
      %dma_wait3A = arith.constant 0 : i32
      %dma_wait3A_70 = arith.constant 0 : i32
      %dma_wait3A_71 = tpu.memref_slice %arg8[%run_scoped3A_24, %dma_wait3A, %dma_wait3A_70] : memref<4x80x128xf32, #tpu.memory_space<vmem>> -> memref<1x80x128xf32, #tpu.memory_space<vmem>>
      %dma_wait3A_72 = tpu.memref_squeeze %dma_wait3A_71 : memref<1x80x128xf32, #tpu.memory_space<vmem>> -> memref<80x128xf32, #tpu.memory_space<vmem>>
      %dma_wait3A_73 = arith.constant 0 : i32
      %dma_wait3A_74 = tpu.memref_slice %arg9[%add3A_23, %dma_wait3A_73] : memref<10000x128xf32, #tpu.memory_space<vmem_shared>> -> memref<80x128xf32, #tpu.memory_space<vmem_shared>>
      %dma_wait3A_75 = arith.constant 0 : i32
      %dma_wait3A_76 = tpu.memref_slice %arg9[%add3A_23, %dma_wait3A_75] : memref<10000x128xf32, #tpu.memory_space<vmem_shared>> -> memref<80x128xf32, #tpu.memory_space<vmem_shared>>
      %dma_wait3A_77 = arith.constant 0 : i32
      %dma_wait3A_78 = arith.constant 0 : i32
      %dma_wait3A_79 = tpu.memref_slice %arg8[%run_scoped3A_24, %dma_wait3A_77, %dma_wait3A_78] : memref<4x80x128xf32, #tpu.memory_space<vmem>> -> memref<1x80x128xf32, #tpu.memory_space<vmem>>
      %dma_wait3A_80 = tpu.memref_squeeze %dma_wait3A_79 : memref<1x80x128xf32, #tpu.memory_space<vmem>> -> memref<80x128xf32, #tpu.memory_space<vmem>>
      tpu.wait_dma2 semaphore(%run_scoped3A_58 : memref<!tpu.dma_semaphore, #tpu.memory_space<semaphore_mem>>) src(%dma_wait3A_80 : memref<80x128xf32, #tpu.memory_space<vmem>>) dst(%dma_wait3A_76 : memref<80x128xf32, #tpu.memory_space<vmem_shared>>)
      tpu.yield
    }) : () -> ()
    %mul3A_25 = arith.constant 625 : i32
    %mul3A_26 = arith.muli %arg1, %mul3A_25 : i32
    %add3A_27 = arith.constant 320 : i32
    %add3A_28 = arith.addi %mul3A_26, %add3A_27 : i32
    %run_scoped3A_29 = arith.constant 0 : i32
    "tpu.region"() ({
      %run_scoped3A_58 = tpu.sem_alloc : memref<!tpu.dma_semaphore, #tpu.memory_space<semaphore_mem>>
      %dma_start3A = arith.constant 0 : i32
      %dma_start3A_59 = arith.constant 0 : i32
      %dma_start3A_60 = tpu.memref_slice %arg8[%run_scoped3A_29, %dma_start3A, %dma_start3A_59] : memref<4x80x128xf32, #tpu.memory_space<vmem>> -> memref<1x80x128xf32, #tpu.memory_space<vmem>>
      %dma_start3A_61 = tpu.memref_squeeze %dma_start3A_60 : memref<1x80x128xf32, #tpu.memory_space<vmem>> -> memref<80x128xf32, #tpu.memory_space<vmem>>
      %dma_start3A_62 = arith.constant 0 : i32
      %dma_start3A_63 = tpu.memref_slice %arg9[%add3A_28, %dma_start3A_62] : memref<10000x128xf32, #tpu.memory_space<vmem_shared>> -> memref<80x128xf32, #tpu.memory_space<vmem_shared>>
      %dma_start3A_64 = arith.constant 0 : i32
      %dma_start3A_65 = tpu.memref_slice %arg9[%add3A_28, %dma_start3A_64] : memref<10000x128xf32, #tpu.memory_space<vmem_shared>> -> memref<80x128xf32, #tpu.memory_space<vmem_shared>>
      %dma_start3A_66 = arith.constant 0 : i32
      %dma_start3A_67 = arith.constant 0 : i32
      %dma_start3A_68 = tpu.memref_slice %arg8[%run_scoped3A_29, %dma_start3A_66, %dma_start3A_67] : memref<4x80x128xf32, #tpu.memory_space<vmem>> -> memref<1x80x128xf32, #tpu.memory_space<vmem>>
      %dma_start3A_69 = tpu.memref_squeeze %dma_start3A_68 : memref<1x80x128xf32, #tpu.memory_space<vmem>> -> memref<80x128xf32, #tpu.memory_space<vmem>>
      tpu.enqueue_dma source(%dma_start3A_69 : memref<80x128xf32, #tpu.memory_space<vmem>>) target(%dma_start3A_65 : memref<80x128xf32, #tpu.memory_space<vmem_shared>>) target_semaphore(%run_scoped3A_58 : memref<!tpu.dma_semaphore, #tpu.memory_space<semaphore_mem>>)
      %dma_wait3A = arith.constant 0 : i32
      %dma_wait3A_70 = arith.constant 0 : i32
      %dma_wait3A_71 = tpu.memref_slice %arg8[%run_scoped3A_29, %dma_wait3A, %dma_wait3A_70] : memref<4x80x128xf32, #tpu.memory_space<vmem>> -> memref<1x80x128xf32, #tpu.memory_space<vmem>>
      %dma_wait3A_72 = tpu.memref_squeeze %dma_wait3A_71 : memref<1x80x128xf32, #tpu.memory_space<vmem>> -> memref<80x128xf32, #tpu.memory_space<vmem>>
      %dma_wait3A_73 = arith.constant 0 : i32
      %dma_wait3A_74 = tpu.memref_slice %arg9[%add3A_28, %dma_wait3A_73] : memref<10000x128xf32, #tpu.memory_space<vmem_shared>> -> memref<80x128xf32, #tpu.memory_space<vmem_shared>>
      %dma_wait3A_75 = arith.constant 0 : i32
      %dma_wait3A_76 = tpu.memref_slice %arg9[%add3A_28, %dma_wait3A_75] : memref<10000x128xf32, #tpu.memory_space<vmem_shared>> -> memref<80x128xf32, #tpu.memory_space<vmem_shared>>
      %dma_wait3A_77 = arith.constant 0 : i32
      %dma_wait3A_78 = arith.constant 0 : i32
      %dma_wait3A_79 = tpu.memref_slice %arg8[%run_scoped3A_29, %dma_wait3A_77, %dma_wait3A_78] : memref<4x80x128xf32, #tpu.memory_space<vmem>> -> memref<1x80x128xf32, #tpu.memory_space<vmem>>
      %dma_wait3A_80 = tpu.memref_squeeze %dma_wait3A_79 : memref<1x80x128xf32, #tpu.memory_space<vmem>> -> memref<80x128xf32, #tpu.memory_space<vmem>>
      tpu.wait_dma2 semaphore(%run_scoped3A_58 : memref<!tpu.dma_semaphore, #tpu.memory_space<semaphore_mem>>) src(%dma_wait3A_80 : memref<80x128xf32, #tpu.memory_space<vmem>>) dst(%dma_wait3A_76 : memref<80x128xf32, #tpu.memory_space<vmem_shared>>)
      tpu.yield
    }) : () -> ()
    %mul3A_30 = arith.constant 625 : i32
    %mul3A_31 = arith.muli %arg1, %mul3A_30 : i32
    %add3A_32 = arith.constant 400 : i32
    %add3A_33 = arith.addi %mul3A_31, %add3A_32 : i32
    %run_scoped3A_34 = arith.constant 0 : i32
    "tpu.region"() ({
      %run_scoped3A_58 = tpu.sem_alloc : memref<!tpu.dma_semaphore, #tpu.memory_space<semaphore_mem>>
      %dma_start3A = arith.constant 0 : i32
      %dma_start3A_59 = arith.constant 0 : i32
      %dma_start3A_60 = tpu.memref_slice %arg8[%run_scoped3A_34, %dma_start3A, %dma_start3A_59] : memref<4x80x128xf32, #tpu.memory_space<vmem>> -> memref<1x80x128xf32, #tpu.memory_space<vmem>>
      %dma_start3A_61 = tpu.memref_squeeze %dma_start3A_60 : memref<1x80x128xf32, #tpu.memory_space<vmem>> -> memref<80x128xf32, #tpu.memory_space<vmem>>
      %dma_start3A_62 = arith.constant 0 : i32
      %dma_start3A_63 = tpu.memref_slice %arg9[%add3A_33, %dma_start3A_62] : memref<10000x128xf32, #tpu.memory_space<vmem_shared>> -> memref<80x128xf32, #tpu.memory_space<vmem_shared>>
      %dma_start3A_64 = arith.constant 0 : i32
      %dma_start3A_65 = tpu.memref_slice %arg9[%add3A_33, %dma_start3A_64] : memref<10000x128xf32, #tpu.memory_space<vmem_shared>> -> memref<80x128xf32, #tpu.memory_space<vmem_shared>>
      %dma_start3A_66 = arith.constant 0 : i32
      %dma_start3A_67 = arith.constant 0 : i32
      %dma_start3A_68 = tpu.memref_slice %arg8[%run_scoped3A_34, %dma_start3A_66, %dma_start3A_67] : memref<4x80x128xf32, #tpu.memory_space<vmem>> -> memref<1x80x128xf32, #tpu.memory_space<vmem>>
      %dma_start3A_69 = tpu.memref_squeeze %dma_start3A_68 : memref<1x80x128xf32, #tpu.memory_space<vmem>> -> memref<80x128xf32, #tpu.memory_space<vmem>>
      tpu.enqueue_dma source(%dma_start3A_69 : memref<80x128xf32, #tpu.memory_space<vmem>>) target(%dma_start3A_65 : memref<80x128xf32, #tpu.memory_space<vmem_shared>>) target_semaphore(%run_scoped3A_58 : memref<!tpu.dma_semaphore, #tpu.memory_space<semaphore_mem>>)
      %dma_wait3A = arith.constant 0 : i32
      %dma_wait3A_70 = arith.constant 0 : i32
      %dma_wait3A_71 = tpu.memref_slice %arg8[%run_scoped3A_34, %dma_wait3A, %dma_wait3A_70] : memref<4x80x128xf32, #tpu.memory_space<vmem>> -> memref<1x80x128xf32, #tpu.memory_space<vmem>>
      %dma_wait3A_72 = tpu.memref_squeeze %dma_wait3A_71 : memref<1x80x128xf32, #tpu.memory_space<vmem>> -> memref<80x128xf32, #tpu.memory_space<vmem>>
      %dma_wait3A_73 = arith.constant 0 : i32
      %dma_wait3A_74 = tpu.memref_slice %arg9[%add3A_33, %dma_wait3A_73] : memref<10000x128xf32, #tpu.memory_space<vmem_shared>> -> memref<80x128xf32, #tpu.memory_space<vmem_shared>>
      %dma_wait3A_75 = arith.constant 0 : i32
      %dma_wait3A_76 = tpu.memref_slice %arg9[%add3A_33, %dma_wait3A_75] : memref<10000x128xf32, #tpu.memory_space<vmem_shared>> -> memref<80x128xf32, #tpu.memory_space<vmem_shared>>
      %dma_wait3A_77 = arith.constant 0 : i32
      %dma_wait3A_78 = arith.constant 0 : i32
      %dma_wait3A_79 = tpu.memref_slice %arg8[%run_scoped3A_34, %dma_wait3A_77, %dma_wait3A_78] : memref<4x80x128xf32, #tpu.memory_space<vmem>> -> memref<1x80x128xf32, #tpu.memory_space<vmem>>
      %dma_wait3A_80 = tpu.memref_squeeze %dma_wait3A_79 : memref<1x80x128xf32, #tpu.memory_space<vmem>> -> memref<80x128xf32, #tpu.memory_space<vmem>>
      tpu.wait_dma2 semaphore(%run_scoped3A_58 : memref<!tpu.dma_semaphore, #tpu.memory_space<semaphore_mem>>) src(%dma_wait3A_80 : memref<80x128xf32, #tpu.memory_space<vmem>>) dst(%dma_wait3A_76 : memref<80x128xf32, #tpu.memory_space<vmem_shared>>)
      tpu.yield
    }) : () -> ()
    %mul3A_35 = arith.constant 625 : i32
    %mul3A_36 = arith.muli %arg1, %mul3A_35 : i32
    %add3A_37 = arith.constant 480 : i32
    %add3A_38 = arith.addi %mul3A_36, %add3A_37 : i32
    %run_scoped3A_39 = arith.constant 0 : i32
    "tpu.region"() ({
      %run_scoped3A_58 = tpu.sem_alloc : memref<!tpu.dma_semaphore, #tpu.memory_space<semaphore_mem>>
      %dma_start3A = arith.constant 0 : i32
      %dma_start3A_59 = arith.constant 0 : i32
      %dma_start3A_60 = tpu.memref_slice %arg8[%run_scoped3A_39, %dma_start3A, %dma_start3A_59] : memref<4x80x128xf32, #tpu.memory_space<vmem>> -> memref<1x80x128xf32, #tpu.memory_space<vmem>>
      %dma_start3A_61 = tpu.memref_squeeze %dma_start3A_60 : memref<1x80x128xf32, #tpu.memory_space<vmem>> -> memref<80x128xf32, #tpu.memory_space<vmem>>
      %dma_start3A_62 = arith.constant 0 : i32
      %dma_start3A_63 = tpu.memref_slice %arg9[%add3A_38, %dma_start3A_62] : memref<10000x128xf32, #tpu.memory_space<vmem_shared>> -> memref<80x128xf32, #tpu.memory_space<vmem_shared>>
      %dma_start3A_64 = arith.constant 0 : i32
      %dma_start3A_65 = tpu.memref_slice %arg9[%add3A_38, %dma_start3A_64] : memref<10000x128xf32, #tpu.memory_space<vmem_shared>> -> memref<80x128xf32, #tpu.memory_space<vmem_shared>>
      %dma_start3A_66 = arith.constant 0 : i32
      %dma_start3A_67 = arith.constant 0 : i32
      %dma_start3A_68 = tpu.memref_slice %arg8[%run_scoped3A_39, %dma_start3A_66, %dma_start3A_67] : memref<4x80x128xf32, #tpu.memory_space<vmem>> -> memref<1x80x128xf32, #tpu.memory_space<vmem>>
      %dma_start3A_69 = tpu.memref_squeeze %dma_start3A_68 : memref<1x80x128xf32, #tpu.memory_space<vmem>> -> memref<80x128xf32, #tpu.memory_space<vmem>>
      tpu.enqueue_dma source(%dma_start3A_69 : memref<80x128xf32, #tpu.memory_space<vmem>>) target(%dma_start3A_65 : memref<80x128xf32, #tpu.memory_space<vmem_shared>>) target_semaphore(%run_scoped3A_58 : memref<!tpu.dma_semaphore, #tpu.memory_space<semaphore_mem>>)
      %dma_wait3A = arith.constant 0 : i32
      %dma_wait3A_70 = arith.constant 0 : i32
      %dma_wait3A_71 = tpu.memref_slice %arg8[%run_scoped3A_39, %dma_wait3A, %dma_wait3A_70] : memref<4x80x128xf32, #tpu.memory_space<vmem>> -> memref<1x80x128xf32, #tpu.memory_space<vmem>>
      %dma_wait3A_72 = tpu.memref_squeeze %dma_wait3A_71 : memref<1x80x128xf32, #tpu.memory_space<vmem>> -> memref<80x128xf32, #tpu.memory_space<vmem>>
      %dma_wait3A_73 = arith.constant 0 : i32
      %dma_wait3A_74 = tpu.memref_slice %arg9[%add3A_38, %dma_wait3A_73] : memref<10000x128xf32, #tpu.memory_space<vmem_shared>> -> memref<80x128xf32, #tpu.memory_space<vmem_shared>>
      %dma_wait3A_75 = arith.constant 0 : i32
      %dma_wait3A_76 = tpu.memref_slice %arg9[%add3A_38, %dma_wait3A_75] : memref<10000x128xf32, #tpu.memory_space<vmem_shared>> -> memref<80x128xf32, #tpu.memory_space<vmem_shared>>
      %dma_wait3A_77 = arith.constant 0 : i32
      %dma_wait3A_78 = arith.constant 0 : i32
      %dma_wait3A_79 = tpu.memref_slice %arg8[%run_scoped3A_39, %dma_wait3A_77, %dma_wait3A_78] : memref<4x80x128xf32, #tpu.memory_space<vmem>> -> memref<1x80x128xf32, #tpu.memory_space<vmem>>
      %dma_wait3A_80 = tpu.memref_squeeze %dma_wait3A_79 : memref<1x80x128xf32, #tpu.memory_space<vmem>> -> memref<80x128xf32, #tpu.memory_space<vmem>>
      tpu.wait_dma2 semaphore(%run_scoped3A_58 : memref<!tpu.dma_semaphore, #tpu.memory_space<semaphore_mem>>) src(%dma_wait3A_80 : memref<80x128xf32, #tpu.memory_space<vmem>>) dst(%dma_wait3A_76 : memref<80x128xf32, #tpu.memory_space<vmem_shared>>)
      tpu.yield
    }) : () -> ()
    %mul3A_40 = arith.constant 625 : i32
    %mul3A_41 = arith.muli %arg1, %mul3A_40 : i32
    %add3A_42 = arith.constant 560 : i32
    %add3A_43 = arith.addi %mul3A_41, %add3A_42 : i32
    %run_scoped3A_44 = arith.constant 0 : i32
    "tpu.region"() ({
      %run_scoped3A_58 = tpu.sem_alloc : memref<!tpu.dma_semaphore, #tpu.memory_space<semaphore_mem>>
      %dma_start3A = arith.constant 0 : i32
      %dma_start3A_59 = arith.constant 0 : i32
      %dma_start3A_60 = tpu.memref_slice %arg8[%run_scoped3A_44, %dma_start3A, %dma_start3A_59] : memref<4x80x128xf32, #tpu.memory_space<vmem>> -> memref<1x65x128xf32, #tpu.memory_space<vmem>>
      %dma_start3A_61 = tpu.memref_squeeze %dma_start3A_60 : memref<1x65x128xf32, #tpu.memory_space<vmem>> -> memref<65x128xf32, #tpu.memory_space<vmem>>
      %dma_start3A_62 = arith.constant 0 : i32
      %dma_start3A_63 = tpu.memref_slice %arg9[%add3A_43, %dma_start3A_62] : memref<10000x128xf32, #tpu.memory_space<vmem_shared>> -> memref<65x128xf32, #tpu.memory_space<vmem_shared>>
      %dma_start3A_64 = arith.constant 0 : i32
      %dma_start3A_65 = tpu.memref_slice %arg9[%add3A_43, %dma_start3A_64] : memref<10000x128xf32, #tpu.memory_space<vmem_shared>> -> memref<65x128xf32, #tpu.memory_space<vmem_shared>>
      %dma_start3A_66 = arith.constant 0 : i32
      %dma_start3A_67 = arith.constant 0 : i32
      %dma_start3A_68 = tpu.memref_slice %arg8[%run_scoped3A_44, %dma_start3A_66, %dma_start3A_67] : memref<4x80x128xf32, #tpu.memory_space<vmem>> -> memref<1x65x128xf32, #tpu.memory_space<vmem>>
      %dma_start3A_69 = tpu.memref_squeeze %dma_start3A_68 : memref<1x65x128xf32, #tpu.memory_space<vmem>> -> memref<65x128xf32, #tpu.memory_space<vmem>>
      tpu.enqueue_dma source(%dma_start3A_69 : memref<65x128xf32, #tpu.memory_space<vmem>>) target(%dma_start3A_65 : memref<65x128xf32, #tpu.memory_space<vmem_shared>>) target_semaphore(%run_scoped3A_58 : memref<!tpu.dma_semaphore, #tpu.memory_space<semaphore_mem>>)
      %dma_wait3A = arith.constant 0 : i32
      %dma_wait3A_70 = arith.constant 0 : i32
      %dma_wait3A_71 = tpu.memref_slice %arg8[%run_scoped3A_44, %dma_wait3A, %dma_wait3A_70] : memref<4x80x128xf32, #tpu.memory_space<vmem>> -> memref<1x65x128xf32, #tpu.memory_space<vmem>>
      %dma_wait3A_72 = tpu.memref_squeeze %dma_wait3A_71 : memref<1x65x128xf32, #tpu.memory_space<vmem>> -> memref<65x128xf32, #tpu.memory_space<vmem>>
      %dma_wait3A_73 = arith.constant 0 : i32
      %dma_wait3A_74 = tpu.memref_slice %arg9[%add3A_43, %dma_wait3A_73] : memref<10000x128xf32, #tpu.memory_space<vmem_shared>> -> memref<65x128xf32, #tpu.memory_space<vmem_shared>>
      %dma_wait3A_75 = arith.constant 0 : i32
      %dma_wait3A_76 = tpu.memref_slice %arg9[%add3A_43, %dma_wait3A_75] : memref<10000x128xf32, #tpu.memory_space<vmem_shared>> -> memref<65x128xf32, #tpu.memory_space<vmem_shared>>
      %dma_wait3A_77 = arith.constant 0 : i32
      %dma_wait3A_78 = arith.constant 0 : i32
      %dma_wait3A_79 = tpu.memref_slice %arg8[%run_scoped3A_44, %dma_wait3A_77, %dma_wait3A_78] : memref<4x80x128xf32, #tpu.memory_space<vmem>> -> memref<1x65x128xf32, #tpu.memory_space<vmem>>
      %dma_wait3A_80 = tpu.memref_squeeze %dma_wait3A_79 : memref<1x65x128xf32, #tpu.memory_space<vmem>> -> memref<65x128xf32, #tpu.memory_space<vmem>>
      tpu.wait_dma2 semaphore(%run_scoped3A_58 : memref<!tpu.dma_semaphore, #tpu.memory_space<semaphore_mem>>) src(%dma_wait3A_80 : memref<65x128xf32, #tpu.memory_space<vmem>>) dst(%dma_wait3A_76 : memref<65x128xf32, #tpu.memory_space<vmem_shared>>)
      tpu.yield
    }) : () -> ()
    %barrier3A = arith.constant 0 : index
    tpu.barrier barrier_id(%barrier3A)
    %scan3A_45 = arith.constant 0 : i32
    %scan3A_46 = arith.constant 0 : i32
    %scan3A_47 = arith.constant 5 : i32
    %scan3A_48 = arith.addi %scan3A_46, %scan3A_47 : i32
    %scan3A_49 = arith.constant 1 : i32
    scf.for %scan3A_58 = %scan3A_46 to %scan3A_48 step %scan3A_49  : i32 {
      "tpu.region"() ({
        %run_scoped3A_168 = tpu.sem_alloc : memref<!tpu.dma_semaphore, #tpu.memory_space<semaphore_mem>>
        %dma_start3A_169 = arith.constant 0 : i32
        %dma_start3A_170 = arith.constant 0 : i32
        %dma_start3A_171 = tpu.memref_slice %arg3[%add3A, %scan3A_58, %dma_start3A_169, %dma_start3A_170] : memref<32x5x25x80xi32, #tpu.memory_space<hbm>> -> memref<1x1x25x80xi32, #tpu.memory_space<hbm>>
        %dma_start3A_172 = tpu.memref_squeeze %dma_start3A_171 : memref<1x1x25x80xi32, #tpu.memory_space<hbm>> -> memref<25x80xi32, #tpu.memory_space<hbm>>
        %dma_start3A_173 = arith.constant 0 : i32
        %dma_start3A_174 = arith.constant 0 : i32
        %dma_start3A_175 = tpu.memref_slice %arg3[%add3A, %scan3A_58, %dma_start3A_173, %dma_start3A_174] : memref<32x5x25x80xi32, #tpu.memory_space<hbm>> -> memref<1x1x25x80xi32, #tpu.memory_space<hbm>>
        %dma_start3A_176 = tpu.memref_squeeze %dma_start3A_175 : memref<1x1x25x80xi32, #tpu.memory_space<hbm>> -> memref<25x80xi32, #tpu.memory_space<hbm>>
        tpu.enqueue_dma source(%dma_start3A_176 : memref<25x80xi32, #tpu.memory_space<hbm>>) target(%arg6 : memref<25x80xi32, #tpu.memory_space<vmem>>) target_semaphore(%run_scoped3A_168 : memref<!tpu.dma_semaphore, #tpu.memory_space<semaphore_mem>>)
        %dma_wait3A_177 = arith.constant 0 : i32
        %dma_wait3A_178 = arith.constant 0 : i32
        %dma_wait3A_179 = tpu.memref_slice %arg3[%add3A, %scan3A_58, %dma_wait3A_177, %dma_wait3A_178] : memref<32x5x25x80xi32, #tpu.memory_space<hbm>> -> memref<1x1x25x80xi32, #tpu.memory_space<hbm>>
        %dma_wait3A_180 = tpu.memref_squeeze %dma_wait3A_179 : memref<1x1x25x80xi32, #tpu.memory_space<hbm>> -> memref<25x80xi32, #tpu.memory_space<hbm>>
        %dma_wait3A_181 = arith.constant 0 : i32
        %dma_wait3A_182 = arith.constant 0 : i32
        %dma_wait3A_183 = tpu.memref_slice %arg3[%add3A, %scan3A_58, %dma_wait3A_181, %dma_wait3A_182] : memref<32x5x25x80xi32, #tpu.memory_space<hbm>> -> memref<1x1x25x80xi32, #tpu.memory_space<hbm>>
        %dma_wait3A_184 = tpu.memref_squeeze %dma_wait3A_183 : memref<1x1x25x80xi32, #tpu.memory_space<hbm>> -> memref<25x80xi32, #tpu.memory_space<hbm>>
        tpu.wait_dma2 semaphore(%run_scoped3A_168 : memref<!tpu.dma_semaphore, #tpu.memory_space<semaphore_mem>>) src(%dma_wait3A_184 : memref<25x80xi32, #tpu.memory_space<hbm>>) dst(%arg6 : memref<25x80xi32, #tpu.memory_space<vmem>>)
        tpu.yield
      }) : () -> ()
      "tpu.region"() ({
        %run_scoped3A_168 = tpu.sem_alloc : memref<!tpu.dma_semaphore, #tpu.memory_space<semaphore_mem>>
        %dma_start3A_169 = arith.constant 0 : i32
        %dma_start3A_170 = arith.constant 0 : i32
        %dma_start3A_171 = tpu.memref_slice %arg4[%add3A, %scan3A_58, %dma_start3A_169, %dma_start3A_170] : memref<32x5x25x80xi32, #tpu.memory_space<hbm>> -> memref<1x1x25x80xi32, #tpu.memory_space<hbm>>
        %dma_start3A_172 = tpu.memref_squeeze %dma_start3A_171 : memref<1x1x25x80xi32, #tpu.memory_space<hbm>> -> memref<25x80xi32, #tpu.memory_space<hbm>>
        %dma_start3A_173 = arith.constant 0 : i32
        %dma_start3A_174 = arith.constant 0 : i32
        %dma_start3A_175 = tpu.memref_slice %arg4[%add3A, %scan3A_58, %dma_start3A_173, %dma_start3A_174] : memref<32x5x25x80xi32, #tpu.memory_space<hbm>> -> memref<1x1x25x80xi32, #tpu.memory_space<hbm>>
        %dma_start3A_176 = tpu.memref_squeeze %dma_start3A_175 : memref<1x1x25x80xi32, #tpu.memory_space<hbm>> -> memref<25x80xi32, #tpu.memory_space<hbm>>
        tpu.enqueue_dma source(%dma_start3A_176 : memref<25x80xi32, #tpu.memory_space<hbm>>) target(%arg7 : memref<25x80xi32, #tpu.memory_space<vmem>>) target_semaphore(%run_scoped3A_168 : memref<!tpu.dma_semaphore, #tpu.memory_space<semaphore_mem>>)
        %dma_wait3A_177 = arith.constant 0 : i32
        %dma_wait3A_178 = arith.constant 0 : i32
        %dma_wait3A_179 = tpu.memref_slice %arg4[%add3A, %scan3A_58, %dma_wait3A_177, %dma_wait3A_178] : memref<32x5x25x80xi32, #tpu.memory_space<hbm>> -> memref<1x1x25x80xi32, #tpu.memory_space<hbm>>
        %dma_wait3A_180 = tpu.memref_squeeze %dma_wait3A_179 : memref<1x1x25x80xi32, #tpu.memory_space<hbm>> -> memref<25x80xi32, #tpu.memory_space<hbm>>
        %dma_wait3A_181 = arith.constant 0 : i32
        %dma_wait3A_182 = arith.constant 0 : i32
        %dma_wait3A_183 = tpu.memref_slice %arg4[%add3A, %scan3A_58, %dma_wait3A_181, %dma_wait3A_182] : memref<32x5x25x80xi32, #tpu.memory_space<hbm>> -> memref<1x1x25x80xi32, #tpu.memory_space<hbm>>
        %dma_wait3A_184 = tpu.memref_squeeze %dma_wait3A_183 : memref<1x1x25x80xi32, #tpu.memory_space<hbm>> -> memref<25x80xi32, #tpu.memory_space<hbm>>
        tpu.wait_dma2 semaphore(%run_scoped3A_168 : memref<!tpu.dma_semaphore, #tpu.memory_space<semaphore_mem>>) src(%dma_wait3A_184 : memref<25x80xi32, #tpu.memory_space<hbm>>) dst(%arg7 : memref<25x80xi32, #tpu.memory_space<vmem>>)
        tpu.yield
      }) : () -> ()
      %dma_start3A = arith.constant 0 : i32
      %dma_start3A_59 = arith.constant 0 : i32
      %dma_start3A_60 = arith.constant 0 : i32
      %dma_start3A_61 = arith.constant 0 : i32
      %dma_start3A_62 = arith.constant 0 : i32
      %dma_start3A_63 = tpu.memref_slice %arg8[%dma_start3A_59, %dma_start3A_61, %dma_start3A_62] : memref<4x80x128xf32, #tpu.memory_space<vmem>> -> memref<1x80x128xf32, #tpu.memory_space<vmem>>
      %dma_start3A_64 = tpu.memref_squeeze %dma_start3A_63 : memref<1x80x128xf32, #tpu.memory_space<vmem>> -> memref<80x128xf32, #tpu.memory_space<vmem>>
      %dma_start3A_65 = arith.constant 0 : i32
      %dma_start3A_66 = tpu.memref_slice %arg6[%dma_start3A, %dma_start3A_65] : memref<25x80xi32, #tpu.memory_space<vmem>> -> memref<1x80xi32, #tpu.memory_space<vmem>>
      %dma_start3A_67 = tpu.memref_squeeze %dma_start3A_66 : memref<1x80xi32, #tpu.memory_space<vmem>> -> memref<80xi32, #tpu.memory_space<vmem>>
      %dma_start3A_68 = arith.constant 0 : i32
      %dma_start3A_69 = arith.constant 0 : i32
      %dma_start3A_70 = tpu.memref_slice %arg2[%dma_start3A_68, %dma_start3A_69] : memref<10000x128xf32, #tpu.memory_space<hbm>> -> memref<10000x128xf32, #tpu.memory_space<hbm>>
      %dma_start3A_71 = tpu.memref_slice %arg10[%dma_start3A_60] : memref<4x!tpu.dma_semaphore, #tpu.memory_space<semaphore_mem>> -> memref<1x!tpu.dma_semaphore, #tpu.memory_space<semaphore_mem>>
      %dma_start3A_72 = tpu.memref_squeeze %dma_start3A_71 : memref<1x!tpu.dma_semaphore, #tpu.memory_space<semaphore_mem>> -> memref<!tpu.dma_semaphore, #tpu.memory_space<semaphore_mem>>
      tpu.enqueue_indirect_dma source(%dma_start3A_70 : memref<10000x128xf32, #tpu.memory_space<hbm>>) target(%dma_start3A_64 : memref<80x128xf32, #tpu.memory_space<vmem>>) offsets(%dma_start3A_67 : memref<80xi32, #tpu.memory_space<vmem>>) semaphore(%dma_start3A_72 : memref<!tpu.dma_semaphore, #tpu.memory_space<semaphore_mem>>)
      %dma_start3A_73 = arith.constant 1 : i32
      %dma_start3A_74 = arith.constant 1 : i32
      %dma_start3A_75 = arith.constant 1 : i32
      %dma_start3A_76 = arith.constant 0 : i32
      %dma_start3A_77 = arith.constant 0 : i32
      %dma_start3A_78 = tpu.memref_slice %arg8[%dma_start3A_74, %dma_start3A_76, %dma_start3A_77] : memref<4x80x128xf32, #tpu.memory_space<vmem>> -> memref<1x80x128xf32, #tpu.memory_space<vmem>>
      %dma_start3A_79 = tpu.memref_squeeze %dma_start3A_78 : memref<1x80x128xf32, #tpu.memory_space<vmem>> -> memref<80x128xf32, #tpu.memory_space<vmem>>
      %dma_start3A_80 = arith.constant 0 : i32
      %dma_start3A_81 = tpu.memref_slice %arg6[%dma_start3A_73, %dma_start3A_80] : memref<25x80xi32, #tpu.memory_space<vmem>> -> memref<1x80xi32, #tpu.memory_space<vmem>>
      %dma_start3A_82 = tpu.memref_squeeze %dma_start3A_81 : memref<1x80xi32, #tpu.memory_space<vmem>> -> memref<80xi32, #tpu.memory_space<vmem>>
      %dma_start3A_83 = arith.constant 0 : i32
      %dma_start3A_84 = arith.constant 0 : i32
      %dma_start3A_85 = tpu.memref_slice %arg2[%dma_start3A_83, %dma_start3A_84] : memref<10000x128xf32, #tpu.memory_space<hbm>> -> memref<10000x128xf32, #tpu.memory_space<hbm>>
      %dma_start3A_86 = tpu.memref_slice %arg10[%dma_start3A_75] : memref<4x!tpu.dma_semaphore, #tpu.memory_space<semaphore_mem>> -> memref<1x!tpu.dma_semaphore, #tpu.memory_space<semaphore_mem>>
      %dma_start3A_87 = tpu.memref_squeeze %dma_start3A_86 : memref<1x!tpu.dma_semaphore, #tpu.memory_space<semaphore_mem>> -> memref<!tpu.dma_semaphore, #tpu.memory_space<semaphore_mem>>
      tpu.enqueue_indirect_dma source(%dma_start3A_85 : memref<10000x128xf32, #tpu.memory_space<hbm>>) target(%dma_start3A_79 : memref<80x128xf32, #tpu.memory_space<vmem>>) offsets(%dma_start3A_82 : memref<80xi32, #tpu.memory_space<vmem>>) semaphore(%dma_start3A_87 : memref<!tpu.dma_semaphore, #tpu.memory_space<semaphore_mem>>)
      %dma_start3A_88 = arith.constant 2 : i32
      %dma_start3A_89 = arith.constant 2 : i32
      %dma_start3A_90 = arith.constant 2 : i32
      %dma_start3A_91 = arith.constant 0 : i32
      %dma_start3A_92 = arith.constant 0 : i32
      %dma_start3A_93 = tpu.memref_slice %arg8[%dma_start3A_89, %dma_start3A_91, %dma_start3A_92] : memref<4x80x128xf32, #tpu.memory_space<vmem>> -> memref<1x80x128xf32, #tpu.memory_space<vmem>>
      %dma_start3A_94 = tpu.memref_squeeze %dma_start3A_93 : memref<1x80x128xf32, #tpu.memory_space<vmem>> -> memref<80x128xf32, #tpu.memory_space<vmem>>
      %dma_start3A_95 = arith.constant 0 : i32
      %dma_start3A_96 = tpu.memref_slice %arg6[%dma_start3A_88, %dma_start3A_95] : memref<25x80xi32, #tpu.memory_space<vmem>> -> memref<1x80xi32, #tpu.memory_space<vmem>>
      %dma_start3A_97 = tpu.memref_squeeze %dma_start3A_96 : memref<1x80xi32, #tpu.memory_space<vmem>> -> memref<80xi32, #tpu.memory_space<vmem>>
      %dma_start3A_98 = arith.constant 0 : i32
      %dma_start3A_99 = arith.constant 0 : i32
      %dma_start3A_100 = tpu.memref_slice %arg2[%dma_start3A_98, %dma_start3A_99] : memref<10000x128xf32, #tpu.memory_space<hbm>> -> memref<10000x128xf32, #tpu.memory_space<hbm>>
      %dma_start3A_101 = tpu.memref_slice %arg10[%dma_start3A_90] : memref<4x!tpu.dma_semaphore, #tpu.memory_space<semaphore_mem>> -> memref<1x!tpu.dma_semaphore, #tpu.memory_space<semaphore_mem>>
      %dma_start3A_102 = tpu.memref_squeeze %dma_start3A_101 : memref<1x!tpu.dma_semaphore, #tpu.memory_space<semaphore_mem>> -> memref<!tpu.dma_semaphore, #tpu.memory_space<semaphore_mem>>
      tpu.enqueue_indirect_dma source(%dma_start3A_100 : memref<10000x128xf32, #tpu.memory_space<hbm>>) target(%dma_start3A_94 : memref<80x128xf32, #tpu.memory_space<vmem>>) offsets(%dma_start3A_97 : memref<80xi32, #tpu.memory_space<vmem>>) semaphore(%dma_start3A_102 : memref<!tpu.dma_semaphore, #tpu.memory_space<semaphore_mem>>)
      %scan3A_103 = arith.constant 0 : i32
      %scan3A_104 = arith.constant 0 : i32
      %scan3A_105 = arith.constant 25 : i32
      %scan3A_106 = arith.addi %scan3A_104, %scan3A_105 : i32
      %scan3A_107 = arith.constant 1 : i32
      scf.for %scan3A_168 = %scan3A_104 to %scan3A_106 step %scan3A_107  : i32 {
        %rem3A = arith.constant 4 : i32
        %rem3A_169 = arith.remsi %scan3A_168, %rem3A : i32
        %add3A_170 = arith.constant 3 : i32
        %add3A_171 = arith.addi %scan3A_168, %add3A_170 : i32
        %rem3A_172 = arith.constant 4 : i32
        %rem3A_173 = arith.remsi %add3A_171, %rem3A_172 : i32
        %dma_wait3A_174 = arith.constant 0 : i32
        %dma_wait3A_175 = arith.constant 0 : i32
        %dma_wait3A_176 = tpu.memref_slice %arg8[%rem3A_169, %dma_wait3A_174, %dma_wait3A_175] : memref<4x80x128xf32, #tpu.memory_space<vmem>> -> memref<1x80x128xf32, #tpu.memory_space<vmem>>
        %dma_wait3A_177 = tpu.memref_squeeze %dma_wait3A_176 : memref<1x80x128xf32, #tpu.memory_space<vmem>> -> memref<80x128xf32, #tpu.memory_space<vmem>>
        %dma_wait3A_178 = arith.constant 0 : i32
        %dma_wait3A_179 = tpu.memref_slice %arg6[%scan3A_168, %dma_wait3A_178] : memref<25x80xi32, #tpu.memory_space<vmem>> -> memref<1x80xi32, #tpu.memory_space<vmem>>
        %dma_wait3A_180 = tpu.memref_squeeze %dma_wait3A_179 : memref<1x80xi32, #tpu.memory_space<vmem>> -> memref<80xi32, #tpu.memory_space<vmem>>
        %dma_wait3A_181 = arith.constant 0 : i32
        %dma_wait3A_182 = arith.constant 0 : i32
        %dma_wait3A_183 = tpu.memref_slice %arg2[%dma_wait3A_181, %dma_wait3A_182] : memref<10000x128xf32, #tpu.memory_space<hbm>> -> memref<10000x128xf32, #tpu.memory_space<hbm>>
        %dma_wait3A_184 = tpu.memref_slice %arg10[%rem3A_169] : memref<4x!tpu.dma_semaphore, #tpu.memory_space<semaphore_mem>> -> memref<1x!tpu.dma_semaphore, #tpu.memory_space<semaphore_mem>>
        %dma_wait3A_185 = tpu.memref_squeeze %dma_wait3A_184 : memref<1x!tpu.dma_semaphore, #tpu.memory_space<semaphore_mem>> -> memref<!tpu.dma_semaphore, #tpu.memory_space<semaphore_mem>>
        tpu.wait_indirect_dma semaphore(%dma_wait3A_185 : memref<!tpu.dma_semaphore, #tpu.memory_space<semaphore_mem>>) src(%dma_wait3A_183 : memref<10000x128xf32, #tpu.memory_space<hbm>>) dst(%dma_wait3A_177 : memref<80x128xf32, #tpu.memory_space<vmem>>)
        %ge3A = arith.constant 1 : i32
        %ge3A_186 = arith.cmpi sge, %scan3A_168, %ge3A : i32
        %add3A_187 = arith.constant 3 : i32
        %add3A_188 = arith.addi %scan3A_168, %add3A_187 : i32
        %lt3A_189 = arith.constant 25 : i32
        %lt3A_190 = arith.cmpi slt, %add3A_188, %lt3A_189 : i32
        %and3A = arith.andi %ge3A_186, %lt3A_190 : i1
        %convert_element_type3A_191 = arith.extui %and3A : i1 to i32
        %cond3A_192 = arith.constant 0 : i32
        %cond3A_193 = arith.cmpi ne, %convert_element_type3A_191, %cond3A_192 : i32
        scf.if %cond3A_193 {
          %sub3A = arith.constant 1 : i32
          %sub3A_213 = arith.subi %scan3A_168, %sub3A : i32
          %dma_wait3A_214 = arith.constant 0 : i32
          %dma_wait3A_215 = arith.constant 0 : i32
          %dma_wait3A_216 = tpu.memref_slice %arg8[%rem3A_173, %dma_wait3A_214, %dma_wait3A_215] : memref<4x80x128xf32, #tpu.memory_space<vmem>> -> memref<1x80x128xf32, #tpu.memory_space<vmem>>
          %dma_wait3A_217 = tpu.memref_squeeze %dma_wait3A_216 : memref<1x80x128xf32, #tpu.memory_space<vmem>> -> memref<80x128xf32, #tpu.memory_space<vmem>>
          %dma_wait3A_218 = arith.constant 0 : i32
          %dma_wait3A_219 = tpu.memref_slice %arg7[%sub3A_213, %dma_wait3A_218] : memref<25x80xi32, #tpu.memory_space<vmem>> -> memref<1x80xi32, #tpu.memory_space<vmem>>
          %dma_wait3A_220 = tpu.memref_squeeze %dma_wait3A_219 : memref<1x80xi32, #tpu.memory_space<vmem>> -> memref<80xi32, #tpu.memory_space<vmem>>
          %dma_wait3A_221 = arith.constant 0 : i32
          %dma_wait3A_222 = arith.constant 0 : i32
          %dma_wait3A_223 = tpu.memref_slice %arg9[%dma_wait3A_221, %dma_wait3A_222] : memref<10000x128xf32, #tpu.memory_space<vmem_shared>> -> memref<10000x128xf32, #tpu.memory_space<vmem_shared>>
          %dma_wait3A_224 = tpu.memref_slice %arg11[%rem3A_173] : memref<4x!tpu.dma_semaphore, #tpu.memory_space<semaphore_mem>> -> memref<1x!tpu.dma_semaphore, #tpu.memory_space<semaphore_mem>>
          %dma_wait3A_225 = tpu.memref_squeeze %dma_wait3A_224 : memref<1x!tpu.dma_semaphore, #tpu.memory_space<semaphore_mem>> -> memref<!tpu.dma_semaphore, #tpu.memory_space<semaphore_mem>>
          tpu.wait_indirect_dma semaphore(%dma_wait3A_225 : memref<!tpu.dma_semaphore, #tpu.memory_space<semaphore_mem>>) src(%dma_wait3A_217 : memref<80x128xf32, #tpu.memory_space<vmem>>) dst(%dma_wait3A_223 : memref<10000x128xf32, #tpu.memory_space<vmem_shared>>)
        } else {
        }
        %add3A_194 = arith.constant 3 : i32
        %add3A_195 = arith.addi %scan3A_168, %add3A_194 : i32
        %lt3A_196 = arith.constant 25 : i32
        %lt3A_197 = arith.cmpi slt, %add3A_195, %lt3A_196 : i32
        %convert_element_type3A_198 = arith.extui %lt3A_197 : i1 to i32
        %cond3A_199 = arith.constant 0 : i32
        %cond3A_200 = arith.cmpi ne, %convert_element_type3A_198, %cond3A_199 : i32
        scf.if %cond3A_200 {
          %add3A_213 = arith.constant 3 : i32
          %add3A_214 = arith.addi %scan3A_168, %add3A_213 : i32
          %dma_start3A_215 = arith.constant 0 : i32
          %dma_start3A_216 = arith.constant 0 : i32
          %dma_start3A_217 = tpu.memref_slice %arg8[%rem3A_173, %dma_start3A_215, %dma_start3A_216] : memref<4x80x128xf32, #tpu.memory_space<vmem>> -> memref<1x80x128xf32, #tpu.memory_space<vmem>>
          %dma_start3A_218 = tpu.memref_squeeze %dma_start3A_217 : memref<1x80x128xf32, #tpu.memory_space<vmem>> -> memref<80x128xf32, #tpu.memory_space<vmem>>
          %dma_start3A_219 = arith.constant 0 : i32
          %dma_start3A_220 = tpu.memref_slice %arg6[%add3A_214, %dma_start3A_219] : memref<25x80xi32, #tpu.memory_space<vmem>> -> memref<1x80xi32, #tpu.memory_space<vmem>>
          %dma_start3A_221 = tpu.memref_squeeze %dma_start3A_220 : memref<1x80xi32, #tpu.memory_space<vmem>> -> memref<80xi32, #tpu.memory_space<vmem>>
          %dma_start3A_222 = arith.constant 0 : i32
          %dma_start3A_223 = arith.constant 0 : i32
          %dma_start3A_224 = tpu.memref_slice %arg2[%dma_start3A_222, %dma_start3A_223] : memref<10000x128xf32, #tpu.memory_space<hbm>> -> memref<10000x128xf32, #tpu.memory_space<hbm>>
          %dma_start3A_225 = tpu.memref_slice %arg10[%rem3A_173] : memref<4x!tpu.dma_semaphore, #tpu.memory_space<semaphore_mem>> -> memref<1x!tpu.dma_semaphore, #tpu.memory_space<semaphore_mem>>
          %dma_start3A_226 = tpu.memref_squeeze %dma_start3A_225 : memref<1x!tpu.dma_semaphore, #tpu.memory_space<semaphore_mem>> -> memref<!tpu.dma_semaphore, #tpu.memory_space<semaphore_mem>>
          tpu.enqueue_indirect_dma source(%dma_start3A_224 : memref<10000x128xf32, #tpu.memory_space<hbm>>) target(%dma_start3A_218 : memref<80x128xf32, #tpu.memory_space<vmem>>) offsets(%dma_start3A_221 : memref<80xi32, #tpu.memory_space<vmem>>) semaphore(%dma_start3A_226 : memref<!tpu.dma_semaphore, #tpu.memory_space<semaphore_mem>>)
        } else {
        }
        %dma_start3A_201 = arith.constant 0 : i32
        %dma_start3A_202 = arith.constant 0 : i32
        %dma_start3A_203 = tpu.memref_slice %arg8[%rem3A_169, %dma_start3A_201, %dma_start3A_202] : memref<4x80x128xf32, #tpu.memory_space<vmem>> -> memref<1x80x128xf32, #tpu.memory_space<vmem>>
        %dma_start3A_204 = tpu.memref_squeeze %dma_start3A_203 : memref<1x80x128xf32, #tpu.memory_space<vmem>> -> memref<80x128xf32, #tpu.memory_space<vmem>>
        %dma_start3A_205 = arith.constant 0 : i32
        %dma_start3A_206 = tpu.memref_slice %arg7[%scan3A_168, %dma_start3A_205] : memref<25x80xi32, #tpu.memory_space<vmem>> -> memref<1x80xi32, #tpu.memory_space<vmem>>
        %dma_start3A_207 = tpu.memref_squeeze %dma_start3A_206 : memref<1x80xi32, #tpu.memory_space<vmem>> -> memref<80xi32, #tpu.memory_space<vmem>>
        %dma_start3A_208 = arith.constant 0 : i32
        %dma_start3A_209 = arith.constant 0 : i32
        %dma_start3A_210 = tpu.memref_slice %arg9[%dma_start3A_208, %dma_start3A_209] : memref<10000x128xf32, #tpu.memory_space<vmem_shared>> -> memref<10000x128xf32, #tpu.memory_space<vmem_shared>>
        %dma_start3A_211 = tpu.memref_slice %arg11[%rem3A_169] : memref<4x!tpu.dma_semaphore, #tpu.memory_space<semaphore_mem>> -> memref<1x!tpu.dma_semaphore, #tpu.memory_space<semaphore_mem>>
        %dma_start3A_212 = tpu.memref_squeeze %dma_start3A_211 : memref<1x!tpu.dma_semaphore, #tpu.memory_space<semaphore_mem>> -> memref<!tpu.dma_semaphore, #tpu.memory_space<semaphore_mem>>
        tpu.enqueue_indirect_dma source(%dma_start3A_204 : memref<80x128xf32, #tpu.memory_space<vmem>>) target(%dma_start3A_210 : memref<10000x128xf32, #tpu.memory_space<vmem_shared>>) offsets(%dma_start3A_207 : memref<80xi32, #tpu.memory_space<vmem>>) semaphore(%dma_start3A_212 : memref<!tpu.dma_semaphore, #tpu.memory_space<semaphore_mem>>) {add = true}
      }
      %scan3A_108 = arith.constant 25 : i32
      %dma_wait3A = arith.constant 1 : i32
      %dma_wait3A_109 = arith.constant 21 : i32
      %dma_wait3A_110 = arith.constant 1 : i32
      %dma_wait3A_111 = arith.constant 0 : i32
      %dma_wait3A_112 = arith.constant 0 : i32
      %dma_wait3A_113 = tpu.memref_slice %arg8[%dma_wait3A, %dma_wait3A_111, %dma_wait3A_112] : memref<4x80x128xf32, #tpu.memory_space<vmem>> -> memref<1x80x128xf32, #tpu.memory_space<vmem>>
      %dma_wait3A_114 = tpu.memref_squeeze %dma_wait3A_113 : memref<1x80x128xf32, #tpu.memory_space<vmem>> -> memref<80x128xf32, #tpu.memory_space<vmem>>
      %dma_wait3A_115 = arith.constant 0 : i32
      %dma_wait3A_116 = tpu.memref_slice %arg7[%dma_wait3A_109, %dma_wait3A_115] : memref<25x80xi32, #tpu.memory_space<vmem>> -> memref<1x80xi32, #tpu.memory_space<vmem>>
      %dma_wait3A_117 = tpu.memref_squeeze %dma_wait3A_116 : memref<1x80xi32, #tpu.memory_space<vmem>> -> memref<80xi32, #tpu.memory_space<vmem>>
      %dma_wait3A_118 = arith.constant 0 : i32
      %dma_wait3A_119 = arith.constant 0 : i32
      %dma_wait3A_120 = tpu.memref_slice %arg9[%dma_wait3A_118, %dma_wait3A_119] : memref<10000x128xf32, #tpu.memory_space<vmem_shared>> -> memref<10000x128xf32, #tpu.memory_space<vmem_shared>>
      %dma_wait3A_121 = tpu.memref_slice %arg11[%dma_wait3A_110] : memref<4x!tpu.dma_semaphore, #tpu.memory_space<semaphore_mem>> -> memref<1x!tpu.dma_semaphore, #tpu.memory_space<semaphore_mem>>
      %dma_wait3A_122 = tpu.memref_squeeze %dma_wait3A_121 : memref<1x!tpu.dma_semaphore, #tpu.memory_space<semaphore_mem>> -> memref<!tpu.dma_semaphore, #tpu.memory_space<semaphore_mem>>
      tpu.wait_indirect_dma semaphore(%dma_wait3A_122 : memref<!tpu.dma_semaphore, #tpu.memory_space<semaphore_mem>>) src(%dma_wait3A_114 : memref<80x128xf32, #tpu.memory_space<vmem>>) dst(%dma_wait3A_120 : memref<10000x128xf32, #tpu.memory_space<vmem_shared>>)
      %dma_wait3A_123 = arith.constant 2 : i32
      %dma_wait3A_124 = arith.constant 22 : i32
      %dma_wait3A_125 = arith.constant 2 : i32
      %dma_wait3A_126 = arith.constant 0 : i32
      %dma_wait3A_127 = arith.constant 0 : i32
      %dma_wait3A_128 = tpu.memref_slice %arg8[%dma_wait3A_123, %dma_wait3A_126, %dma_wait3A_127] : memref<4x80x128xf32, #tpu.memory_space<vmem>> -> memref<1x80x128xf32, #tpu.memory_space<vmem>>
      %dma_wait3A_129 = tpu.memref_squeeze %dma_wait3A_128 : memref<1x80x128xf32, #tpu.memory_space<vmem>> -> memref<80x128xf32, #tpu.memory_space<vmem>>
      %dma_wait3A_130 = arith.constant 0 : i32
      %dma_wait3A_131 = tpu.memref_slice %arg7[%dma_wait3A_124, %dma_wait3A_130] : memref<25x80xi32, #tpu.memory_space<vmem>> -> memref<1x80xi32, #tpu.memory_space<vmem>>
      %dma_wait3A_132 = tpu.memref_squeeze %dma_wait3A_131 : memref<1x80xi32, #tpu.memory_space<vmem>> -> memref<80xi32, #tpu.memory_space<vmem>>
      %dma_wait3A_133 = arith.constant 0 : i32
      %dma_wait3A_134 = arith.constant 0 : i32
      %dma_wait3A_135 = tpu.memref_slice %arg9[%dma_wait3A_133, %dma_wait3A_134] : memref<10000x128xf32, #tpu.memory_space<vmem_shared>> -> memref<10000x128xf32, #tpu.memory_space<vmem_shared>>
      %dma_wait3A_136 = tpu.memref_slice %arg11[%dma_wait3A_125] : memref<4x!tpu.dma_semaphore, #tpu.memory_space<semaphore_mem>> -> memref<1x!tpu.dma_semaphore, #tpu.memory_space<semaphore_mem>>
      %dma_wait3A_137 = tpu.memref_squeeze %dma_wait3A_136 : memref<1x!tpu.dma_semaphore, #tpu.memory_space<semaphore_mem>> -> memref<!tpu.dma_semaphore, #tpu.memory_space<semaphore_mem>>
      tpu.wait_indirect_dma semaphore(%dma_wait3A_137 : memref<!tpu.dma_semaphore, #tpu.memory_space<semaphore_mem>>) src(%dma_wait3A_129 : memref<80x128xf32, #tpu.memory_space<vmem>>) dst(%dma_wait3A_135 : memref<10000x128xf32, #tpu.memory_space<vmem_shared>>)
      %dma_wait3A_138 = arith.constant 3 : i32
      %dma_wait3A_139 = arith.constant 23 : i32
      %dma_wait3A_140 = arith.constant 3 : i32
      %dma_wait3A_141 = arith.constant 0 : i32
      %dma_wait3A_142 = arith.constant 0 : i32
      %dma_wait3A_143 = tpu.memref_slice %arg8[%dma_wait3A_138, %dma_wait3A_141, %dma_wait3A_142] : memref<4x80x128xf32, #tpu.memory_space<vmem>> -> memref<1x80x128xf32, #tpu.memory_space<vmem>>
      %dma_wait3A_144 = tpu.memref_squeeze %dma_wait3A_143 : memref<1x80x128xf32, #tpu.memory_space<vmem>> -> memref<80x128xf32, #tpu.memory_space<vmem>>
      %dma_wait3A_145 = arith.constant 0 : i32
      %dma_wait3A_146 = tpu.memref_slice %arg7[%dma_wait3A_139, %dma_wait3A_145] : memref<25x80xi32, #tpu.memory_space<vmem>> -> memref<1x80xi32, #tpu.memory_space<vmem>>
      %dma_wait3A_147 = tpu.memref_squeeze %dma_wait3A_146 : memref<1x80xi32, #tpu.memory_space<vmem>> -> memref<80xi32, #tpu.memory_space<vmem>>
      %dma_wait3A_148 = arith.constant 0 : i32
      %dma_wait3A_149 = arith.constant 0 : i32
      %dma_wait3A_150 = tpu.memref_slice %arg9[%dma_wait3A_148, %dma_wait3A_149] : memref<10000x128xf32, #tpu.memory_space<vmem_shared>> -> memref<10000x128xf32, #tpu.memory_space<vmem_shared>>
      %dma_wait3A_151 = tpu.memref_slice %arg11[%dma_wait3A_140] : memref<4x!tpu.dma_semaphore, #tpu.memory_space<semaphore_mem>> -> memref<1x!tpu.dma_semaphore, #tpu.memory_space<semaphore_mem>>
      %dma_wait3A_152 = tpu.memref_squeeze %dma_wait3A_151 : memref<1x!tpu.dma_semaphore, #tpu.memory_space<semaphore_mem>> -> memref<!tpu.dma_semaphore, #tpu.memory_space<semaphore_mem>>
      tpu.wait_indirect_dma semaphore(%dma_wait3A_152 : memref<!tpu.dma_semaphore, #tpu.memory_space<semaphore_mem>>) src(%dma_wait3A_144 : memref<80x128xf32, #tpu.memory_space<vmem>>) dst(%dma_wait3A_150 : memref<10000x128xf32, #tpu.memory_space<vmem_shared>>)
      %dma_wait3A_153 = arith.constant 0 : i32
      %dma_wait3A_154 = arith.constant 24 : i32
      %dma_wait3A_155 = arith.constant 0 : i32
      %dma_wait3A_156 = arith.constant 0 : i32
      %dma_wait3A_157 = arith.constant 0 : i32
      %dma_wait3A_158 = tpu.memref_slice %arg8[%dma_wait3A_153, %dma_wait3A_156, %dma_wait3A_157] : memref<4x80x128xf32, #tpu.memory_space<vmem>> -> memref<1x80x128xf32, #tpu.memory_space<vmem>>
      %dma_wait3A_159 = tpu.memref_squeeze %dma_wait3A_158 : memref<1x80x128xf32, #tpu.memory_space<vmem>> -> memref<80x128xf32, #tpu.memory_space<vmem>>
      %dma_wait3A_160 = arith.constant 0 : i32
      %dma_wait3A_161 = tpu.memref_slice %arg7[%dma_wait3A_154, %dma_wait3A_160] : memref<25x80xi32, #tpu.memory_space<vmem>> -> memref<1x80xi32, #tpu.memory_space<vmem>>
      %dma_wait3A_162 = tpu.memref_squeeze %dma_wait3A_161 : memref<1x80xi32, #tpu.memory_space<vmem>> -> memref<80xi32, #tpu.memory_space<vmem>>
      %dma_wait3A_163 = arith.constant 0 : i32
      %dma_wait3A_164 = arith.constant 0 : i32
      %dma_wait3A_165 = tpu.memref_slice %arg9[%dma_wait3A_163, %dma_wait3A_164] : memref<10000x128xf32, #tpu.memory_space<vmem_shared>> -> memref<10000x128xf32, #tpu.memory_space<vmem_shared>>
      %dma_wait3A_166 = tpu.memref_slice %arg11[%dma_wait3A_155] : memref<4x!tpu.dma_semaphore, #tpu.memory_space<semaphore_mem>> -> memref<1x!tpu.dma_semaphore, #tpu.memory_space<semaphore_mem>>
      %dma_wait3A_167 = tpu.memref_squeeze %dma_wait3A_166 : memref<1x!tpu.dma_semaphore, #tpu.memory_space<semaphore_mem>> -> memref<!tpu.dma_semaphore, #tpu.memory_space<semaphore_mem>>
      tpu.wait_indirect_dma semaphore(%dma_wait3A_167 : memref<!tpu.dma_semaphore, #tpu.memory_space<semaphore_mem>>) src(%dma_wait3A_159 : memref<80x128xf32, #tpu.memory_space<vmem>>) dst(%dma_wait3A_165 : memref<10000x128xf32, #tpu.memory_space<vmem_shared>>)
    }
    %scan3A_50 = arith.constant 5 : i32
    %barrier3A_51 = arith.constant 0 : index
    tpu.barrier barrier_id(%barrier3A_51)
    %lt3A = arith.constant 15 : i32
    %lt3A_52 = arith.cmpi slt, %arg1, %lt3A : i32
    %convert_element_type3A = arith.extui %lt3A_52 : i1 to i32
    %cond3A = arith.constant 0 : i32
    %cond3A_53 = arith.cmpi ne, %convert_element_type3A, %cond3A : i32
    scf.if %cond3A_53 {
      %mul3A_58 = arith.constant 624 : i32
      %mul3A_59 = arith.muli %arg1, %mul3A_58 : i32
      %mul3A_60 = arith.constant 624 : i32
      %mul3A_61 = arith.muli %arg1, %mul3A_60 : i32
      "tpu.region"() ({
        %run_scoped3A_62 = tpu.sem_alloc : memref<!tpu.dma_semaphore, #tpu.memory_space<semaphore_mem>>
        %dma_start3A = arith.constant 0 : i32
        %dma_start3A_63 = tpu.memref_slice %arg5[%arg0, %mul3A_61, %dma_start3A] : memref<2x10000x128xf32, #tpu.memory_space<hbm>> -> memref<1x624x128xf32, #tpu.memory_space<hbm>>
        %dma_start3A_64 = tpu.memref_squeeze %dma_start3A_63 : memref<1x624x128xf32, #tpu.memory_space<hbm>> -> memref<624x128xf32, #tpu.memory_space<hbm>>
        %dma_start3A_65 = arith.constant 0 : i32
        %dma_start3A_66 = tpu.memref_slice %arg9[%mul3A_59, %dma_start3A_65] : memref<10000x128xf32, #tpu.memory_space<vmem_shared>> -> memref<624x128xf32, #tpu.memory_space<vmem_shared>>
        tpu.enqueue_dma source(%dma_start3A_66 : memref<624x128xf32, #tpu.memory_space<vmem_shared>>) target(%dma_start3A_64 : memref<624x128xf32, #tpu.memory_space<hbm>>) target_semaphore(%run_scoped3A_62 : memref<!tpu.dma_semaphore, #tpu.memory_space<semaphore_mem>>)
        %dma_wait3A = arith.constant 0 : i32
        %dma_wait3A_67 = tpu.memref_slice %arg5[%arg0, %mul3A_61, %dma_wait3A] : memref<2x10000x128xf32, #tpu.memory_space<hbm>> -> memref<1x624x128xf32, #tpu.memory_space<hbm>>
        %dma_wait3A_68 = tpu.memref_squeeze %dma_wait3A_67 : memref<1x624x128xf32, #tpu.memory_space<hbm>> -> memref<624x128xf32, #tpu.memory_space<hbm>>
        %dma_wait3A_69 = arith.constant 0 : i32
        %dma_wait3A_70 = tpu.memref_slice %arg9[%mul3A_59, %dma_wait3A_69] : memref<10000x128xf32, #tpu.memory_space<vmem_shared>> -> memref<624x128xf32, #tpu.memory_space<vmem_shared>>
        tpu.wait_dma2 semaphore(%run_scoped3A_62 : memref<!tpu.dma_semaphore, #tpu.memory_space<semaphore_mem>>) src(%dma_wait3A_70 : memref<624x128xf32, #tpu.memory_space<vmem_shared>>) dst(%dma_wait3A_68 : memref<624x128xf32, #tpu.memory_space<hbm>>)
        tpu.yield
      }) : () -> ()
    } else {
    }
    %eq3A = arith.constant 15 : i32
    %eq3A_54 = arith.cmpi eq, %arg1, %eq3A : i32
    %convert_element_type3A_55 = arith.extui %eq3A_54 : i1 to i32
    %cond3A_56 = arith.constant 0 : i32
    %cond3A_57 = arith.cmpi ne, %convert_element_type3A_55, %cond3A_56 : i32
    scf.if %cond3A_57 {
      "tpu.region"() ({
        %run_scoped3A_58 = tpu.sem_alloc : memref<!tpu.dma_semaphore, #tpu.memory_space<semaphore_mem>>
        %dma_start3A = arith.constant 9360 : i32
        %dma_start3A_59 = arith.constant 0 : i32
        %dma_start3A_60 = tpu.memref_slice %arg5[%arg0, %dma_start3A, %dma_start3A_59] : memref<2x10000x128xf32, #tpu.memory_space<hbm>> -> memref<1x640x128xf32, #tpu.memory_space<hbm>>
        %dma_start3A_61 = tpu.memref_squeeze %dma_start3A_60 : memref<1x640x128xf32, #tpu.memory_space<hbm>> -> memref<640x128xf32, #tpu.memory_space<hbm>>
        %dma_start3A_62 = arith.constant 9360 : i32
        %dma_start3A_63 = arith.constant 0 : i32
        %dma_start3A_64 = tpu.memref_slice %arg9[%dma_start3A_62, %dma_start3A_63] : memref<10000x128xf32, #tpu.memory_space<vmem_shared>> -> memref<640x128xf32, #tpu.memory_space<vmem_shared>>
        tpu.enqueue_dma source(%dma_start3A_64 : memref<640x128xf32, #tpu.memory_space<vmem_shared>>) target(%dma_start3A_61 : memref<640x128xf32, #tpu.memory_space<hbm>>) target_semaphore(%run_scoped3A_58 : memref<!tpu.dma_semaphore, #tpu.memory_space<semaphore_mem>>)
        %dma_wait3A = arith.constant 9360 : i32
        %dma_wait3A_65 = arith.constant 0 : i32
        %dma_wait3A_66 = tpu.memref_slice %arg5[%arg0, %dma_wait3A, %dma_wait3A_65] : memref<2x10000x128xf32, #tpu.memory_space<hbm>> -> memref<1x640x128xf32, #tpu.memory_space<hbm>>
        %dma_wait3A_67 = tpu.memref_squeeze %dma_wait3A_66 : memref<1x640x128xf32, #tpu.memory_space<hbm>> -> memref<640x128xf32, #tpu.memory_space<hbm>>
        %dma_wait3A_68 = arith.constant 9360 : i32
        %dma_wait3A_69 = arith.constant 0 : i32
        %dma_wait3A_70 = tpu.memref_slice %arg9[%dma_wait3A_68, %dma_wait3A_69] : memref<10000x128xf32, #tpu.memory_space<vmem_shared>> -> memref<640x128xf32, #tpu.memory_space<vmem_shared>>
        tpu.wait_dma2 semaphore(%run_scoped3A_58 : memref<!tpu.dma_semaphore, #tpu.memory_space<semaphore_mem>>) src(%dma_wait3A_70 : memref<640x128xf32, #tpu.memory_space<vmem_shared>>) dst(%dma_wait3A_67 : memref<640x128xf32, #tpu.memory_space<hbm>>)
        tpu.yield
      }) : () -> ()
    } else {
    }
    return
  }
}

module attributes {stable_mosaic.version = 14 : i64} {
  func.func @_mm1_body(%arg0: i32, %arg1: memref<2000x128xf32, #tpu.memory_space<vmem>>, %arg2: memref<128x128xf32, #tpu.memory_space<vmem>>, %arg3: memref<2000x2xf32, #tpu.memory_space<vmem>>, %arg4: memref<2000x128xf32, #tpu.memory_space<vmem>>) attributes {dimension_semantics = [#tpu.dimension_semantics<arbitrary>], iteration_bounds = array<i64: 5>, scalar_prefetch = 0 : i64, scratch_operands = 0 : i64, tpu.core_type = #tpu.core_type<tc>, window_params = [{transform_indices = @transform_0, window_bounds = array<i64: 2000, 128>}, {pipeline_mode = #tpu.pipeline_mode<synchronous>, transform_indices = @transform_1, window_bounds = array<i64: 128, 128>}, {transform_indices = @transform_2, window_bounds = array<i64: 2000, 2>}, {transform_indices = @transform_3, window_bounds = array<i64: 2000, 128>}]} {
    %get3A = arith.constant 0 : index
    %get3A_0 = arith.constant 0 : index
    %get3A_1 = vector.load %arg3[%get3A, %get3A_0] : memref<2000x2xf32, #tpu.memory_space<vmem>>, vector<2000x1xf32>
    %get3A_2 = vector.shape_cast %get3A_1 : vector<2000x1xf32> to vector<2000xf32>
    %get3A_3 = arith.constant 0 : index
    %get3A_4 = arith.constant 1 : index
    %get3A_5 = vector.load %arg3[%get3A_3, %get3A_4] : memref<2000x2xf32, #tpu.memory_space<vmem>>, vector<2000x1xf32>
    %get3A_6 = vector.shape_cast %get3A_5 : vector<2000x1xf32> to vector<2000xf32>
    %add3A = arith.addf %get3A_2, %get3A_6 : vector<2000xf32>
    %add3A_7 = arith.constant 1.000000e+00 : f32
    %add3A_8 = vector.broadcast %add3A_7 : f32 to vector<2000xf32>
    %add3A_9 = arith.addf %add3A, %add3A_8 : vector<2000xf32>
    %rsqrt3A = math.rsqrt %add3A_9 : vector<2000xf32>
    %get3A_10 = arith.constant 0 : index
    %get3A_11 = arith.constant 0 : index
    %get3A_12 = vector.load %arg1[%get3A_10, %get3A_11] : memref<2000x128xf32, #tpu.memory_space<vmem>>, vector<2000x128xf32>
    %get3A_13 = arith.constant 0 : index
    %get3A_14 = arith.constant 0 : index
    %get3A_15 = vector.load %arg2[%get3A_13, %get3A_14] : memref<128x128xf32, #tpu.memory_space<vmem>>, vector<128x128xf32>
    %dot_general3A = arith.constant dense<0.000000e+00> : vector<2000x128xf32>
    %dot_general3A_16 = tpu.matmul %get3A_12, %get3A_15, %dot_general3A {dimension_numbers = #tpu.dot_dimension_numbers<[1], [0], [0], [1], [0, 0, 1, 1], [], []>, transpose_lhs_hint = false} : vector<2000x128xf32>, vector<128x128xf32>, vector<2000x128xf32> -> vector<2000x128xf32>
    %broadcast_in_dim3A = vector.shape_cast %rsqrt3A : vector<2000xf32> to vector<2000x1xf32>
    %mul3A = vector.broadcast %broadcast_in_dim3A : vector<2000x1xf32> to vector<2000x128xf32>
    %mul3A_17 = arith.mulf %dot_general3A_16, %mul3A : vector<2000x128xf32>
    %swap3A = arith.constant 0 : index
    %swap3A_18 = arith.constant 0 : index
    %swap3A_19 = vector.load %arg4[%swap3A, %swap3A_18] : memref<2000x128xf32, #tpu.memory_space<vmem>>, vector<2000x128xf32>
    tpu.vector_store %arg4[%swap3A, %swap3A_18], %mul3A_17 {strides = array<i32>} : memref<2000x128xf32, #tpu.memory_space<vmem>>, vector<2000x128xf32>,
    return
  }
  func.func @transform_0(%arg0: i32) -> (i32, i32) {
    %c0_i32 = arith.constant 0 : i32
    %c0_i32_0 = arith.constant 0 : i32
    return %arg0, %c0_i32 : i32, i32
  }
  func.func @transform_1(%arg0: i32) -> (i32, i32) {
    %c0_i32 = arith.constant 0 : i32
    %c0_i32_0 = arith.constant 0 : i32
    %c0_i32_1 = arith.constant 0 : i32
    return %c0_i32, %c0_i32_0 : i32, i32
  }
  func.func @transform_2(%arg0: i32) -> (i32, i32) {
    %c0_i32 = arith.constant 0 : i32
    %c0_i32_0 = arith.constant 0 : i32
    return %arg0, %c0_i32 : i32, i32
  }
  func.func @transform_3(%arg0: i32) -> (i32, i32) {
    %c0_i32 = arith.constant 0 : i32
    %c0_i32_0 = arith.constant 0 : i32
    return %arg0, %c0_i32 : i32, i32
  }
}

module attributes {stable_mosaic.version = 14 : i64} {
  func.func @_mm2_body(%arg0: i32, %arg1: memref<2x2000x128xf32, #tpu.memory_space<vmem>>, %arg2: memref<2000x128xf32, #tpu.memory_space<vmem>>, %arg3: memref<2000x2xf32, #tpu.memory_space<vmem>>, %arg4: memref<1x128xf32, #tpu.memory_space<vmem>>, %arg5: memref<128x128xf32, #tpu.memory_space<vmem>>, %arg6: memref<2000x128xf32, #tpu.memory_space<vmem>>) attributes {dimension_semantics = [#tpu.dimension_semantics<arbitrary>], iteration_bounds = array<i64: 5>, scalar_prefetch = 0 : i64, scratch_operands = 0 : i64, tpu.core_type = #tpu.core_type<tc>, window_params = [{transform_indices = @transform_0, window_bounds = array<i64: 2, 2000, 128>}, {transform_indices = @transform_1, window_bounds = array<i64: 2000, 128>}, {transform_indices = @transform_2, window_bounds = array<i64: 2000, 2>}, {pipeline_mode = #tpu.pipeline_mode<synchronous>, transform_indices = @transform_3, window_bounds = array<i64: 1, 128>}, {pipeline_mode = #tpu.pipeline_mode<synchronous>, transform_indices = @transform_4, window_bounds = array<i64: 128, 128>}, {transform_indices = @transform_5, window_bounds = array<i64: 2000, 128>}]} {
    %get3A = arith.constant 0 : index
    %get3A_0 = arith.constant 0 : index
    %get3A_1 = vector.load %arg3[%get3A, %get3A_0] : memref<2000x2xf32, #tpu.memory_space<vmem>>, vector<2000x1xf32>
    %get3A_2 = vector.shape_cast %get3A_1 : vector<2000x1xf32> to vector<2000xf32>
    %get3A_3 = arith.constant 0 : index
    %get3A_4 = arith.constant 1 : index
    %get3A_5 = vector.load %arg3[%get3A_3, %get3A_4] : memref<2000x2xf32, #tpu.memory_space<vmem>>, vector<2000x1xf32>
    %get3A_6 = vector.shape_cast %get3A_5 : vector<2000x1xf32> to vector<2000xf32>
    %add3A = arith.addf %get3A_2, %get3A_6 : vector<2000xf32>
    %add3A_7 = arith.constant 1.000000e+00 : f32
    %add3A_8 = vector.broadcast %add3A_7 : f32 to vector<2000xf32>
    %add3A_9 = arith.addf %add3A, %add3A_8 : vector<2000xf32>
    %rsqrt3A = math.rsqrt %add3A_9 : vector<2000xf32>
    %broadcast_in_dim3A = vector.shape_cast %rsqrt3A : vector<2000xf32> to vector<2000x1xf32>
    %get3A_10 = arith.constant 0 : index
    %get3A_11 = arith.constant 0 : index
    %get3A_12 = arith.constant 0 : index
    %get3A_13 = vector.load %arg1[%get3A_10, %get3A_11, %get3A_12] : memref<2x2000x128xf32, #tpu.memory_space<vmem>>, vector<1x2000x128xf32>
    %get3A_14 = vector.shape_cast %get3A_13 : vector<1x2000x128xf32> to vector<2000x128xf32>
    %get3A_15 = arith.constant 1 : index
    %get3A_16 = arith.constant 0 : index
    %get3A_17 = arith.constant 0 : index
    %get3A_18 = vector.load %arg1[%get3A_15, %get3A_16, %get3A_17] : memref<2x2000x128xf32, #tpu.memory_space<vmem>>, vector<1x2000x128xf32>
    %get3A_19 = vector.shape_cast %get3A_18 : vector<1x2000x128xf32> to vector<2000x128xf32>
    %add3A_20 = arith.addf %get3A_14, %get3A_19 : vector<2000x128xf32>
    %get3A_21 = arith.constant 0 : index
    %get3A_22 = arith.constant 0 : index
    %get3A_23 = vector.load %arg2[%get3A_21, %get3A_22] : memref<2000x128xf32, #tpu.memory_space<vmem>>, vector<2000x128xf32>
    %add3A_24 = arith.addf %add3A_20, %get3A_23 : vector<2000x128xf32>
    %mul3A = vector.broadcast %broadcast_in_dim3A : vector<2000x1xf32> to vector<2000x128xf32>
    %mul3A_25 = arith.mulf %mul3A, %add3A_24 : vector<2000x128xf32>
    %get3A_26 = arith.constant 0 : index
    %get3A_27 = arith.constant 0 : index
    %get3A_28 = vector.load %arg4[%get3A_26, %get3A_27] : memref<1x128xf32, #tpu.memory_space<vmem>>, vector<1x128xf32>
    %add3A_29 = vector.broadcast %get3A_28 : vector<1x128xf32> to vector<2000x128xf32>
    %add3A_30 = arith.addf %mul3A_25, %add3A_29 : vector<2000x128xf32>
    %max3A = arith.constant 0.000000e+00 : f32
    %max3A_31 = vector.broadcast %max3A : f32 to vector<2000x128xf32>
    %max3A_32 = arith.maximumf %add3A_30, %max3A_31 : vector<2000x128xf32>
    %get3A_33 = arith.constant 0 : index
    %get3A_34 = arith.constant 0 : index
    %get3A_35 = vector.load %arg5[%get3A_33, %get3A_34] : memref<128x128xf32, #tpu.memory_space<vmem>>, vector<128x128xf32>
    %dot_general3A = arith.constant dense<0.000000e+00> : vector<2000x128xf32>
    %dot_general3A_36 = tpu.matmul %max3A_32, %get3A_35, %dot_general3A {dimension_numbers = #tpu.dot_dimension_numbers<[1], [0], [0], [1], [0, 0, 1, 1], [], []>, transpose_lhs_hint = false} : vector<2000x128xf32>, vector<128x128xf32>, vector<2000x128xf32> -> vector<2000x128xf32>
    %broadcast_in_dim3A_37 = vector.shape_cast %rsqrt3A : vector<2000xf32> to vector<2000x1xf32>
    %mul3A_38 = vector.broadcast %broadcast_in_dim3A_37 : vector<2000x1xf32> to vector<2000x128xf32>
    %mul3A_39 = arith.mulf %dot_general3A_36, %mul3A_38 : vector<2000x128xf32>
    %swap3A = arith.constant 0 : index
    %swap3A_40 = arith.constant 0 : index
    %swap3A_41 = vector.load %arg6[%swap3A, %swap3A_40] : memref<2000x128xf32, #tpu.memory_space<vmem>>, vector<2000x128xf32>
    tpu.vector_store %arg6[%swap3A, %swap3A_40], %mul3A_39 {strides = array<i32>} : memref<2000x128xf32, #tpu.memory_space<vmem>>, vector<2000x128xf32>,
    return
  }
  func.func @transform_0(%arg0: i32) -> (i32, i32, i32) {
    %c0_i32 = arith.constant 0 : i32
    %c0_i32_0 = arith.constant 0 : i32
    %c0_i32_1 = arith.constant 0 : i32
    return %c0_i32, %arg0, %c0_i32_0 : i32, i32, i32
  }
  func.func @transform_1(%arg0: i32) -> (i32, i32) {
    %c0_i32 = arith.constant 0 : i32
    %c0_i32_0 = arith.constant 0 : i32
    return %arg0, %c0_i32 : i32, i32
  }
  func.func @transform_2(%arg0: i32) -> (i32, i32) {
    %c0_i32 = arith.constant 0 : i32
    %c0_i32_0 = arith.constant 0 : i32
    return %arg0, %c0_i32 : i32, i32
  }
  func.func @transform_3(%arg0: i32) -> (i32, i32) {
    %c0_i32 = arith.constant 0 : i32
    %c0_i32_0 = arith.constant 0 : i32
    %c0_i32_1 = arith.constant 0 : i32
    return %c0_i32, %c0_i32_0 : i32, i32
  }
  func.func @transform_4(%arg0: i32) -> (i32, i32) {
    %c0_i32 = arith.constant 0 : i32
    %c0_i32_0 = arith.constant 0 : i32
    %c0_i32_1 = arith.constant 0 : i32
    return %c0_i32, %c0_i32_0 : i32, i32
  }
  func.func @transform_5(%arg0: i32) -> (i32, i32) {
    %c0_i32 = arith.constant 0 : i32
    %c0_i32_0 = arith.constant 0 : i32
    return %arg0, %c0_i32 : i32, i32
  }
}

module attributes {stable_mosaic.version = 14 : i64} {
  func.func @_fin_body(%arg0: i32, %arg1: memref<2x2000x128xf32, #tpu.memory_space<vmem>>, %arg2: memref<2000x128xf32, #tpu.memory_space<vmem>>, %arg3: memref<2000x2xf32, #tpu.memory_space<vmem>>, %arg4: memref<1x128xf32, #tpu.memory_space<vmem>>, %arg5: memref<2000x128xf32, #tpu.memory_space<vmem>>) attributes {dimension_semantics = [#tpu.dimension_semantics<arbitrary>], iteration_bounds = array<i64: 5>, scalar_prefetch = 0 : i64, scratch_operands = 0 : i64, tpu.core_type = #tpu.core_type<tc>, window_params = [{transform_indices = @transform_0, window_bounds = array<i64: 2, 2000, 128>}, {transform_indices = @transform_1, window_bounds = array<i64: 2000, 128>}, {transform_indices = @transform_2, window_bounds = array<i64: 2000, 2>}, {pipeline_mode = #tpu.pipeline_mode<synchronous>, transform_indices = @transform_3, window_bounds = array<i64: 1, 128>}, {transform_indices = @transform_4, window_bounds = array<i64: 2000, 128>}]} {
    %get3A = arith.constant 0 : index
    %get3A_0 = arith.constant 0 : index
    %get3A_1 = vector.load %arg3[%get3A, %get3A_0] : memref<2000x2xf32, #tpu.memory_space<vmem>>, vector<2000x1xf32>
    %get3A_2 = vector.shape_cast %get3A_1 : vector<2000x1xf32> to vector<2000xf32>
    %get3A_3 = arith.constant 0 : index
    %get3A_4 = arith.constant 1 : index
    %get3A_5 = vector.load %arg3[%get3A_3, %get3A_4] : memref<2000x2xf32, #tpu.memory_space<vmem>>, vector<2000x1xf32>
    %get3A_6 = vector.shape_cast %get3A_5 : vector<2000x1xf32> to vector<2000xf32>
    %add3A = arith.addf %get3A_2, %get3A_6 : vector<2000xf32>
    %add3A_7 = arith.constant 1.000000e+00 : f32
    %add3A_8 = vector.broadcast %add3A_7 : f32 to vector<2000xf32>
    %add3A_9 = arith.addf %add3A, %add3A_8 : vector<2000xf32>
    %rsqrt3A = math.rsqrt %add3A_9 : vector<2000xf32>
    %broadcast_in_dim3A = vector.shape_cast %rsqrt3A : vector<2000xf32> to vector<2000x1xf32>
    %get3A_10 = arith.constant 0 : index
    %get3A_11 = arith.constant 0 : index
    %get3A_12 = arith.constant 0 : index
    %get3A_13 = vector.load %arg1[%get3A_10, %get3A_11, %get3A_12] : memref<2x2000x128xf32, #tpu.memory_space<vmem>>, vector<1x2000x128xf32>
    %get3A_14 = vector.shape_cast %get3A_13 : vector<1x2000x128xf32> to vector<2000x128xf32>
    %get3A_15 = arith.constant 1 : index
    %get3A_16 = arith.constant 0 : index
    %get3A_17 = arith.constant 0 : index
    %get3A_18 = vector.load %arg1[%get3A_15, %get3A_16, %get3A_17] : memref<2x2000x128xf32, #tpu.memory_space<vmem>>, vector<1x2000x128xf32>
    %get3A_19 = vector.shape_cast %get3A_18 : vector<1x2000x128xf32> to vector<2000x128xf32>
    %add3A_20 = arith.addf %get3A_14, %get3A_19 : vector<2000x128xf32>
    %get3A_21 = arith.constant 0 : index
    %get3A_22 = arith.constant 0 : index
    %get3A_23 = vector.load %arg2[%get3A_21, %get3A_22] : memref<2000x128xf32, #tpu.memory_space<vmem>>, vector<2000x128xf32>
    %add3A_24 = arith.addf %add3A_20, %get3A_23 : vector<2000x128xf32>
    %mul3A = vector.broadcast %broadcast_in_dim3A : vector<2000x1xf32> to vector<2000x128xf32>
    %mul3A_25 = arith.mulf %mul3A, %add3A_24 : vector<2000x128xf32>
    %get3A_26 = arith.constant 0 : index
    %get3A_27 = arith.constant 0 : index
    %get3A_28 = vector.load %arg4[%get3A_26, %get3A_27] : memref<1x128xf32, #tpu.memory_space<vmem>>, vector<1x128xf32>
    %add3A_29 = vector.broadcast %get3A_28 : vector<1x128xf32> to vector<2000x128xf32>
    %add3A_30 = arith.addf %mul3A_25, %add3A_29 : vector<2000x128xf32>
    %swap3A = arith.constant 0 : index
    %swap3A_31 = arith.constant 0 : index
    %swap3A_32 = vector.load %arg5[%swap3A, %swap3A_31] : memref<2000x128xf32, #tpu.memory_space<vmem>>, vector<2000x128xf32>
    tpu.vector_store %arg5[%swap3A, %swap3A_31], %add3A_30 {strides = array<i32>} : memref<2000x128xf32, #tpu.memory_space<vmem>>, vector<2000x128xf32>,
    return
  }
  func.func @transform_0(%arg0: i32) -> (i32, i32, i32) {
    %c0_i32 = arith.constant 0 : i32
    %c0_i32_0 = arith.constant 0 : i32
    %c0_i32_1 = arith.constant 0 : i32
    return %c0_i32, %arg0, %c0_i32_0 : i32, i32, i32
  }
  func.func @transform_1(%arg0: i32) -> (i32, i32) {
    %c0_i32 = arith.constant 0 : i32
    %c0_i32_0 = arith.constant 0 : i32
    return %arg0, %c0_i32 : i32, i32
  }
  func.func @transform_2(%arg0: i32) -> (i32, i32) {
    %c0_i32 = arith.constant 0 : i32
    %c0_i32_0 = arith.constant 0 : i32
    return %arg0, %c0_i32 : i32, i32
  }
  func.func @transform_3(%arg0: i32) -> (i32, i32) {
    %c0_i32 = arith.constant 0 : i32
    %c0_i32_0 = arith.constant 0 : i32
    %c0_i32_1 = arith.constant 0 : i32
    return %c0_i32, %c0_i32_0 : i32, i32
  }
  func.func @transform_4(%arg0: i32) -> (i32, i32) {
    %c0_i32 = arith.constant 0 : i32
    %c0_i32_0 = arith.constant 0 : i32
    return %arg0, %c0_i32 : i32, i32
  }
}

</mosaic_0001>

<sc_bundles>
// kernel: kernel.11.cloned.1.call-start
scs
__scs_entry_jumppad:
0x0: {  	(pc) =	sbr.rel $0x88, $3  }
0x1: {  	(tag) =	ssettag $0x0;
	lr =	simm.s32 $0x1  }
0x2: {  	[smem:$0x3F9B] =	sst lr;
	_ =	strace $0xD0000000  }
0x3: {  	_ = 	snop  }
0x4: {  	_ = 	snop  }
0x5: {  	_ = 	snop  }
0x6: {  	_ = 	snop  }
0x7: {  	_ = 	snop  }
__scs_overlays_trampoline_lowered:
0x8: {  	[smem:$0x3FAA] =	sst s0  }
0x9: {  	[smem:$0x3FAB] =	sst s1  }
0xa: {  	[smem:$0x3FAC] =	sst s2  }
0xb: {  	[smem:$0x3FAD] =	sst s3  }
0xc: {  	[smem:$0x3FAE] =	sst s4  }
0xd: {  	[smem:$0x3FAF] =	sst s5  }
0xe: {  	[smem:$0x3FB0] =	sst s6  }
0xf: {  	[smem:$0x3FB1] =	sst s7  }
0x10: {  	[smem:$0x3FB2] =	sst s8  }
0x11: {  	[smem:$0x3FB3] =	sst s9;
	s0 =	simm.s32 @!p0 $0x0  }
0x12: {  	s1 =	sld [smem:$0x3F99];
	s0 =	simm.s32 @p0 $0x1  }
0x13: {  	[smem:$0x3FB4] =	sst s0;
	s0 =	simm.s32 @!p1 $0x0  }
0x14: {  	s2 =	sld [smem:$0x3F98];
	s0 =	simm.s32 @p1 $0x1  }
0x15: {  	[smem:$0x3FB5] =	sst s0;
	s0 =	simm.s32 @!p2 $0x0  }
0x16: {  	s3 =	sld [smem:$0x3FDB];
	s0 =	simm.s32 @p2 $0x1  }
0x17: {  	s4 =	simm.s32 $0x1BF5;
	[smem:$0x3FB7] =	sst s0  }
0x18: {  	s0 =	sld [smem:$0x3F9A];
	_ =	swait.ge [sflag:s4], $0x0  }
0x19: {  	s7 =	sld [smem:$0x3F9B]  }
0x1a: {  	s8 =	sadd.s32 $0xFFFFE003, lr  }
0x1b: {  	s9 =	sadd.s32 $0xFFFFFEF7, lr;
	s5 =	simm.s32 $0xFFFFFFFF;
	p2 =	slt.u32 s8, $0xFFFFF086  }
0x1c: {  	p1 =	slt.u32 s9, $0xF7A;
	s5 =	simm.s32 @!p2 $0x0  }
0x1d: {  	s5 =	simm.s32 @p1 $0x1;
	p0 =	seq.s32 s7, s2  }
0x1e: {  	s7 =	smul.u32 @!p0 $0xF7A, s2;
	p2 =	seq.s32 @!p0 s5, $0x0  }
0x1f: {  	s9 =	smul.u32 $0xF7A, s1;
	s8 =	simm.s32 @!p0 $0x1BF5;
	p2 =	por !p2, p0  }
0x20: {  	[sflag:s8] =	ssyncset.s32 @!p0 $0xFFFFF086;
	s6 =	sadd.s32 @!p0 s3, s7;
	s7 =	simm.s32 @!p0 $0x108  }
0x21: {  	s3 =	sadd.s32 s3, s9;
	s6 =	sadd.s32 @!p0 $0x88, s6;
	s7 =	simm.s32 @p2 $0x1082  }
0x22: {  	[simem:s7], [sflag:s8] =	dma.local @!p0 [hbm:s6], $0xF7A  }
0x23: {  	s9 =	sor.u32 $0xD0000000, s2;
	s6 =	simm.s32 $0x108;
	_ =	swait.ge @!p0 [sflag:s8], $0x0  }
0x24: {  	s3 =	sadd.s32 $0x88, s3;
	s6 =	simm.s32 @!p1 $0x1082;
	[sflag:s4] =	ssyncset.s32 $0xFFFFF086  }
0x25: {  	[simem:s6], [sflag:s4] =	dma.local [hbm:s3], $0xF7A  }
0x26: {  	[smem:$0x3F9B] =	sst s1;
	(tag) =	ssettag s2;
	_ =	strace s9  }
0x27: {  	s1 =	sld [smem:$0x3FAB]  }
0x28: {  	s2 =	sld [smem:$0x3FAC]  }
0x29: {  	s4 =	sld [smem:$0x3FAE]  }
0x2a: {  	p0 =	seq.s32 s5, $0x0;
	s5 =	sld [smem:$0x3FAF]  }
0x2b: {  	s6 =	sld [smem:$0x3FB0]  }
0x2c: {  	s7 =	sld [smem:$0x3FB1]  }
0x2d: {  	s3 =	simm.s32 $0x108;
	s8 =	sld [smem:$0x3FB2]  }
0x2e: {  	s3 =	simm.s32 @!p0 $0x1082;
	s9 =	sld [smem:$0x3FB3]  }
0x2f: {  	lr =	sadd.s32 s0, s3;
	s0 =	sld [smem:$0x3FAA]  }
0x30: {  	s3 =	sld [smem:$0x3FAD]  }
0x31: {  	[smem:$0x3FB6] =	sst s10  }
0x32: {  	s10 =	sld [smem:$0x3FB4];
	_ =	sdelay $0x3  }
0x33: {  	p0 =	seq.s32 s10, $0x1;
	s10 =	sld [smem:$0x3FB6];
	_ =	sdelay $0x3  }
0x34: {  	[smem:$0x3FB6] =	sst s10  }
0x35: {  	s10 =	sld [smem:$0x3FB5];
	_ =	sdelay $0x3  }
0x36: {  	p1 =	seq.s32 s10, $0x1;
	s10 =	sld [smem:$0x3FB6];
	_ =	sdelay $0x3  }
0x37: {  	[smem:$0x3FB6] =	sst s10  }
0x38: {  	s10 =	sld [smem:$0x3FB7]  }
0x39: {  	_ = 	snop;
	(pc) =	sbr.ind lr, $3  }
0x3a: {  	_ = 	snop  }
0x3b: {  	_ = 	snop  }
0x3c: {  	p2 =	seq.s32 s10, $0x1;
	s10 =	sld [smem:$0x3FB6]  }
0x3d: {  	_ =	shalt  }
0x3e: {  	_ =	shalt  }
0x3f: {  	_ =	shalt  }
0x40: {  	_ =	shalt  }
0x41: {  	_ =	shalt  }
0x42: {  	_ =	shalt  }
0x43: {  	_ =	shalt  }
0x44: {  	_ =	shalt  }
0x45: {  	_ =	shalt  }
0x46: {  	_ =	shalt  }
0x47: {  	_ =	shalt  }
0x48: {  	_ =	shalt  }
0x49: {  	_ =	shalt  }
0x4a: {  	_ =	shalt  }
0x4b: {  	_ =	shalt  }
0x4c: {  	_ =	shalt  }
0x4d: {  	_ =	shalt  }
0x4e: {  	_ =	shalt  }
0x4f: {  	_ =	shalt  }
0x50: {  	_ =	shalt  }
0x51: {  	_ =	shalt  }
0x52: {  	_ =	shalt  }
0x53: {  	_ =	shalt  }
0x54: {  	_ =	shalt  }
0x55: {  	_ =	shalt  }
0x56: {  	_ =	shalt  }
0x57: {  	_ =	shalt  }
0x58: {  	_ =	shalt  }
0x59: {  	_ =	shalt  }
0x5a: {  	_ =	shalt  }
0x5b: {  	_ =	shalt  }
0x5c: {  	_ =	shalt  }
0x5d: {  	_ =	shalt  }
0x5e: {  	_ =	shalt  }
0x5f: {  	_ =	shalt  }
0x60: {  	_ =	shalt  }
0x61: {  	_ =	shalt  }
0x62: {  	_ =	shalt  }
0x63: {  	_ =	shalt  }
0x64: {  	_ =	shalt  }
0x65: {  	_ =	shalt  }
0x66: {  	_ =	shalt  }
0x67: {  	_ =	shalt  }
0x68: {  	_ =	shalt  }
0x69: {  	_ =	shalt  }
0x6a: {  	_ =	shalt  }
0x6b: {  	_ =	shalt  }
0x6c: {  	_ =	shalt  }
0x6d: {  	_ =	shalt  }
0x6e: {  	_ =	shalt  }
0x6f: {  	_ =	shalt  }
0x70: {  	_ =	shalt  }
0x71: {  	_ =	shalt  }
0x72: {  	_ =	shalt  }
0x73: {  	_ =	shalt  }
0x74: {  	_ =	shalt  }
0x75: {  	_ =	shalt  }
0x76: {  	_ =	shalt  }
0x77: {  	_ =	shalt  }
0x78: {  	_ =	shalt  }
0x79: {  	_ =	shalt  }
0x7a: {  	_ =	shalt  }
0x7b: {  	_ =	shalt  }
0x7c: {  	_ =	shalt  }
0x7d: {  	_ =	shalt  }
0x7e: {  	_ =	shalt  }
0x7f: {  	_ =	shalt  }
0x80: {  	_ =	shalt  }
0x81: {  	_ =	shalt  }
0x82: {  	_ =	shalt  }
0x83: {  	_ =	shalt  }
0x84: {  	_ =	shalt  }
0x85: {  	_ =	shalt  }
0x86: {  	_ =	shalt  }
0x87: {  	_ =	shalt  }
.Lfunc_end0:
.L_simem_size_0:
called_computation.1_lowered:
.L_overlay_start_0:
0x88: {  	s2 =	sld [smem:$0x3FD9]  }
0x89: {  	s3 =	sld [smem:$0x3FFE];
	_ =	sdelay $0x1  }
0x8a: {  	s1 =	srdreg.scid  }
0x8b: {  	s0 =	sand.u32 $0x1, s1  }
0x8c: {  	s17 =	sshll.u32 s0, $0xA;
	s2 =	sadd.s32 s3, s2  }
0x8d: {  	s2 =	sadd.s32 s2, s17  }
0x8e: {  	[smem:$0x3FC2] =	sst s2  }
0x8f: {  	_ = 	snop  }
0x90: {  	s2 =	sld [smem:$0x3FD0];
	(tm) =	ssettm $0x1  }
0x91: {  	s18 =	sld [smem:$0x3FFB];
	_ =	sdelay $0x3  }
0x92: {  	_ =	strace s18  }
0x93: {  	s3 =	sld [smem:$0x3FFC];
	_ =	sdelay $0x3  }
0x94: {  	_ =	strace s3  }
0x95: {  	s3 =	sld [smem:$0x3FFD];
	_ =	sdelay $0x3  }
0x96: {  	_ =	strace s3  }
0x97: {  	_ =	strace $0x8FFFFFFF  }
0x98: {  	s19 =	sld [smem:$0x3FDB];
	_ =	sdelay $0x1  }
0x99: {  	s4 =	simm.s32 $_scs_section_size  }
0x9a: {  	s5 =	simm.s32 $_size__tile_overlayer_lowered;
	s6 =	simm.s32 $_tile_overlayer_lowered  }
0x9b: {  	s22 =	simm.s32 $0x1BFF;
	s21 =	sshll.u32 s6, $0x1;
	s3 =	sadd.s32 s4, s19  }
0x9c: {  	s7 =	simm.s32 $0x0;
	s20 =	sshll.u32 s5, $0x1;
	s5 =	sadd.s32 s21, s3  }
0x9d: {  	[timem:s7], [sflag:s22] =	dma.local [hbm:s5], s20  }
0x9e: {  	_ =	swait.ge [sflag:s22], s20  }
0x9f: {  	s4 =	ssub.s32 $0x0, s20;
	[sflag:s22] =	ssyncset.done $0x0  }
0xa0: {  	[sflag:s22] =	ssyncadd.s32 s4;
	_ =	sdelay $0x1  }
0xa1: {  	s23 =	simm.s32 $0x1B8B  }
0xa2: {  	_ =	swait.ge [sflag:s23], $0x1  }
0xa3: {  	[sflag:s23] =	ssyncset.done $0x0  }
0xa4: {  	s25 =	simm.s32 $0x1B8E;
	s24 =	sld [smem:$0x3FFE];
	[sflag:s23] =	ssyncadd.s32 $0xFFFFFFFF  }
0xa5: {  	s26 =	simm.s32 $execute0_lowered;
	[smem:$0x3FD2] =	sst s25  }
0xa6: {  	s5 =	sshll.u32 s26, $0x1;
	_ =	strace $0x80000049;
	[dreg:$0x1] =	wrdreg $0xFFFFFFFF  }
0xa7: {  	s28 =	simm.s32 $_size_execute0_lowered;
	s3 =	sadd.s32 s3, s5;
	[dreg:$0x0] =	wrdreg $0x0  }
0xa8: {  	s5 =	sshll.u32 s28, $0x1;
	[dreg:$0x2] =	wrdreg s3  }
0xa9: {  	[dreg:$0x3] =	wrdreg s5  }
0xaa: {  	[dreg:$0x4] =	wrdreg $0xC0  }
0xab: {  	_ =	task [dreg:s7], $0x5FFFF  }
0xac: {  	[dreg:$0x1] =	wrdreg $0xFFFFFFFF  }
0xad: {  	[dreg:$0x0] =	wrdreg $0x60  }
0xae: {  	[dreg:$0x2] =	wrdreg s2  }
0xaf: {  	[dreg:$0x3] =	wrdreg s24  }
0xb0: {  	[dreg:$0x4] =	wrdreg $0xC0000  }
0xb1: {  	[dreg:$0x5] =	wrdreg $0x9  }
0xb2: {  	_ =	task.clear_ibuf [dreg:s7], $0x6FFFF;
	_ =	strace $0x90000049  }
0xb3: {  	s29 =	simm.s32 $0x9;
	_ =	strace $0x8000004B  }
0xb4: {  	_ =	swait.ge [sflag:s29], $0x1  }
0xb5: {  	[sflag:s29] =	ssyncadd.s32 $0xFFFFFFFF  }
0xb6: {  	_ =	strace $0x9000004B  }
0xb7: {  	_ =	sfence  }
0xb8: {  	s30 =	sld [smem:$0x0];
	_ =	sdelay $0x2  }
0xb9: {  	s31 =	sshll.u32 s1, $0xD;
	s1 =	sshrl.u32 s1, $0x2  }
0xba: {  	s3 =	sand.u32 $0x4000, s31;
	s1 =	sadd.s32 s1, s30  }
0xbb: {  	s0 =	sor.u32 s3, s0;
	s1 =	sshll.u32 s1, $0x11  }
0xbc: {  	s0 =	sor.u32 s1, s0  }
0xbd: {  	s0 =	sadd.s32 $0x8F2B, s0  }
0xbe: {  	[sflag:s0] =	ssyncadd.remote.s32 $0x1  }
0xbf: {  	_ =	sfence.sel $0xFFFF  }
0xc0: {  	[dreg:$0x0] =	wrdreg $0xFFFFFFFF;
	(pc) =	sbr.abs _section_cstart, $3  }
0xc1: {  	[dreg:$0x1] =	wrdreg $0xFFFFFFFF  }
0xc2: {  	_ =	task.clear_ibuf [dreg:s7], $0x2FFFF;
	_ =	strace $0x9FFFFFFF  }
0xc3: {  	(tm) =	ssettm $0x7FFFFFFF  }
tec
execute0_lowered:
.L_overlay_start_1:
0x0: {  	(tag) =	ssettag $0x1  }
0x1: {  	s1 =	rddreg [dreg:$0x0]  }
0x2: {  	s0 =	rddreg [dreg:$0x1]  }
0x3: {  	s2 =	rddreg [dreg:$0x2];
	s4 =	simm.s32 $0x0;
	s3 =	srdreg.scid  }
0x4: {  	s12 =	stileid.u32;
	s28 =	simm.s32 $0x7000;
	s29 =	simm.s32 $0x6  }
0x5: {  	s30 =	simm.s32 $0x7;
	s31 =	simm.s32 $0x8;
	[smem:$0x7FF] =	sst s4  }
0x6: {  	s5 =	sadd.s32 $0x15E00, s0;
	s3 =	sand.u32 $0x1, s3;
	s7 =	smul.u32 $0x4E200, s12  }
0x7: {  	s6 =	sadd.s32 $0x1E00, s0;
	s0 =	sadd.s32 $0x29E00, s0;
	s22 =	smul.u32 $0x13800, s12  }
0x8: {  	s24 =	smul.u32 $0x4E000, s12;
	p0 =	seq.s32 s12, $0xF;
	_ =	strace $0x8000004A  }
0x9: {  	s8 =	ssub.s32 $0x2, s3;
	s10 =	sshll.u32 s3, $0x4;
	s7 =	sshrl.u32 s7, $0x2  }
0xa: {  	s3 =	smul.u32 $0x138800, s3;
	s9 =	sshrl.u32 s8, $0x1;
	s7 =	sadd.s32 s7, s2  }
0xb: {  	s17 =	sor.u32 s12, s10;
	s26 =	sshrl.u32 s24, $0x2;
	s18 =	sadd.s32 $0x2800, s7  }
0xc: {  	s8 =	ssub.s32 s8, s9;
	s19 =	sadd.s32 $0x5000, s7;
	[dreg:$0x4] =	wrdreg s18  }
0xd: {  	s15 =	smul.u32 $0x5000, s17;
	s20 =	sadd.s32 $0x7800, s7;
	[dreg:$0x5] =	wrdreg s19  }
0xe: {  	s25 =	sadd.s32 s22, s3;
	s21 =	sadd.s32 $0xA000, s7;
	[dreg:$0x6] =	wrdreg s20  }
0xf: {  	s3 =	sshrl.u32 s3, $0x3;
	s11 =	sadd.s32 $0xC800, s7;
	[dreg:$0x7] =	wrdreg s21  }
0x10: {  	s22 =	simm.s32 $0x80;
	s23 =	sadd.s32 $0xF000, s7;
	[dreg:$0x8] =	wrdreg s11  }
0x11: {  	s13 =	sadd.s32 $0x11800, s7;
	s9 =	sshrl.u32 s25, $0x3;
	[dreg:$0x9] =	wrdreg s23  }
0x12: {  	[dreg:$0xa] =	wrdreg s13;
	s9 =	sadd.s32 s0, s9;
	s0 =	sadd.s32 s0, s3  }
.Ltmp0:
0x13: {  	s18 =	smax.u32 s8, $0x1;
	s19 =	simm.s32 $0x2000;
	(pc) =	sbr.rel .LBB2_1-.Ltmp0, $4  }
0x14: {  	s20 =	simm.s32 $0x9;
	s21 =	simm.s32 $0x50;
	s23 =	simm.s32 $0x4800  }
0x15: {  	s3 =	simm.s32 $0x0;
	[dreg:$0xb] =	wrdreg s9;
	s9 =	sadd.s32 s26, s2  }
0x16: {  	s17 =	sadd.s32 $0x24900, s0;
	s0 =	sadd.s32 $0x124800, s2;
	s26 =	simm.s32 $0x100  }
0x17: {  	v0 =	vimm.f32 $0.0e+00;
	s24 =	sshrl.u32 @p0 s0, $0x3;
	s25 =	sshrl.u32 @!p0 s9, $0x3;
	s0 =	simm.s32 $0x5  }
.LBB2_11:
0x18: {  	[bflag:$0x0] =	sbarrier.arrive $0xFFFF;
	s8 =	simm.s32 @p0 $0x1FC9  }
0x19: {  	[hbm:s17], [sflag:s8] =	dma.local @p0 [spmem:s24], $0x2800  }
0x1a: {  	s8 =	simm.s32 @p0 $0x9  }
0x1b: {  	s9 =	stileid.u32;
	s3 =	sadd.s32 $0x1, s3;
	_ =	swait.ge @p0 [sflag:s8], $0x2800  }
0x1c: {  	s9 =	sshll.u32 @!p0 s9, $0x6;
	p1 =	sne.s32 s3, s18;
	[sflag:s8] =	ssyncset.done @p0 $0x0  }
0x1d: {  	[sflag:s8] =	ssyncadd.s32 @p0 $0xFFFFD800;
	s8 =	sor.u32 @!p0 $0x1C09, s9;
	s9 =	rddreg [dreg:$0xb]  }
0x1e: {  	[hbm:s9], [sflag:s8] =	dma.local @!p0 [spmem:s25], $0x2700  }
.Ltmp1:
0x1f: {  	_ = 	snop;
	(pc) =	sbr.rel @!p1 .LBB2_12-.Ltmp1, $4  }
0x20: {  	s8 =	simm.s32 @!p0 $0x9  }
0x21: {  	_ =	swait.ge @!p0 [sflag:s8], $0x2700  }
0x22: {  	[sflag:s8] =	ssyncset.done @!p0 $0x0  }
0x23: {  	[sflag:s8] =	ssyncadd.s32 @!p0 $0xFFFFD900  }
.LBB2_1:
0x24: {  	s8 =	simm.s32 $0x0;
	s9 =	simm.s32 $0x200  }
.LBB2_2:
0x25: {  	p1 =	sne.s32 s9, $0x9E00;
	[tilespmem:s8+$0x2070] =	vst v0  }
0x26: {  	[tilespmem:s8+$0x2000] =	vst v0  }
0x27: {  	[tilespmem:s8+$0x2010] =	vst v0  }
.Ltmp2:
0x28: {  	[tilespmem:s8+$0x2020] =	vst v0;
	(pc) =	sbr.rel @p1 .LBB2_2-.Ltmp2, $4  }
0x29: {  	[tilespmem:s8+$0x2030] =	vst v0  }
0x2a: {  	[tilespmem:s8+$0x2040] =	vst v0  }
0x2b: {  	[tilespmem:s8+$0x2050] =	vst v0  }
0x2c: {  	[tilespmem:s8+$0x2060] =	vst v0;
	s8 =	sshra.s32 s9, $0x2;
	s9 =	sadd.s32 $0x200, s9  }
0x2d: {  	[tilespmem:s8+$0x2070] =	vst v0  }
0x2e: {  	[tilespmem:s8+$0x2000] =	vst v0  }
0x2f: {  	[tilespmem:s8+$0x2010] =	vst v0  }
0x30: {  	[tilespmem:s8+$0x2020] =	vst v0  }
0x31: {  	[tilespmem:s8+$0x2030] =	vst v0  }
0x32: {  	[tilespmem:s8+$0x2040] =	vst v0  }
0x33: {  	[tilespmem:s8+$0x2050] =	vst v0  }
0x34: {  	[tilespmem:s8+$0x2060] =	vst v0  }
0x35: {  	[spmem:s7] =	stream.linear.scatter [tilespmem:s19], [sflag:$0x9], $0x2800, $0x38;
	[tilespmem:$0x1F880] =	vst v63  }
0x36: {  	_ =	swait.ge [sflag:s20], $0x2800  }
0x37: {  	[sflag:s20] =	ssyncset.done $0x0  }
0x38: {  	s9 =	rddreg [dreg:$0x4];
	[sflag:s20] =	ssyncadd.s32 $0xFFFFD800  }
0x39: {  	[spmem:s9] =	stream.linear.scatter [tilespmem:s19], [sflag:$0x9], $0x2800, $0x38;
	[tilespmem:$0x1F880] =	vst v63  }
0x3a: {  	_ =	swait.ge [sflag:s20], $0x2800  }
0x3b: {  	[sflag:s20] =	ssyncset.done $0x0  }
0x3c: {  	s10 =	rddreg [dreg:$0x5];
	[sflag:s20] =	ssyncadd.s32 $0xFFFFD800  }
0x3d: {  	[spmem:s10] =	stream.linear.scatter [tilespmem:s19], [sflag:$0x9], $0x2800, $0x38;
	[tilespmem:$0x1F880] =	vst v63  }
0x3e: {  	_ =	swait.ge [sflag:s20], $0x2800  }
0x3f: {  	[sflag:s20] =	ssyncset.done $0x0  }
0x40: {  	s11 =	rddreg [dreg:$0x6];
	[sflag:s20] =	ssyncadd.s32 $0xFFFFD800  }
0x41: {  	[spmem:s11] =	stream.linear.scatter [tilespmem:s19], [sflag:$0x9], $0x2800, $0x38;
	[tilespmem:$0x1F880] =	vst v63  }
0x42: {  	_ =	swait.ge [sflag:s20], $0x2800  }
0x43: {  	[sflag:s20] =	ssyncset.done $0x0  }
0x44: {  	s12 =	rddreg [dreg:$0x7];
	[sflag:s20] =	ssyncadd.s32 $0xFFFFD800  }
0x45: {  	[spmem:s12] =	stream.linear.scatter [tilespmem:s19], [sflag:$0x9], $0x2800, $0x38;
	[tilespmem:$0x1F880] =	vst v63  }
0x46: {  	_ =	swait.ge [sflag:s20], $0x2800  }
0x47: {  	[sflag:s20] =	ssyncset.done $0x0  }
0x48: {  	s13 =	rddreg [dreg:$0x8];
	[sflag:s20] =	ssyncadd.s32 $0xFFFFD800  }
0x49: {  	[spmem:s13] =	stream.linear.scatter [tilespmem:s19], [sflag:$0x9], $0x2800, $0x38;
	[tilespmem:$0x1F880] =	vst v63  }
0x4a: {  	_ =	swait.ge [sflag:s20], $0x2800  }
0x4b: {  	[sflag:s20] =	ssyncset.done $0x0  }
0x4c: {  	s14 =	rddreg [dreg:$0x9];
	[sflag:s20] =	ssyncadd.s32 $0xFFFFD800  }
0x4d: {  	[spmem:s14] =	stream.linear.scatter [tilespmem:s19], [sflag:$0x9], $0x2800, $0x38;
	[tilespmem:$0x1F880] =	vst v63  }
0x4e: {  	_ =	swait.ge [sflag:s20], $0x2800  }
0x4f: {  	[sflag:s20] =	ssyncset.done $0x0  }
0x50: {  	s16 =	rddreg [dreg:$0xa];
	[sflag:s20] =	ssyncadd.s32 $0xFFFFD800  }
0x51: {  	[spmem:s16] =	stream.linear.scatter [tilespmem:s19], [sflag:$0x9], $0x2080, $0x38;
	[tilespmem:$0x1F880] =	vst v63  }
.Ltmp3:
0x52: {  	_ =	swait.ge [sflag:s20], $0x2080;
	(pc) =	sbr.rel .LBB2_4-.Ltmp3, $4  }
0x53: {  	[sflag:s20] =	ssyncset.done $0x0  }
0x54: {  	[sflag:s20] =	ssyncadd.s32 $0xFFFFDF80  }
0x55: {  	[bflag:$0x0] =	sbarrier.arrive $0xFFFF  }
0x56: {  	s8 =	simm.s32 $0x0  }
.LBB2_10:
0x57: {  	_ =	swait.ge [sflag:s29], $0x2800  }
0x58: {  	[sflag:s29] =	ssyncset.done $0x0  }
0x59: {  	[sflag:s29] =	ssyncadd.s32 $0xFFFFD800  }
0x5a: {  	_ =	swait.ge [sflag:s30], $0x2800  }
0x5b: {  	[sflag:s30] =	ssyncset.done $0x0  }
0x5c: {  	s8 =	sadd.s32 $0x1, s8;
	[sflag:s30] =	ssyncadd.s32 $0xFFFFD800  }
0x5d: {  	p1 =	sne.s32 s8, $0x5;
	_ =	swait.ge [sflag:s31], $0x2800  }
.Ltmp4:
0x5e: {  	[sflag:s31] =	ssyncset.done $0x0;
	(pc) =	sbr.rel @!p1 .LBB2_11-.Ltmp4, $4  }
0x5f: {  	[sflag:s31] =	ssyncadd.s32 $0xFFFFD800  }
0x60: {  	_ =	swait.ge [sflag:s0], $0x2800  }
0x61: {  	[sflag:s0] =	ssyncset.done $0x0  }
0x62: {  	[sflag:s0] =	ssyncadd.s32 $0xFFFFD800  }
.LBB2_4:
0x63: {  	s9 =	sshll.u32 s8, $0xC  }
0x64: {  	s9 =	sadd.s32 s15, s9  }
0x65: {  	s9 =	sshrl.u32 s9, $0x3  }
0x66: {  	s10 =	sadd.s32 s5, s9  }
0x67: {  	[tilespmem:s4], [sflag:$0x9] =	stream.linear.gather [hbm4b:s10+s4], $0xC80, $0x38;
	[tilespmem:$0x1F880] =	vst v63  }
0x68: {  	_ =	swait.ge [sflag:s20], $0xC80  }
0x69: {  	[sflag:s20] =	ssyncset.done $0x0  }
0x6a: {  	s16 =	sadd.s32 s6, s9;
	s9 =	simm.s32 $0x1000;
	[sflag:s20] =	ssyncadd.s32 $0xFFFFF380  }
0x6b: {  	[tilespmem:s9], [sflag:$0x9] =	stream.linear.gather [hbm4b:s16+s4], $0xC80, $0x38;
	[tilespmem:$0x1F880] =	vst v63  }
0x6c: {  	_ =	swait.ge [sflag:s20], $0xC80  }
0x6d: {  	[sflag:s20] =	ssyncset.done $0x0  }
0x6e: {  	[sflag:s20] =	ssyncadd.s32 $0xFFFFF380  }
0x6f: {  	[tilespmem:s19], [sflag:$0x1] =	stream.indirect.gather [hbm4b:s1+s21], $0x80, s4, s21, $0xb8;
	[tilespmem:$0x1F880] =	vst v63  }
.Ltmp5:
0x70: {  	_ = 	snop;
	(pc) =	sbr.rel .LBB2_5-.Ltmp5, $4  }
0x71: {  	_ = 	snop  }
0x72: {  	[tilespmem:s23], [sflag:$0x2] =	stream.indirect.gather [hbm4b:s1+s21], $0x80, s22, s21, $0xb8;
	[tilespmem:$0x1F880] =	vst v63  }
0x73: {  	s11 =	simm.s32 $0xFFFFFFFF;
	s10 =	simm.s32 $0x180  }
0x74: {  	[tilespmem:s28], [sflag:$0x3] =	stream.indirect.gather [hbm4b:s1+s21], $0x80, s26, s21, $0xb8;
	[tilespmem:$0x1F880] =	vst v63  }
.LBB2_6:
0x75: {  	s14 =	sadd.s32 $0x5, s13  }
0x76: {  	_ =	swait.ge [sflag:s14], $0x2800  }
0x77: {  	[sflag:s14] =	ssyncset.done $0x0  }
0x78: {  	[sflag:s14] =	ssyncadd.s32 $0xFFFFD800  }
.LBB2_8:
0x79: {  	s14 =	smul.u32 $0xA000, s13;
	_ =	sdelay $0x1  }
0x7a: {  	s14 =	sshrl.u32 s14, $0x2  }
0x7b: {  	s16 =	sadd.s32 $0x1, s13;
	s14 =	sadd.s32 $0x2000, s14  }
0x7c: {  	[tilespmem:s14], [sflag:s16] =	stream.indirect.gather [hbm4b:s1+s21], $0x80, s10, s21, $0xb8;
	[tilespmem:$0x1F880] =	vst v63  }
.LBB2_9:
0x7d: {  	s13 =	smul.u32 $0xA000, s12;
	p1 =	sne.s32 s11, $0x18  }
.Ltmp6:
0x7e: {  	_ = 	snop;
	(pc) =	sbr.rel @!p1 .LBB2_10-.Ltmp6, $4  }
0x7f: {  	s13 =	sshrl.u32 s13, $0x2  }
0x80: {  	s16 =	sadd.s32 $0x5, s12;
	s13 =	sadd.s32 $0x2000, s13  }
0x81: {  	[spmem:s2] =	stream.indirect.scatter.add.f32 [tilespmem:s13], [sflag:s16], $0x80, s9, s21, $0xb8;
	[tilespmem:$0x1F880] =	vst v63  }
0x82: {  	s10 =	sadd.s32 $0x80, s10;
	s9 =	sadd.s32 $0x80, s9  }
.LBB2_5:
0x83: {  	s13 =	smov.u32 s11  }
0x84: {  	s11 =	sadd.s32 $0x1, s11;
	p1 =	sgt.u32 s13, $0x14  }
.Ltmp7:
0x85: {  	s12 =	sand.u32 $0x3, s11;
	(pc) =	sbr.rel @!p1 .LBB2_6-.Ltmp7, $4  }
0x86: {  	s14 =	sadd.s32 $0x1, s12  }
0x87: {  	_ =	swait.ge [sflag:s14], $0x2800  }
0x88: {  	s16 =	sadd.s32 $0x4, s13;
	[sflag:s14] =	ssyncset.done $0x0  }
0x89: {  	s13 =	sand.u32 $0x3, s16;
	[sflag:s14] =	ssyncadd.s32 $0xFFFFD800  }
0x8a: {  	p1 =	sgt.u32 s11, $0x15  }
.Ltmp8:
0x8b: {  	_ = 	snop;
	(pc) =	sbr.rel @p1 .LBB2_9-.Ltmp8, $4  }
.Ltmp9:
0x8c: {  	_ = 	snop;
	(pc) =	sbr.rel @!p1 .LBB2_8-.Ltmp9, $4  }
0x8d: {  	_ = 	snop  }
0x8e: {  	_ = 	snop  }
0x8f: {  	_ = 	snop  }
0x90: {  	_ = 	snop  }
.LBB2_12:
0x91: {  	_ =	sfence.sel $0x180000  }
0x92: {  	[bflag:$0x0] =	sbarrier.arrive $0xFFFF  }
0x93: {  	_ =	strace $0x9000004A  }
0x94: {  	s0 =	stileid.u32;
	[bflag:$0x2] =	sbarrier.arrive $0xFFFF  }
0x95: {  	p0 =	sne.s32 s0, $0x0;
	s0 =	rddreg [dreg:$0x3]  }
0x96: {  	s0 =	sadd.s32 @!p0 $0x100000, s0  }
0x97: {  	[sflag:s0] =	ssyncadd.tile.s32 @!p0 $0x1;
	_ =	shalt  }
.Lfunc_end2:
_tile_overlayer_lowered:
.L_overlay_start_2:
0x98: {  	(tag) =	ssettag $0x2  }
0x99: {  	s0 =	rddreg [dreg:$0x0];
	s2 =	stileid.u32  }
0x9a: {  	s1 =	rddreg [dreg:$0x1];
	p0 =	sne.s32 s2, $0x0  }
0x9b: {  	s3 =	rddreg [dreg:$0x2];
	[bflag:$0x3] =	sbarrier.arrive $0xFFFF;
	s2 =	simm.s32 @!p0 $0x1C09  }
0x9c: {  	[timem:s3], [sflag:s2] =	dma.local @!p0 [hbm:s0], s1  }
0x9d: {  	s0 =	simm.s32 @!p0 $0x9  }
0x9e: {  	_ =	swait.ge @!p0 [sflag:s0], s1  }
0x9f: {  	s1 =	ssub.s32 @!p0 $0x0, s1;
	[sflag:s0] =	ssyncset.done @!p0 $0x0  }
0xa0: {  	[sflag:s0] =	ssyncadd.s32 @!p0 s1  }
0xa1: {  	[bflag:$0x3] =	sbarrier.arrive $0xFFFF  }
0xa2: {  	_ =	shalt  }

// kernel: kernel.14.cloned.1.call-start
scs
__scs_entry_jumppad:
0x0: {  	(pc) =	sbr.rel $0x88, $3  }
0x1: {  	(tag) =	ssettag $0x0;
	lr =	simm.s32 $0x1  }
0x2: {  	[smem:$0x3F9B] =	sst lr;
	_ =	strace $0xD0000000  }
0x3: {  	_ = 	snop  }
0x4: {  	_ = 	snop  }
0x5: {  	_ = 	snop  }
0x6: {  	_ = 	snop  }
0x7: {  	_ = 	snop  }
__scs_overlays_trampoline_lowered:
0x8: {  	[smem:$0x3FAA] =	sst s0  }
0x9: {  	[smem:$0x3FAB] =	sst s1  }
0xa: {  	[smem:$0x3FAC] =	sst s2  }
0xb: {  	[smem:$0x3FAD] =	sst s3  }
0xc: {  	[smem:$0x3FAE] =	sst s4  }
0xd: {  	[smem:$0x3FAF] =	sst s5  }
0xe: {  	[smem:$0x3FB0] =	sst s6  }
0xf: {  	[smem:$0x3FB1] =	sst s7  }
0x10: {  	[smem:$0x3FB2] =	sst s8  }
0x11: {  	[smem:$0x3FB3] =	sst s9;
	s0 =	simm.s32 @!p0 $0x0  }
0x12: {  	s1 =	sld [smem:$0x3F99];
	s0 =	simm.s32 @p0 $0x1  }
0x13: {  	[smem:$0x3FB4] =	sst s0;
	s0 =	simm.s32 @!p1 $0x0  }
0x14: {  	s2 =	sld [smem:$0x3F98];
	s0 =	simm.s32 @p1 $0x1  }
0x15: {  	[smem:$0x3FB5] =	sst s0;
	s0 =	simm.s32 @!p2 $0x0  }
0x16: {  	s3 =	sld [smem:$0x3FDB];
	s0 =	simm.s32 @p2 $0x1  }
0x17: {  	s4 =	simm.s32 $0x1BF5;
	[smem:$0x3FB7] =	sst s0  }
0x18: {  	s0 =	sld [smem:$0x3F9A];
	_ =	swait.ge [sflag:s4], $0x0  }
0x19: {  	s7 =	sld [smem:$0x3F9B]  }
0x1a: {  	s8 =	sadd.s32 $0xFFFFE003, lr  }
0x1b: {  	s9 =	sadd.s32 $0xFFFFFEF7, lr;
	s5 =	simm.s32 $0xFFFFFFFF;
	p2 =	slt.u32 s8, $0xFFFFF086  }
0x1c: {  	p1 =	slt.u32 s9, $0xF7A;
	s5 =	simm.s32 @!p2 $0x0  }
0x1d: {  	s5 =	simm.s32 @p1 $0x1;
	p0 =	seq.s32 s7, s2  }
0x1e: {  	s7 =	smul.u32 @!p0 $0xF7A, s2;
	p2 =	seq.s32 @!p0 s5, $0x0  }
0x1f: {  	s9 =	smul.u32 $0xF7A, s1;
	s8 =	simm.s32 @!p0 $0x1BF5;
	p2 =	por !p2, p0  }
0x20: {  	[sflag:s8] =	ssyncset.s32 @!p0 $0xFFFFF086;
	s6 =	sadd.s32 @!p0 s3, s7;
	s7 =	simm.s32 @!p0 $0x108  }
0x21: {  	s3 =	sadd.s32 s3, s9;
	s6 =	sadd.s32 @!p0 $0x88, s6;
	s7 =	simm.s32 @p2 $0x1082  }
0x22: {  	[simem:s7], [sflag:s8] =	dma.local @!p0 [hbm:s6], $0xF7A  }
0x23: {  	s9 =	sor.u32 $0xD0000000, s2;
	s6 =	simm.s32 $0x108;
	_ =	swait.ge @!p0 [sflag:s8], $0x0  }
0x24: {  	s3 =	sadd.s32 $0x88, s3;
	s6 =	simm.s32 @!p1 $0x1082;
	[sflag:s4] =	ssyncset.s32 $0xFFFFF086  }
0x25: {  	[simem:s6], [sflag:s4] =	dma.local [hbm:s3], $0xF7A  }
0x26: {  	[smem:$0x3F9B] =	sst s1;
	(tag) =	ssettag s2;
	_ =	strace s9  }
0x27: {  	s1 =	sld [smem:$0x3FAB]  }
0x28: {  	s2 =	sld [smem:$0x3FAC]  }
0x29: {  	s4 =	sld [smem:$0x3FAE]  }
0x2a: {  	p0 =	seq.s32 s5, $0x0;
	s5 =	sld [smem:$0x3FAF]  }
0x2b: {  	s6 =	sld [smem:$0x3FB0]  }
0x2c: {  	s7 =	sld [smem:$0x3FB1]  }
0x2d: {  	s3 =	simm.s32 $0x108;
	s8 =	sld [smem:$0x3FB2]  }
0x2e: {  	s3 =	simm.s32 @!p0 $0x1082;
	s9 =	sld [smem:$0x3FB3]  }
0x2f: {  	lr =	sadd.s32 s0, s3;
	s0 =	sld [smem:$0x3FAA]  }
0x30: {  	s3 =	sld [smem:$0x3FAD]  }
0x31: {  	[smem:$0x3FB6] =	sst s10  }
0x32: {  	s10 =	sld [smem:$0x3FB4];
	_ =	sdelay $0x3  }
0x33: {  	p0 =	seq.s32 s10, $0x1;
	s10 =	sld [smem:$0x3FB6];
	_ =	sdelay $0x3  }
0x34: {  	[smem:$0x3FB6] =	sst s10  }
0x35: {  	s10 =	sld [smem:$0x3FB5];
	_ =	sdelay $0x3  }
0x36: {  	p1 =	seq.s32 s10, $0x1;
	s10 =	sld [smem:$0x3FB6];
	_ =	sdelay $0x3  }
0x37: {  	[smem:$0x3FB6] =	sst s10  }
0x38: {  	s10 =	sld [smem:$0x3FB7]  }
0x39: {  	_ = 	snop;
	(pc) =	sbr.ind lr, $3  }
0x3a: {  	_ = 	snop  }
0x3b: {  	_ = 	snop  }
0x3c: {  	p2 =	seq.s32 s10, $0x1;
	s10 =	sld [smem:$0x3FB6]  }
0x3d: {  	_ =	shalt  }
0x3e: {  	_ =	shalt  }
0x3f: {  	_ =	shalt  }
0x40: {  	_ =	shalt  }
0x41: {  	_ =	shalt  }
0x42: {  	_ =	shalt  }
0x43: {  	_ =	shalt  }
0x44: {  	_ =	shalt  }
0x45: {  	_ =	shalt  }
0x46: {  	_ =	shalt  }
0x47: {  	_ =	shalt  }
0x48: {  	_ =	shalt  }
0x49: {  	_ =	shalt  }
0x4a: {  	_ =	shalt  }
0x4b: {  	_ =	shalt  }
0x4c: {  	_ =	shalt  }
0x4d: {  	_ =	shalt  }
0x4e: {  	_ =	shalt  }
0x4f: {  	_ =	shalt  }
0x50: {  	_ =	shalt  }
0x51: {  	_ =	shalt  }
0x52: {  	_ =	shalt  }
0x53: {  	_ =	shalt  }
0x54: {  	_ =	shalt  }
0x55: {  	_ =	shalt  }
0x56: {  	_ =	shalt  }
0x57: {  	_ =	shalt  }
0x58: {  	_ =	shalt  }
0x59: {  	_ =	shalt  }
0x5a: {  	_ =	shalt  }
0x5b: {  	_ =	shalt  }
0x5c: {  	_ =	shalt  }
0x5d: {  	_ =	shalt  }
0x5e: {  	_ =	shalt  }
0x5f: {  	_ =	shalt  }
0x60: {  	_ =	shalt  }
0x61: {  	_ =	shalt  }
0x62: {  	_ =	shalt  }
0x63: {  	_ =	shalt  }
0x64: {  	_ =	shalt  }
0x65: {  	_ =	shalt  }
0x66: {  	_ =	shalt  }
0x67: {  	_ =	shalt  }
0x68: {  	_ =	shalt  }
0x69: {  	_ =	shalt  }
0x6a: {  	_ =	shalt  }
0x6b: {  	_ =	shalt  }
0x6c: {  	_ =	shalt  }
0x6d: {  	_ =	shalt  }
0x6e: {  	_ =	shalt  }
0x6f: {  	_ =	shalt  }
0x70: {  	_ =	shalt  }
0x71: {  	_ =	shalt  }
0x72: {  	_ =	shalt  }
0x73: {  	_ =	shalt  }
0x74: {  	_ =	shalt  }
0x75: {  	_ =	shalt  }
0x76: {  	_ =	shalt  }
0x77: {  	_ =	shalt  }
0x78: {  	_ =	shalt  }
0x79: {  	_ =	shalt  }
0x7a: {  	_ =	shalt  }
0x7b: {  	_ =	shalt  }
0x7c: {  	_ =	shalt  }
0x7d: {  	_ =	shalt  }
0x7e: {  	_ =	shalt  }
0x7f: {  	_ =	shalt  }
0x80: {  	_ =	shalt  }
0x81: {  	_ =	shalt  }
0x82: {  	_ =	shalt  }
0x83: {  	_ =	shalt  }
0x84: {  	_ =	shalt  }
0x85: {  	_ =	shalt  }
0x86: {  	_ =	shalt  }
0x87: {  	_ =	shalt  }
.Lfunc_end0:
.L_simem_size_0:
called_computation.2_lowered:
.L_overlay_start_0:
0x88: {  	s2 =	sld [smem:$0x3FD9]  }
0x89: {  	s3 =	sld [smem:$0x3FFE];
	_ =	sdelay $0x1  }
0x8a: {  	s1 =	srdreg.scid  }
0x8b: {  	s0 =	sand.u32 $0x1, s1  }
0x8c: {  	s17 =	sshll.u32 s0, $0xA;
	s2 =	sadd.s32 s3, s2  }
0x8d: {  	s2 =	sadd.s32 s2, s17  }
0x8e: {  	[smem:$0x3FC2] =	sst s2  }
0x8f: {  	_ = 	snop  }
0x90: {  	s2 =	sld [smem:$0x3FD0];
	(tm) =	ssettm $0x1  }
0x91: {  	s18 =	sld [smem:$0x3FFB];
	_ =	sdelay $0x3  }
0x92: {  	_ =	strace s18  }
0x93: {  	s3 =	sld [smem:$0x3FFC];
	_ =	sdelay $0x3  }
0x94: {  	_ =	strace s3  }
0x95: {  	s3 =	sld [smem:$0x3FFD];
	_ =	sdelay $0x3  }
0x96: {  	_ =	strace s3  }
0x97: {  	_ =	strace $0x8FFFFFFF  }
0x98: {  	s19 =	sld [smem:$0x3FDB];
	_ =	sdelay $0x1  }
0x99: {  	s4 =	simm.s32 $_scs_section_size  }
0x9a: {  	s5 =	simm.s32 $_size__tile_overlayer_lowered;
	s6 =	simm.s32 $_tile_overlayer_lowered  }
0x9b: {  	s22 =	simm.s32 $0x1BFF;
	s21 =	sshll.u32 s6, $0x1;
	s3 =	sadd.s32 s4, s19  }
0x9c: {  	s7 =	simm.s32 $0x0;
	s20 =	sshll.u32 s5, $0x1;
	s5 =	sadd.s32 s21, s3  }
0x9d: {  	[timem:s7], [sflag:s22] =	dma.local [hbm:s5], s20  }
0x9e: {  	_ =	swait.ge [sflag:s22], s20  }
0x9f: {  	s4 =	ssub.s32 $0x0, s20;
	[sflag:s22] =	ssyncset.done $0x0  }
0xa0: {  	[sflag:s22] =	ssyncadd.s32 s4;
	_ =	sdelay $0x1  }
0xa1: {  	s23 =	simm.s32 $0x1B8B  }
0xa2: {  	_ =	swait.ge [sflag:s23], $0x1  }
0xa3: {  	[sflag:s23] =	ssyncset.done $0x0  }
0xa4: {  	s25 =	simm.s32 $0x1B8E;
	s24 =	sld [smem:$0x3FFE];
	[sflag:s23] =	ssyncadd.s32 $0xFFFFFFFF  }
0xa5: {  	s26 =	simm.s32 $execute0_lowered;
	[smem:$0x3FD2] =	sst s25  }
0xa6: {  	s5 =	sshll.u32 s26, $0x1;
	_ =	strace $0x8000004C;
	[dreg:$0x1] =	wrdreg $0xFFFFFFFF  }
0xa7: {  	s28 =	simm.s32 $_size_execute0_lowered;
	s3 =	sadd.s32 s3, s5;
	[dreg:$0x0] =	wrdreg $0x0  }
0xa8: {  	s5 =	sshll.u32 s28, $0x1;
	[dreg:$0x2] =	wrdreg s3  }
0xa9: {  	[dreg:$0x3] =	wrdreg s5  }
0xaa: {  	[dreg:$0x4] =	wrdreg $0xC0  }
0xab: {  	_ =	task [dreg:s7], $0x5FFFF  }
0xac: {  	[dreg:$0x1] =	wrdreg $0xFFFFFFFF  }
0xad: {  	[dreg:$0x0] =	wrdreg $0x60  }
0xae: {  	[dreg:$0x2] =	wrdreg s2  }
0xaf: {  	[dreg:$0x3] =	wrdreg s24  }
0xb0: {  	[dreg:$0x4] =	wrdreg $0xC0000  }
0xb1: {  	[dreg:$0x5] =	wrdreg $0x9  }
0xb2: {  	_ =	task.clear_ibuf [dreg:s7], $0x6FFFF;
	_ =	strace $0x9000004C  }
0xb3: {  	s29 =	simm.s32 $0x9;
	_ =	strace $0x8000004E  }
0xb4: {  	_ =	swait.ge [sflag:s29], $0x1  }
0xb5: {  	[sflag:s29] =	ssyncadd.s32 $0xFFFFFFFF  }
0xb6: {  	_ =	strace $0x9000004E  }
0xb7: {  	_ =	sfence  }
0xb8: {  	s30 =	sld [smem:$0x0];
	_ =	sdelay $0x2  }
0xb9: {  	s31 =	sshll.u32 s1, $0xD;
	s1 =	sshrl.u32 s1, $0x2  }
0xba: {  	s3 =	sand.u32 $0x4000, s31;
	s1 =	sadd.s32 s1, s30  }
0xbb: {  	s0 =	sor.u32 s3, s0;
	s1 =	sshll.u32 s1, $0x11  }
0xbc: {  	s0 =	sor.u32 s1, s0  }
0xbd: {  	s0 =	sadd.s32 $0x8F2B, s0  }
0xbe: {  	[sflag:s0] =	ssyncadd.remote.s32 $0x1  }
0xbf: {  	_ =	sfence.sel $0xFFFF  }
0xc0: {  	[dreg:$0x0] =	wrdreg $0xFFFFFFFF;
	(pc) =	sbr.abs _section_cstart, $3  }
0xc1: {  	[dreg:$0x1] =	wrdreg $0xFFFFFFFF  }
0xc2: {  	_ =	task.clear_ibuf [dreg:s7], $0x2FFFF;
	_ =	strace $0x9FFFFFFF  }
0xc3: {  	(tm) =	ssettm $0x7FFFFFFF  }
tec
execute0_lowered:
.L_overlay_start_1:
0x0: {  	(tag) =	ssettag $0x1  }
0x1: {  	s1 =	rddreg [dreg:$0x0]  }
0x2: {  	s0 =	rddreg [dreg:$0x1]  }
0x3: {  	s2 =	rddreg [dreg:$0x2];
	s4 =	simm.s32 $0x0;
	s3 =	srdreg.scid  }
0x4: {  	s12 =	stileid.u32;
	s28 =	simm.s32 $0x7000;
	s29 =	simm.s32 $0x6  }
0x5: {  	s30 =	simm.s32 $0x7;
	s31 =	simm.s32 $0x8;
	[smem:$0x7FF] =	sst s4  }
0x6: {  	s5 =	sadd.s32 $0x15E00, s0;
	s3 =	sand.u32 $0x1, s3;
	s7 =	smul.u32 $0x4E200, s12  }
0x7: {  	s6 =	sadd.s32 $0x1E00, s0;
	s0 =	sadd.s32 $0x29E00, s0;
	s22 =	smul.u32 $0x13800, s12  }
0x8: {  	s24 =	smul.u32 $0x4E000, s12;
	p0 =	seq.s32 s12, $0xF;
	_ =	strace $0x8000004D  }
0x9: {  	s8 =	ssub.s32 $0x2, s3;
	s10 =	sshll.u32 s3, $0x4;
	s7 =	sshrl.u32 s7, $0x2  }
0xa: {  	s3 =	smul.u32 $0x138800, s3;
	s9 =	sshrl.u32 s8, $0x1;
	s7 =	sadd.s32 s7, s2  }
0xb: {  	s17 =	sor.u32 s12, s10;
	s26 =	sshrl.u32 s24, $0x2;
	s18 =	sadd.s32 $0x2800, s7  }
0xc: {  	s8 =	ssub.s32 s8, s9;
	s19 =	sadd.s32 $0x5000, s7;
	[dreg:$0x4] =	wrdreg s18  }
0xd: {  	s15 =	smul.u32 $0x5000, s17;
	s20 =	sadd.s32 $0x7800, s7;
	[dreg:$0x5] =	wrdreg s19  }
0xe: {  	s25 =	sadd.s32 s22, s3;
	s21 =	sadd.s32 $0xA000, s7;
	[dreg:$0x6] =	wrdreg s20  }
0xf: {  	s3 =	sshrl.u32 s3, $0x3;
	s11 =	sadd.s32 $0xC800, s7;
	[dreg:$0x7] =	wrdreg s21  }
0x10: {  	s22 =	simm.s32 $0x80;
	s23 =	sadd.s32 $0xF000, s7;
	[dreg:$0x8] =	wrdreg s11  }
0x11: {  	s13 =	sadd.s32 $0x11800, s7;
	s9 =	sshrl.u32 s25, $0x3;
	[dreg:$0x9] =	wrdreg s23  }
0x12: {  	[dreg:$0xa] =	wrdreg s13;
	s9 =	sadd.s32 s0, s9;
	s0 =	sadd.s32 s0, s3  }
.Ltmp0:
0x13: {  	s18 =	smax.u32 s8, $0x1;
	s19 =	simm.s32 $0x2000;
	(pc) =	sbr.rel .LBB2_1-.Ltmp0, $4  }
0x14: {  	s20 =	simm.s32 $0x9;
	s21 =	simm.s32 $0x50;
	s23 =	simm.s32 $0x4800  }
0x15: {  	s3 =	simm.s32 $0x0;
	[dreg:$0xb] =	wrdreg s9;
	s9 =	sadd.s32 s26, s2  }
0x16: {  	s17 =	sadd.s32 $0x24900, s0;
	s0 =	sadd.s32 $0x124800, s2;
	s26 =	simm.s32 $0x100  }
0x17: {  	v0 =	vimm.f32 $0.0e+00;
	s24 =	sshrl.u32 @p0 s0, $0x3;
	s25 =	sshrl.u32 @!p0 s9, $0x3;
	s0 =	simm.s32 $0x5  }
.LBB2_11:
0x18: {  	[bflag:$0x0] =	sbarrier.arrive $0xFFFF;
	s8 =	simm.s32 @p0 $0x1FC9  }
0x19: {  	[hbm:s17], [sflag:s8] =	dma.local @p0 [spmem:s24], $0x2800  }
0x1a: {  	s8 =	simm.s32 @p0 $0x9  }
0x1b: {  	s9 =	stileid.u32;
	s3 =	sadd.s32 $0x1, s3;
	_ =	swait.ge @p0 [sflag:s8], $0x2800  }
0x1c: {  	s9 =	sshll.u32 @!p0 s9, $0x6;
	p1 =	sne.s32 s3, s18;
	[sflag:s8] =	ssyncset.done @p0 $0x0  }
0x1d: {  	[sflag:s8] =	ssyncadd.s32 @p0 $0xFFFFD800;
	s8 =	sor.u32 @!p0 $0x1C09, s9;
	s9 =	rddreg [dreg:$0xb]  }
0x1e: {  	[hbm:s9], [sflag:s8] =	dma.local @!p0 [spmem:s25], $0x2700  }
.Ltmp1:
0x1f: {  	_ = 	snop;
	(pc) =	sbr.rel @!p1 .LBB2_12-.Ltmp1, $4  }
0x20: {  	s8 =	simm.s32 @!p0 $0x9  }
0x21: {  	_ =	swait.ge @!p0 [sflag:s8], $0x2700  }
0x22: {  	[sflag:s8] =	ssyncset.done @!p0 $0x0  }
0x23: {  	[sflag:s8] =	ssyncadd.s32 @!p0 $0xFFFFD900  }
.LBB2_1:
0x24: {  	s8 =	simm.s32 $0x0;
	s9 =	simm.s32 $0x200  }
.LBB2_2:
0x25: {  	p1 =	sne.s32 s9, $0x9E00;
	[tilespmem:s8+$0x2070] =	vst v0  }
0x26: {  	[tilespmem:s8+$0x2000] =	vst v0  }
0x27: {  	[tilespmem:s8+$0x2010] =	vst v0  }
.Ltmp2:
0x28: {  	[tilespmem:s8+$0x2020] =	vst v0;
	(pc) =	sbr.rel @p1 .LBB2_2-.Ltmp2, $4  }
0x29: {  	[tilespmem:s8+$0x2030] =	vst v0  }
0x2a: {  	[tilespmem:s8+$0x2040] =	vst v0  }
0x2b: {  	[tilespmem:s8+$0x2050] =	vst v0  }
0x2c: {  	[tilespmem:s8+$0x2060] =	vst v0;
	s8 =	sshra.s32 s9, $0x2;
	s9 =	sadd.s32 $0x200, s9  }
0x2d: {  	[tilespmem:s8+$0x2070] =	vst v0  }
0x2e: {  	[tilespmem:s8+$0x2000] =	vst v0  }
0x2f: {  	[tilespmem:s8+$0x2010] =	vst v0  }
0x30: {  	[tilespmem:s8+$0x2020] =	vst v0  }
0x31: {  	[tilespmem:s8+$0x2030] =	vst v0  }
0x32: {  	[tilespmem:s8+$0x2040] =	vst v0  }
0x33: {  	[tilespmem:s8+$0x2050] =	vst v0  }
0x34: {  	[tilespmem:s8+$0x2060] =	vst v0  }
0x35: {  	[spmem:s7] =	stream.linear.scatter [tilespmem:s19], [sflag:$0x9], $0x2800, $0x38;
	[tilespmem:$0x1F880] =	vst v63  }
0x36: {  	_ =	swait.ge [sflag:s20], $0x2800  }
0x37: {  	[sflag:s20] =	ssyncset.done $0x0  }
0x38: {  	s9 =	rddreg [dreg:$0x4];
	[sflag:s20] =	ssyncadd.s32 $0xFFFFD800  }
0x39: {  	[spmem:s9] =	stream.linear.scatter [tilespmem:s19], [sflag:$0x9], $0x2800, $0x38;
	[tilespmem:$0x1F880] =	vst v63  }
0x3a: {  	_ =	swait.ge [sflag:s20], $0x2800  }
0x3b: {  	[sflag:s20] =	ssyncset.done $0x0  }
0x3c: {  	s10 =	rddreg [dreg:$0x5];
	[sflag:s20] =	ssyncadd.s32 $0xFFFFD800  }
0x3d: {  	[spmem:s10] =	stream.linear.scatter [tilespmem:s19], [sflag:$0x9], $0x2800, $0x38;
	[tilespmem:$0x1F880] =	vst v63  }
0x3e: {  	_ =	swait.ge [sflag:s20], $0x2800  }
0x3f: {  	[sflag:s20] =	ssyncset.done $0x0  }
0x40: {  	s11 =	rddreg [dreg:$0x6];
	[sflag:s20] =	ssyncadd.s32 $0xFFFFD800  }
0x41: {  	[spmem:s11] =	stream.linear.scatter [tilespmem:s19], [sflag:$0x9], $0x2800, $0x38;
	[tilespmem:$0x1F880] =	vst v63  }
0x42: {  	_ =	swait.ge [sflag:s20], $0x2800  }
0x43: {  	[sflag:s20] =	ssyncset.done $0x0  }
0x44: {  	s12 =	rddreg [dreg:$0x7];
	[sflag:s20] =	ssyncadd.s32 $0xFFFFD800  }
0x45: {  	[spmem:s12] =	stream.linear.scatter [tilespmem:s19], [sflag:$0x9], $0x2800, $0x38;
	[tilespmem:$0x1F880] =	vst v63  }
0x46: {  	_ =	swait.ge [sflag:s20], $0x2800  }
0x47: {  	[sflag:s20] =	ssyncset.done $0x0  }
0x48: {  	s13 =	rddreg [dreg:$0x8];
	[sflag:s20] =	ssyncadd.s32 $0xFFFFD800  }
0x49: {  	[spmem:s13] =	stream.linear.scatter [tilespmem:s19], [sflag:$0x9], $0x2800, $0x38;
	[tilespmem:$0x1F880] =	vst v63  }
0x4a: {  	_ =	swait.ge [sflag:s20], $0x2800  }
0x4b: {  	[sflag:s20] =	ssyncset.done $0x0  }
0x4c: {  	s14 =	rddreg [dreg:$0x9];
	[sflag:s20] =	ssyncadd.s32 $0xFFFFD800  }
0x4d: {  	[spmem:s14] =	stream.linear.scatter [tilespmem:s19], [sflag:$0x9], $0x2800, $0x38;
	[tilespmem:$0x1F880] =	vst v63  }
0x4e: {  	_ =	swait.ge [sflag:s20], $0x2800  }
0x4f: {  	[sflag:s20] =	ssyncset.done $0x0  }
0x50: {  	s16 =	rddreg [dreg:$0xa];
	[sflag:s20] =	ssyncadd.s32 $0xFFFFD800  }
0x51: {  	[spmem:s16] =	stream.linear.scatter [tilespmem:s19], [sflag:$0x9], $0x2080, $0x38;
	[tilespmem:$0x1F880] =	vst v63  }
.Ltmp3:
0x52: {  	_ =	swait.ge [sflag:s20], $0x2080;
	(pc) =	sbr.rel .LBB2_4-.Ltmp3, $4  }
0x53: {  	[sflag:s20] =	ssyncset.done $0x0  }
0x54: {  	[sflag:s20] =	ssyncadd.s32 $0xFFFFDF80  }
0x55: {  	[bflag:$0x0] =	sbarrier.arrive $0xFFFF  }
0x56: {  	s8 =	simm.s32 $0x0  }
.LBB2_10:
0x57: {  	_ =	swait.ge [sflag:s29], $0x2800  }
0x58: {  	[sflag:s29] =	ssyncset.done $0x0  }
0x59: {  	[sflag:s29] =	ssyncadd.s32 $0xFFFFD800  }
0x5a: {  	_ =	swait.ge [sflag:s30], $0x2800  }
0x5b: {  	[sflag:s30] =	ssyncset.done $0x0  }
0x5c: {  	s8 =	sadd.s32 $0x1, s8;
	[sflag:s30] =	ssyncadd.s32 $0xFFFFD800  }
0x5d: {  	p1 =	sne.s32 s8, $0x5;
	_ =	swait.ge [sflag:s31], $0x2800  }
.Ltmp4:
0x5e: {  	[sflag:s31] =	ssyncset.done $0x0;
	(pc) =	sbr.rel @!p1 .LBB2_11-.Ltmp4, $4  }
0x5f: {  	[sflag:s31] =	ssyncadd.s32 $0xFFFFD800  }
0x60: {  	_ =	swait.ge [sflag:s0], $0x2800  }
0x61: {  	[sflag:s0] =	ssyncset.done $0x0  }
0x62: {  	[sflag:s0] =	ssyncadd.s32 $0xFFFFD800  }
.LBB2_4:
0x63: {  	s9 =	sshll.u32 s8, $0xC  }
0x64: {  	s9 =	sadd.s32 s15, s9  }
0x65: {  	s9 =	sshrl.u32 s9, $0x3  }
0x66: {  	s10 =	sadd.s32 s5, s9  }
0x67: {  	[tilespmem:s4], [sflag:$0x9] =	stream.linear.gather [hbm4b:s10+s4], $0xC80, $0x38;
	[tilespmem:$0x1F880] =	vst v63  }
0x68: {  	_ =	swait.ge [sflag:s20], $0xC80  }
0x69: {  	[sflag:s20] =	ssyncset.done $0x0  }
0x6a: {  	s16 =	sadd.s32 s6, s9;
	s9 =	simm.s32 $0x1000;
	[sflag:s20] =	ssyncadd.s32 $0xFFFFF380  }
0x6b: {  	[tilespmem:s9], [sflag:$0x9] =	stream.linear.gather [hbm4b:s16+s4], $0xC80, $0x38;
	[tilespmem:$0x1F880] =	vst v63  }
0x6c: {  	_ =	swait.ge [sflag:s20], $0xC80  }
0x6d: {  	[sflag:s20] =	ssyncset.done $0x0  }
0x6e: {  	[sflag:s20] =	ssyncadd.s32 $0xFFFFF380  }
0x6f: {  	[tilespmem:s19], [sflag:$0x1] =	stream.indirect.gather [hbm4b:s1+s21], $0x80, s4, s21, $0xb8;
	[tilespmem:$0x1F880] =	vst v63  }
.Ltmp5:
0x70: {  	_ = 	snop;
	(pc) =	sbr.rel .LBB2_5-.Ltmp5, $4  }
0x71: {  	_ = 	snop  }
0x72: {  	[tilespmem:s23], [sflag:$0x2] =	stream.indirect.gather [hbm4b:s1+s21], $0x80, s22, s21, $0xb8;
	[tilespmem:$0x1F880] =	vst v63  }
0x73: {  	s11 =	simm.s32 $0xFFFFFFFF;
	s10 =	simm.s32 $0x180  }
0x74: {  	[tilespmem:s28], [sflag:$0x3] =	stream.indirect.gather [hbm4b:s1+s21], $0x80, s26, s21, $0xb8;
	[tilespmem:$0x1F880] =	vst v63  }
.LBB2_6:
0x75: {  	s14 =	sadd.s32 $0x5, s13  }
0x76: {  	_ =	swait.ge [sflag:s14], $0x2800  }
0x77: {  	[sflag:s14] =	ssyncset.done $0x0  }
0x78: {  	[sflag:s14] =	ssyncadd.s32 $0xFFFFD800  }
.LBB2_8:
0x79: {  	s14 =	smul.u32 $0xA000, s13;
	_ =	sdelay $0x1  }
0x7a: {  	s14 =	sshrl.u32 s14, $0x2  }
0x7b: {  	s16 =	sadd.s32 $0x1, s13;
	s14 =	sadd.s32 $0x2000, s14  }
0x7c: {  	[tilespmem:s14], [sflag:s16] =	stream.indirect.gather [hbm4b:s1+s21], $0x80, s10, s21, $0xb8;
	[tilespmem:$0x1F880] =	vst v63  }
.LBB2_9:
0x7d: {  	s13 =	smul.u32 $0xA000, s12;
	p1 =	sne.s32 s11, $0x18  }
.Ltmp6:
0x7e: {  	_ = 	snop;
	(pc) =	sbr.rel @!p1 .LBB2_10-.Ltmp6, $4  }
0x7f: {  	s13 =	sshrl.u32 s13, $0x2  }
0x80: {  	s16 =	sadd.s32 $0x5, s12;
	s13 =	sadd.s32 $0x2000, s13  }
0x81: {  	[spmem:s2] =	stream.indirect.scatter.add.f32 [tilespmem:s13], [sflag:s16], $0x80, s9, s21, $0xb8;
	[tilespmem:$0x1F880] =	vst v63  }
0x82: {  	s10 =	sadd.s32 $0x80, s10;
	s9 =	sadd.s32 $0x80, s9  }
.LBB2_5:
0x83: {  	s13 =	smov.u32 s11  }
0x84: {  	s11 =	sadd.s32 $0x1, s11;
	p1 =	sgt.u32 s13, $0x14  }
.Ltmp7:
0x85: {  	s12 =	sand.u32 $0x3, s11;
	(pc) =	sbr.rel @!p1 .LBB2_6-.Ltmp7, $4  }
0x86: {  	s14 =	sadd.s32 $0x1, s12  }
0x87: {  	_ =	swait.ge [sflag:s14], $0x2800  }
0x88: {  	s16 =	sadd.s32 $0x4, s13;
	[sflag:s14] =	ssyncset.done $0x0  }
0x89: {  	s13 =	sand.u32 $0x3, s16;
	[sflag:s14] =	ssyncadd.s32 $0xFFFFD800  }
0x8a: {  	p1 =	sgt.u32 s11, $0x15  }
.Ltmp8:
0x8b: {  	_ = 	snop;
	(pc) =	sbr.rel @p1 .LBB2_9-.Ltmp8, $4  }
.Ltmp9:
0x8c: {  	_ = 	snop;
	(pc) =	sbr.rel @!p1 .LBB2_8-.Ltmp9, $4  }
0x8d: {  	_ = 	snop  }
0x8e: {  	_ = 	snop  }
0x8f: {  	_ = 	snop  }
0x90: {  	_ = 	snop  }
.LBB2_12:
0x91: {  	_ =	sfence.sel $0x180000  }
0x92: {  	[bflag:$0x0] =	sbarrier.arrive $0xFFFF  }
0x93: {  	_ =	strace $0x9000004D  }
0x94: {  	s0 =	stileid.u32;
	[bflag:$0x2] =	sbarrier.arrive $0xFFFF  }
0x95: {  	p0 =	sne.s32 s0, $0x0;
	s0 =	rddreg [dreg:$0x3]  }
0x96: {  	s0 =	sadd.s32 @!p0 $0x100000, s0  }
0x97: {  	[sflag:s0] =	ssyncadd.tile.s32 @!p0 $0x1;
	_ =	shalt  }
.Lfunc_end2:
_tile_overlayer_lowered:
.L_overlay_start_2:
0x98: {  	(tag) =	ssettag $0x2  }
0x99: {  	s0 =	rddreg [dreg:$0x0];
	s2 =	stileid.u32  }
0x9a: {  	s1 =	rddreg [dreg:$0x1];
	p0 =	sne.s32 s2, $0x0  }
0x9b: {  	s3 =	rddreg [dreg:$0x2];
	[bflag:$0x3] =	sbarrier.arrive $0xFFFF;
	s2 =	simm.s32 @!p0 $0x1C09  }
0x9c: {  	[timem:s3], [sflag:s2] =	dma.local @!p0 [hbm:s0], s1  }
0x9d: {  	s0 =	simm.s32 @!p0 $0x9  }
0x9e: {  	_ =	swait.ge @!p0 [sflag:s0], s1  }
0x9f: {  	s1 =	ssub.s32 @!p0 $0x0, s1;
	[sflag:s0] =	ssyncset.done @!p0 $0x0  }
0xa0: {  	[sflag:s0] =	ssyncadd.s32 @!p0 s1  }
0xa1: {  	[bflag:$0x3] =	sbarrier.arrive $0xFFFF  }
0xa2: {  	_ =	shalt  }

// kernel: kernel.8.cloned.1.call-start
scs
__scs_entry_jumppad:
0x0: {  	(pc) =	sbr.rel $0x88, $3  }
0x1: {  	(tag) =	ssettag $0x0;
	lr =	simm.s32 $0x1  }
0x2: {  	[smem:$0x3F9B] =	sst lr;
	_ =	strace $0xD0000000  }
0x3: {  	_ = 	snop  }
0x4: {  	_ = 	snop  }
0x5: {  	_ = 	snop  }
0x6: {  	_ = 	snop  }
0x7: {  	_ = 	snop  }
__scs_overlays_trampoline_lowered:
0x8: {  	[smem:$0x3FAA] =	sst s0  }
0x9: {  	[smem:$0x3FAB] =	sst s1  }
0xa: {  	[smem:$0x3FAC] =	sst s2  }
0xb: {  	[smem:$0x3FAD] =	sst s3  }
0xc: {  	[smem:$0x3FAE] =	sst s4  }
0xd: {  	[smem:$0x3FAF] =	sst s5  }
0xe: {  	[smem:$0x3FB0] =	sst s6  }
0xf: {  	[smem:$0x3FB1] =	sst s7  }
0x10: {  	[smem:$0x3FB2] =	sst s8  }
0x11: {  	[smem:$0x3FB3] =	sst s9;
	s0 =	simm.s32 @!p0 $0x0  }
0x12: {  	s1 =	sld [smem:$0x3F99];
	s0 =	simm.s32 @p0 $0x1  }
0x13: {  	[smem:$0x3FB4] =	sst s0;
	s0 =	simm.s32 @!p1 $0x0  }
0x14: {  	s2 =	sld [smem:$0x3F98];
	s0 =	simm.s32 @p1 $0x1  }
0x15: {  	[smem:$0x3FB5] =	sst s0;
	s0 =	simm.s32 @!p2 $0x0  }
0x16: {  	s3 =	sld [smem:$0x3FDB];
	s0 =	simm.s32 @p2 $0x1  }
0x17: {  	s4 =	simm.s32 $0x1BF5;
	[smem:$0x3FB7] =	sst s0  }
0x18: {  	s0 =	sld [smem:$0x3F9A];
	_ =	swait.ge [sflag:s4], $0x0  }
0x19: {  	s7 =	sld [smem:$0x3F9B]  }
0x1a: {  	s8 =	sadd.s32 $0xFFFFE003, lr  }
0x1b: {  	s9 =	sadd.s32 $0xFFFFFEF7, lr;
	s5 =	simm.s32 $0xFFFFFFFF;
	p2 =	slt.u32 s8, $0xFFFFF086  }
0x1c: {  	p1 =	slt.u32 s9, $0xF7A;
	s5 =	simm.s32 @!p2 $0x0  }
0x1d: {  	s5 =	simm.s32 @p1 $0x1;
	p0 =	seq.s32 s7, s2  }
0x1e: {  	s7 =	smul.u32 @!p0 $0xF7A, s2;
	p2 =	seq.s32 @!p0 s5, $0x0  }
0x1f: {  	s9 =	smul.u32 $0xF7A, s1;
	s8 =	simm.s32 @!p0 $0x1BF5;
	p2 =	por !p2, p0  }
0x20: {  	[sflag:s8] =	ssyncset.s32 @!p0 $0xFFFFF086;
	s6 =	sadd.s32 @!p0 s3, s7;
	s7 =	simm.s32 @!p0 $0x108  }
0x21: {  	s3 =	sadd.s32 s3, s9;
	s6 =	sadd.s32 @!p0 $0x88, s6;
	s7 =	simm.s32 @p2 $0x1082  }
0x22: {  	[simem:s7], [sflag:s8] =	dma.local @!p0 [hbm:s6], $0xF7A  }
0x23: {  	s9 =	sor.u32 $0xD0000000, s2;
	s6 =	simm.s32 $0x108;
	_ =	swait.ge @!p0 [sflag:s8], $0x0  }
0x24: {  	s3 =	sadd.s32 $0x88, s3;
	s6 =	simm.s32 @!p1 $0x1082;
	[sflag:s4] =	ssyncset.s32 $0xFFFFF086  }
0x25: {  	[simem:s6], [sflag:s4] =	dma.local [hbm:s3], $0xF7A  }
0x26: {  	[smem:$0x3F9B] =	sst s1;
	(tag) =	ssettag s2;
	_ =	strace s9  }
0x27: {  	s1 =	sld [smem:$0x3FAB]  }
0x28: {  	s2 =	sld [smem:$0x3FAC]  }
0x29: {  	s4 =	sld [smem:$0x3FAE]  }
0x2a: {  	p0 =	seq.s32 s5, $0x0;
	s5 =	sld [smem:$0x3FAF]  }
0x2b: {  	s6 =	sld [smem:$0x3FB0]  }
0x2c: {  	s7 =	sld [smem:$0x3FB1]  }
0x2d: {  	s3 =	simm.s32 $0x108;
	s8 =	sld [smem:$0x3FB2]  }
0x2e: {  	s3 =	simm.s32 @!p0 $0x1082;
	s9 =	sld [smem:$0x3FB3]  }
0x2f: {  	lr =	sadd.s32 s0, s3;
	s0 =	sld [smem:$0x3FAA]  }
0x30: {  	s3 =	sld [smem:$0x3FAD]  }
0x31: {  	[smem:$0x3FB6] =	sst s10  }
0x32: {  	s10 =	sld [smem:$0x3FB4];
	_ =	sdelay $0x3  }
0x33: {  	p0 =	seq.s32 s10, $0x1;
	s10 =	sld [smem:$0x3FB6];
	_ =	sdelay $0x3  }
0x34: {  	[smem:$0x3FB6] =	sst s10  }
0x35: {  	s10 =	sld [smem:$0x3FB5];
	_ =	sdelay $0x3  }
0x36: {  	p1 =	seq.s32 s10, $0x1;
	s10 =	sld [smem:$0x3FB6];
	_ =	sdelay $0x3  }
0x37: {  	[smem:$0x3FB6] =	sst s10  }
0x38: {  	s10 =	sld [smem:$0x3FB7]  }
0x39: {  	_ = 	snop;
	(pc) =	sbr.ind lr, $3  }
0x3a: {  	_ = 	snop  }
0x3b: {  	_ = 	snop  }
0x3c: {  	p2 =	seq.s32 s10, $0x1;
	s10 =	sld [smem:$0x3FB6]  }
0x3d: {  	_ =	shalt  }
0x3e: {  	_ =	shalt  }
0x3f: {  	_ =	shalt  }
0x40: {  	_ =	shalt  }
0x41: {  	_ =	shalt  }
0x42: {  	_ =	shalt  }
0x43: {  	_ =	shalt  }
0x44: {  	_ =	shalt  }
0x45: {  	_ =	shalt  }
0x46: {  	_ =	shalt  }
0x47: {  	_ =	shalt  }
0x48: {  	_ =	shalt  }
0x49: {  	_ =	shalt  }
0x4a: {  	_ =	shalt  }
0x4b: {  	_ =	shalt  }
0x4c: {  	_ =	shalt  }
0x4d: {  	_ =	shalt  }
0x4e: {  	_ =	shalt  }
0x4f: {  	_ =	shalt  }
0x50: {  	_ =	shalt  }
0x51: {  	_ =	shalt  }
0x52: {  	_ =	shalt  }
0x53: {  	_ =	shalt  }
0x54: {  	_ =	shalt  }
0x55: {  	_ =	shalt  }
0x56: {  	_ =	shalt  }
0x57: {  	_ =	shalt  }
0x58: {  	_ =	shalt  }
0x59: {  	_ =	shalt  }
0x5a: {  	_ =	shalt  }
0x5b: {  	_ =	shalt  }
0x5c: {  	_ =	shalt  }
0x5d: {  	_ =	shalt  }
0x5e: {  	_ =	shalt  }
0x5f: {  	_ =	shalt  }
0x60: {  	_ =	shalt  }
0x61: {  	_ =	shalt  }
0x62: {  	_ =	shalt  }
0x63: {  	_ =	shalt  }
0x64: {  	_ =	shalt  }
0x65: {  	_ =	shalt  }
0x66: {  	_ =	shalt  }
0x67: {  	_ =	shalt  }
0x68: {  	_ =	shalt  }
0x69: {  	_ =	shalt  }
0x6a: {  	_ =	shalt  }
0x6b: {  	_ =	shalt  }
0x6c: {  	_ =	shalt  }
0x6d: {  	_ =	shalt  }
0x6e: {  	_ =	shalt  }
0x6f: {  	_ =	shalt  }
0x70: {  	_ =	shalt  }
0x71: {  	_ =	shalt  }
0x72: {  	_ =	shalt  }
0x73: {  	_ =	shalt  }
0x74: {  	_ =	shalt  }
0x75: {  	_ =	shalt  }
0x76: {  	_ =	shalt  }
0x77: {  	_ =	shalt  }
0x78: {  	_ =	shalt  }
0x79: {  	_ =	shalt  }
0x7a: {  	_ =	shalt  }
0x7b: {  	_ =	shalt  }
0x7c: {  	_ =	shalt  }
0x7d: {  	_ =	shalt  }
0x7e: {  	_ =	shalt  }
0x7f: {  	_ =	shalt  }
0x80: {  	_ =	shalt  }
0x81: {  	_ =	shalt  }
0x82: {  	_ =	shalt  }
0x83: {  	_ =	shalt  }
0x84: {  	_ =	shalt  }
0x85: {  	_ =	shalt  }
0x86: {  	_ =	shalt  }
0x87: {  	_ =	shalt  }
.Lfunc_end0:
.L_simem_size_0:
called_computation_lowered:
.L_overlay_start_0:
0x88: {  	s2 =	sld [smem:$0x3FD9]  }
0x89: {  	s3 =	sld [smem:$0x3FFE];
	_ =	sdelay $0x1  }
0x8a: {  	s1 =	srdreg.scid  }
0x8b: {  	s0 =	sand.u32 $0x1, s1  }
0x8c: {  	s17 =	sshll.u32 s0, $0xA;
	s2 =	sadd.s32 s3, s2  }
0x8d: {  	s2 =	sadd.s32 s2, s17  }
0x8e: {  	[smem:$0x3FC2] =	sst s2  }
0x8f: {  	_ = 	snop  }
0x90: {  	s2 =	sld [smem:$0x3FD0];
	(tm) =	ssettm $0x1  }
0x91: {  	s18 =	sld [smem:$0x3FFB];
	_ =	sdelay $0x3  }
0x92: {  	_ =	strace s18  }
0x93: {  	s3 =	sld [smem:$0x3FFC];
	_ =	sdelay $0x3  }
0x94: {  	_ =	strace s3  }
0x95: {  	s3 =	sld [smem:$0x3FFD];
	_ =	sdelay $0x3  }
0x96: {  	_ =	strace s3  }
0x97: {  	_ =	strace $0x8FFFFFFF  }
0x98: {  	s19 =	sld [smem:$0x3FDB];
	_ =	sdelay $0x1  }
0x99: {  	s4 =	simm.s32 $_scs_section_size  }
0x9a: {  	s5 =	simm.s32 $_size__tile_overlayer_lowered;
	s6 =	simm.s32 $_tile_overlayer_lowered  }
0x9b: {  	s22 =	simm.s32 $0x1BFF;
	s21 =	sshll.u32 s6, $0x1;
	s3 =	sadd.s32 s4, s19  }
0x9c: {  	s7 =	simm.s32 $0x0;
	s20 =	sshll.u32 s5, $0x1;
	s5 =	sadd.s32 s21, s3  }
0x9d: {  	[timem:s7], [sflag:s22] =	dma.local [hbm:s5], s20  }
0x9e: {  	_ =	swait.ge [sflag:s22], s20  }
0x9f: {  	s4 =	ssub.s32 $0x0, s20;
	[sflag:s22] =	ssyncset.done $0x0  }
0xa0: {  	[sflag:s22] =	ssyncadd.s32 s4;
	_ =	sdelay $0x1  }
0xa1: {  	s23 =	simm.s32 $0x1B8B  }
0xa2: {  	_ =	swait.ge [sflag:s23], $0x1  }
0xa3: {  	[sflag:s23] =	ssyncset.done $0x0  }
0xa4: {  	s25 =	simm.s32 $0x1B8E;
	s24 =	sld [smem:$0x3FFE];
	[sflag:s23] =	ssyncadd.s32 $0xFFFFFFFF  }
0xa5: {  	s26 =	simm.s32 $execute0_lowered;
	[smem:$0x3FD2] =	sst s25  }
0xa6: {  	s5 =	sshll.u32 s26, $0x1;
	_ =	strace $0x80000046;
	[dreg:$0x1] =	wrdreg $0xFFFFFFFF  }
0xa7: {  	s28 =	simm.s32 $_size_execute0_lowered;
	s3 =	sadd.s32 s3, s5;
	[dreg:$0x0] =	wrdreg $0x0  }
0xa8: {  	s5 =	sshll.u32 s28, $0x1;
	[dreg:$0x2] =	wrdreg s3  }
0xa9: {  	[dreg:$0x3] =	wrdreg s5  }
0xaa: {  	[dreg:$0x4] =	wrdreg $0xC0  }
0xab: {  	_ =	task [dreg:s7], $0x5FFFF  }
0xac: {  	[dreg:$0x1] =	wrdreg $0xFFFFFFFF  }
0xad: {  	[dreg:$0x0] =	wrdreg $0x60  }
0xae: {  	[dreg:$0x2] =	wrdreg s24  }
0xaf: {  	[dreg:$0x3] =	wrdreg s2  }
0xb0: {  	[dreg:$0x4] =	wrdreg $0x38000  }
0xb1: {  	[dreg:$0x5] =	wrdreg $0x9  }
0xb2: {  	_ =	task.clear_ibuf [dreg:s7], $0x6FFFF;
	_ =	strace $0x90000046  }
0xb3: {  	s29 =	simm.s32 $0x9;
	_ =	strace $0x80000048  }
0xb4: {  	_ =	swait.ge [sflag:s29], $0x1  }
0xb5: {  	[sflag:s29] =	ssyncadd.s32 $0xFFFFFFFF  }
0xb6: {  	_ =	strace $0x90000048  }
0xb7: {  	_ =	sfence  }
0xb8: {  	s30 =	sld [smem:$0x0];
	_ =	sdelay $0x2  }
0xb9: {  	s31 =	sshll.u32 s1, $0xD;
	s1 =	sshrl.u32 s1, $0x2  }
0xba: {  	s3 =	sand.u32 $0x4000, s31;
	s1 =	sadd.s32 s1, s30  }
0xbb: {  	s0 =	sor.u32 s3, s0;
	s1 =	sshll.u32 s1, $0x11  }
0xbc: {  	s0 =	sor.u32 s1, s0  }
0xbd: {  	s0 =	sadd.s32 $0x8F2B, s0  }
0xbe: {  	[sflag:s0] =	ssyncadd.remote.s32 $0x1  }
0xbf: {  	_ =	sfence.sel $0xFFFF  }
0xc0: {  	[dreg:$0x0] =	wrdreg $0xFFFFFFFF;
	(pc) =	sbr.abs _section_cstart, $3  }
0xc1: {  	[dreg:$0x1] =	wrdreg $0xFFFFFFFF  }
0xc2: {  	_ =	task.clear_ibuf [dreg:s7], $0x2FFFF;
	_ =	strace $0x9FFFFFFF  }
0xc3: {  	(tm) =	ssettm $0x7FFFFFFF  }
tec
execute0_lowered:
.L_overlay_start_1:
0x0: {  	(tag) =	ssettag $0x1  }
0x1: {  	s3 =	rddreg [dreg:$0x0]  }
0x2: {  	s0 =	srdreg.scid;
	s6 =	rddreg [dreg:$0x1]  }
0x3: {  	s4 =	stileid.u32;
	s1 =	rddreg [dreg:$0x2]  }
0x4: {  	s2 =	simm.s32 $0x0;
	s25 =	simm.s32 $0x80;
	s26 =	simm.s32 $0x100  }
0x5: {  	s8 =	simm.s32 $0x1000;
	s9 =	simm.s32 $0x180;
	s10 =	simm.s32 $0x200  }
0x6: {  	s11 =	simm.s32 $0x280;
	s12 =	simm.s32 $0x300;
	s13 =	simm.s32 $0x380  }
0x7: {  	s14 =	simm.s32 $0x400;
	s15 =	simm.s32 $0x480;
	s16 =	simm.s32 $0x500  }
0x8: {  	s17 =	simm.s32 $0x580;
	s18 =	simm.s32 $0x600;
	s19 =	simm.s32 $0x680  }
0x9: {  	s20 =	simm.s32 $0x700;
	s21 =	simm.s32 $0x780;
	s28 =	simm.s32 $0xA80  }
0xa: {  	s29 =	simm.s32 $0xB00;
	s30 =	simm.s32 $0xB80;
	s31 =	simm.s32 $0xC00  }
0xb: {  	s0 =	sand.u32 $0x1, s0;
	s7 =	smul.u32 $0x5000, s4;
	[smem:$0x7FF] =	sst s2  }
0xc: {  	p0 =	sne.s32 s4, $0x0;
	s5 =	smul.u32 $0x50000, s0;
	s22 =	ssub.s32 $0x2, s0  }
0xd: {  	s0 =	smul.u32 $0x4F0, s0;
	_ =	strace $0x80000047;
	[dreg:$0x5] =	wrdreg s25  }
0xe: {  	[dreg:$0x6] =	wrdreg s26;
	s25 =	simm.s32 $0x980;
	s26 =	simm.s32 $0xA00  }
0xf: {  	s23 =	sshrl.u32 s22, $0x1;
	s5 =	sadd.s32 s7, s5;
	s0 =	sadd.s32 s6, s0  }
0x10: {  	s6 =	simm.s32 $0x2;
	s7 =	simm.s32 $0x50;
	s5 =	sshrl.u32 s5, $0x3  }
0x11: {  	[dreg:$0x7] =	wrdreg s0;
	s3 =	sadd.s32 s5, s3;
	s5 =	ssub.s32 s22, s23  }
0x12: {  	s0 =	simm.s32 $0x1;
	s22 =	simm.s32 $0x800;
	s24 =	smax.u32 s5, $0x1  }
0x13: {  	s23 =	simm.s32 $0x880;
	s3 =	sadd.s32 $0x1E00, s3;
	[dreg:$0x8] =	wrdreg s24  }
0x14: {  	v0 =	vimm.f32 $1.000000000e+00;
	v1 =	vimm.f32 $0.0e+00;
	s5 =	simm.s32 $0x0;
	[dreg:$0x4] =	wrdreg s3;
	s24 =	simm.s32 $0x900  }
.LBB2_1:
.Ltmp0:
0x15: {  	[tilespmem:$0x1000] =	vst v0;
	(pc) =	sbr.rel @p0 .LBB2_5-.Ltmp0, $4  }
0x16: {  	[tilespmem:$0x1010] =	vst v0  }
0x17: {  	[tilespmem:$0x1020] =	vst v0  }
0x18: {  	[tilespmem:$0x1030] =	vst v0  }
0x19: {  	[tilespmem:$0x1040] =	vst v0  }
0x1a: {  	s3 =	simm.s32 $0x40;
	s4 =	simm.s32 $0x0  }
.LBB2_3:
0x1b: {  	p1 =	sne.s32 s3, $0x9C00;
	[tilespmem:s4+$0x1080] =	vst v1;
	s4 =	smov.u32 s3;
	s3 =	sadd.s32 $0x40, s3  }
.Ltmp1:
0x1c: {  	(pc) =	sbr.rel @p1 .LBB2_3-.Ltmp1, $2  }
0x1d: {  	_ =	sdelay $0x2  }
0x1e: {  	s4 =	sshra.s32 s4, $0x2  }
0x1f: {  	[tilespmem:s4+$0x1080] =	vst v1;
	s3 =	simm.s32 $0x1080  }
0x20: {  	[spmem:s1] =	stream.linear.scatter [tilespmem:s3], [sflag:$0x2], $0x2780, $0x38;
	[tilespmem:$0x3A78] =	vst v63  }
0x21: {  	_ =	swait.ge [sflag:s6], $0x2780  }
0x22: {  	[sflag:s6] =	ssyncset.done $0x0  }
0x23: {  	[sflag:s6] =	ssyncadd.s32 $0xFFFFD880  }
.LBB2_5:
0x24: {  	[dreg:$0x9] =	wrdreg s5  }
0x25: {  	[bflag:$0x0] =	sbarrier.arrive $0xFFFF  }
0x26: {  	s3 =	rddreg [dreg:$0x4]  }
0x27: {  	s3 =	sadd.s32 $0x0, s3  }
0x28: {  	[tilespmem:s2], [sflag:$0x2] =	stream.linear.gather [hbm4b:s3+s2], $0xC80, $0x38;
	[tilespmem:$0x3A78] =	vst v63  }
0x29: {  	_ =	swait.ge [sflag:s6], $0xC80  }
0x2a: {  	[sflag:s6] =	ssyncset.done $0x0  }
0x2b: {  	[sflag:s6] =	ssyncadd.s32 $0xFFFFF380  }
0x2c: {  	[spmem:s1] =	stream.indirect.scatter.add.f32 [tilespmem:s8], [sflag:$0x1], $0x1, s2, s7, $0xb8;
	[tilespmem:$0x3A78] =	vst v63  }
0x2d: {  	s5 =	rddreg [dreg:$0x5]  }
0x2e: {  	[spmem:s1] =	stream.indirect.scatter.add.f32 [tilespmem:s8], [sflag:$0x1], $0x1, s5, s7, $0xb8;
	[tilespmem:$0x3A78] =	vst v63  }
0x2f: {  	s4 =	rddreg [dreg:$0x6]  }
0x30: {  	[spmem:s1] =	stream.indirect.scatter.add.f32 [tilespmem:s8], [sflag:$0x1], $0x1, s4, s7, $0xb8;
	[tilespmem:$0x3A78] =	vst v63  }
0x31: {  	_ = 	snop  }
0x32: {  	[spmem:s1] =	stream.indirect.scatter.add.f32 [tilespmem:s8], [sflag:$0x1], $0x1, s9, s7, $0xb8;
	[tilespmem:$0x3A78] =	vst v63  }
0x33: {  	_ = 	snop  }
0x34: {  	[spmem:s1] =	stream.indirect.scatter.add.f32 [tilespmem:s8], [sflag:$0x1], $0x1, s10, s7, $0xb8;
	[tilespmem:$0x3A78] =	vst v63  }
0x35: {  	_ = 	snop  }
0x36: {  	[spmem:s1] =	stream.indirect.scatter.add.f32 [tilespmem:s8], [sflag:$0x1], $0x1, s11, s7, $0xb8;
	[tilespmem:$0x3A78] =	vst v63  }
0x37: {  	_ = 	snop  }
0x38: {  	[spmem:s1] =	stream.indirect.scatter.add.f32 [tilespmem:s8], [sflag:$0x1], $0x1, s12, s7, $0xb8;
	[tilespmem:$0x3A78] =	vst v63  }
0x39: {  	_ = 	snop  }
0x3a: {  	[spmem:s1] =	stream.indirect.scatter.add.f32 [tilespmem:s8], [sflag:$0x1], $0x1, s13, s7, $0xb8;
	[tilespmem:$0x3A78] =	vst v63  }
0x3b: {  	_ = 	snop  }
0x3c: {  	[spmem:s1] =	stream.indirect.scatter.add.f32 [tilespmem:s8], [sflag:$0x1], $0x1, s14, s7, $0xb8;
	[tilespmem:$0x3A78] =	vst v63  }
0x3d: {  	_ = 	snop  }
0x3e: {  	[spmem:s1] =	stream.indirect.scatter.add.f32 [tilespmem:s8], [sflag:$0x1], $0x1, s15, s7, $0xb8;
	[tilespmem:$0x3A78] =	vst v63  }
0x3f: {  	_ = 	snop  }
0x40: {  	[spmem:s1] =	stream.indirect.scatter.add.f32 [tilespmem:s8], [sflag:$0x1], $0x1, s16, s7, $0xb8;
	[tilespmem:$0x3A78] =	vst v63  }
0x41: {  	_ = 	snop  }
0x42: {  	[spmem:s1] =	stream.indirect.scatter.add.f32 [tilespmem:s8], [sflag:$0x1], $0x1, s17, s7, $0xb8;
	[tilespmem:$0x3A78] =	vst v63  }
0x43: {  	_ = 	snop  }
0x44: {  	[spmem:s1] =	stream.indirect.scatter.add.f32 [tilespmem:s8], [sflag:$0x1], $0x1, s18, s7, $0xb8;
	[tilespmem:$0x3A78] =	vst v63  }
0x45: {  	_ = 	snop  }
0x46: {  	[spmem:s1] =	stream.indirect.scatter.add.f32 [tilespmem:s8], [sflag:$0x1], $0x1, s19, s7, $0xb8;
	[tilespmem:$0x3A78] =	vst v63  }
0x47: {  	_ = 	snop  }
0x48: {  	[spmem:s1] =	stream.indirect.scatter.add.f32 [tilespmem:s8], [sflag:$0x1], $0x1, s20, s7, $0xb8;
	[tilespmem:$0x3A78] =	vst v63  }
0x49: {  	_ = 	snop  }
0x4a: {  	[spmem:s1] =	stream.indirect.scatter.add.f32 [tilespmem:s8], [sflag:$0x1], $0x1, s21, s7, $0xb8;
	[tilespmem:$0x3A78] =	vst v63  }
0x4b: {  	_ = 	snop  }
0x4c: {  	[spmem:s1] =	stream.indirect.scatter.add.f32 [tilespmem:s8], [sflag:$0x1], $0x1, s22, s7, $0xb8;
	[tilespmem:$0x3A78] =	vst v63  }
0x4d: {  	_ = 	snop  }
0x4e: {  	[spmem:s1] =	stream.indirect.scatter.add.f32 [tilespmem:s8], [sflag:$0x1], $0x1, s23, s7, $0xb8;
	[tilespmem:$0x3A78] =	vst v63  }
0x4f: {  	_ = 	snop  }
0x50: {  	[spmem:s1] =	stream.indirect.scatter.add.f32 [tilespmem:s8], [sflag:$0x1], $0x1, s24, s7, $0xb8;
	[tilespmem:$0x3A78] =	vst v63  }
0x51: {  	_ = 	snop  }
0x52: {  	[spmem:s1] =	stream.indirect.scatter.add.f32 [tilespmem:s8], [sflag:$0x1], $0x1, s25, s7, $0xb8;
	[tilespmem:$0x3A78] =	vst v63  }
0x53: {  	_ = 	snop  }
0x54: {  	[spmem:s1] =	stream.indirect.scatter.add.f32 [tilespmem:s8], [sflag:$0x1], $0x1, s26, s7, $0xb8;
	[tilespmem:$0x3A78] =	vst v63  }
0x55: {  	_ = 	snop  }
0x56: {  	[spmem:s1] =	stream.indirect.scatter.add.f32 [tilespmem:s8], [sflag:$0x1], $0x1, s28, s7, $0xb8;
	[tilespmem:$0x3A78] =	vst v63  }
0x57: {  	_ = 	snop  }
0x58: {  	[spmem:s1] =	stream.indirect.scatter.add.f32 [tilespmem:s8], [sflag:$0x1], $0x1, s29, s7, $0xb8;
	[tilespmem:$0x3A78] =	vst v63  }
0x59: {  	_ = 	snop  }
0x5a: {  	[spmem:s1] =	stream.indirect.scatter.add.f32 [tilespmem:s8], [sflag:$0x1], $0x1, s30, s7, $0xb8;
	[tilespmem:$0x3A78] =	vst v63  }
0x5b: {  	_ = 	snop  }
0x5c: {  	[spmem:s1] =	stream.indirect.scatter.add.f32 [tilespmem:s8], [sflag:$0x1], $0x1, s31, s7, $0xb8;
	[tilespmem:$0x3A78] =	vst v63  }
0x5d: {  	_ =	swait.ge [sflag:s0], $0x50  }
0x5e: {  	[sflag:s0] =	ssyncset.done $0x0  }
0x5f: {  	[sflag:s0] =	ssyncadd.s32 $0xFFFFFFB0  }
0x60: {  	_ =	swait.ge [sflag:s0], $0x50  }
0x61: {  	[sflag:s0] =	ssyncset.done $0x0  }
0x62: {  	[sflag:s0] =	ssyncadd.s32 $0xFFFFFFB0  }
0x63: {  	_ =	swait.ge [sflag:s0], $0x50  }
0x64: {  	[sflag:s0] =	ssyncset.done $0x0  }
0x65: {  	[sflag:s0] =	ssyncadd.s32 $0xFFFFFFB0  }
0x66: {  	_ =	swait.ge [sflag:s0], $0x50  }
0x67: {  	[sflag:s0] =	ssyncset.done $0x0  }
0x68: {  	[sflag:s0] =	ssyncadd.s32 $0xFFFFFFB0  }
0x69: {  	_ =	swait.ge [sflag:s0], $0x50  }
0x6a: {  	[sflag:s0] =	ssyncset.done $0x0  }
0x6b: {  	[sflag:s0] =	ssyncadd.s32 $0xFFFFFFB0  }
0x6c: {  	_ =	swait.ge [sflag:s0], $0x50  }
0x6d: {  	[sflag:s0] =	ssyncset.done $0x0  }
0x6e: {  	[sflag:s0] =	ssyncadd.s32 $0xFFFFFFB0  }
0x6f: {  	_ =	swait.ge [sflag:s0], $0x50  }
0x70: {  	[sflag:s0] =	ssyncset.done $0x0  }
0x71: {  	[sflag:s0] =	ssyncadd.s32 $0xFFFFFFB0  }
0x72: {  	_ =	swait.ge [sflag:s0], $0x50  }
0x73: {  	[sflag:s0] =	ssyncset.done $0x0  }
0x74: {  	[sflag:s0] =	ssyncadd.s32 $0xFFFFFFB0  }
0x75: {  	_ =	swait.ge [sflag:s0], $0x50  }
0x76: {  	[sflag:s0] =	ssyncset.done $0x0  }
0x77: {  	[sflag:s0] =	ssyncadd.s32 $0xFFFFFFB0  }
0x78: {  	_ =	swait.ge [sflag:s0], $0x50  }
0x79: {  	[sflag:s0] =	ssyncset.done $0x0  }
0x7a: {  	[sflag:s0] =	ssyncadd.s32 $0xFFFFFFB0  }
0x7b: {  	_ =	swait.ge [sflag:s0], $0x50  }
0x7c: {  	[sflag:s0] =	ssyncset.done $0x0  }
0x7d: {  	[sflag:s0] =	ssyncadd.s32 $0xFFFFFFB0  }
0x7e: {  	_ =	swait.ge [sflag:s0], $0x50  }
0x7f: {  	[sflag:s0] =	ssyncset.done $0x0  }
0x80: {  	[sflag:s0] =	ssyncadd.s32 $0xFFFFFFB0  }
0x81: {  	_ =	swait.ge [sflag:s0], $0x50  }
0x82: {  	[sflag:s0] =	ssyncset.done $0x0  }
0x83: {  	[sflag:s0] =	ssyncadd.s32 $0xFFFFFFB0  }
0x84: {  	_ =	swait.ge [sflag:s0], $0x50  }
0x85: {  	[sflag:s0] =	ssyncset.done $0x0  }
0x86: {  	[sflag:s0] =	ssyncadd.s32 $0xFFFFFFB0  }
0x87: {  	_ =	swait.ge [sflag:s0], $0x50  }
0x88: {  	[sflag:s0] =	ssyncset.done $0x0  }
0x89: {  	[sflag:s0] =	ssyncadd.s32 $0xFFFFFFB0  }
0x8a: {  	_ =	swait.ge [sflag:s0], $0x50  }
0x8b: {  	[sflag:s0] =	ssyncset.done $0x0  }
0x8c: {  	[sflag:s0] =	ssyncadd.s32 $0xFFFFFFB0  }
0x8d: {  	_ =	swait.ge [sflag:s0], $0x50  }
0x8e: {  	[sflag:s0] =	ssyncset.done $0x0  }
0x8f: {  	[sflag:s0] =	ssyncadd.s32 $0xFFFFFFB0  }
0x90: {  	_ =	swait.ge [sflag:s0], $0x50  }
0x91: {  	[sflag:s0] =	ssyncset.done $0x0  }
0x92: {  	[sflag:s0] =	ssyncadd.s32 $0xFFFFFFB0  }
0x93: {  	_ =	swait.ge [sflag:s0], $0x50  }
0x94: {  	[sflag:s0] =	ssyncset.done $0x0  }
0x95: {  	[sflag:s0] =	ssyncadd.s32 $0xFFFFFFB0  }
0x96: {  	_ =	swait.ge [sflag:s0], $0x50  }
0x97: {  	[sflag:s0] =	ssyncset.done $0x0  }
0x98: {  	[sflag:s0] =	ssyncadd.s32 $0xFFFFFFB0  }
0x99: {  	_ =	swait.ge [sflag:s0], $0x50  }
0x9a: {  	[sflag:s0] =	ssyncset.done $0x0  }
0x9b: {  	[sflag:s0] =	ssyncadd.s32 $0xFFFFFFB0  }
0x9c: {  	_ =	swait.ge [sflag:s0], $0x50  }
0x9d: {  	[sflag:s0] =	ssyncset.done $0x0  }
0x9e: {  	[sflag:s0] =	ssyncadd.s32 $0xFFFFFFB0  }
0x9f: {  	_ =	swait.ge [sflag:s0], $0x50  }
0xa0: {  	[sflag:s0] =	ssyncset.done $0x0  }
0xa1: {  	[sflag:s0] =	ssyncadd.s32 $0xFFFFFFB0  }
0xa2: {  	_ =	swait.ge [sflag:s0], $0x50  }
0xa3: {  	[sflag:s0] =	ssyncset.done $0x0  }
0xa4: {  	[sflag:s0] =	ssyncadd.s32 $0xFFFFFFB0  }
0xa5: {  	s3 =	simm.s32 $0x200;
	_ =	swait.ge [sflag:s0], $0x50  }
0xa6: {  	s4 =	simm.s32 $0x400;
	s5 =	rddreg [dreg:$0x4];
	[sflag:s0] =	ssyncset.done $0x0  }
.LBB2_6:
0xa7: {  	[sflag:s0] =	ssyncadd.s32 $0xFFFFFFB0;
	s5 =	sadd.s32 s3, s5  }
0xa8: {  	[tilespmem:s2], [sflag:$0x2] =	stream.linear.gather [hbm4b:s5+s2], $0xC80, $0x38;
	[tilespmem:$0x3A78] =	vst v63  }
0xa9: {  	_ =	swait.ge [sflag:s6], $0xC80  }
0xaa: {  	[sflag:s6] =	ssyncset.done $0x0  }
0xab: {  	[sflag:s6] =	ssyncadd.s32 $0xFFFFF380  }
0xac: {  	[spmem:s1] =	stream.indirect.scatter.add.f32 [tilespmem:s8], [sflag:$0x1], $0x1, s2, s7, $0xb8;
	[tilespmem:$0x3A78] =	vst v63  }
0xad: {  	s9 =	smov.u32 s4;
	s5 =	rddreg [dreg:$0x5]  }
0xae: {  	[spmem:s1] =	stream.indirect.scatter.add.f32 [tilespmem:s8], [sflag:$0x1], $0x1, s5, s7, $0xb8;
	[tilespmem:$0x3A78] =	vst v63  }
0xaf: {  	s3 =	smov.u32 s9;
	s9 =	rddreg [dreg:$0x6]  }
0xb0: {  	[spmem:s1] =	stream.indirect.scatter.add.f32 [tilespmem:s8], [sflag:$0x1], $0x1, s9, s7, $0xb8;
	[tilespmem:$0x3A78] =	vst v63  }
0xb1: {  	s9 =	simm.s32 $0x180  }
0xb2: {  	[spmem:s1] =	stream.indirect.scatter.add.f32 [tilespmem:s8], [sflag:$0x1], $0x1, s9, s7, $0xb8;
	[tilespmem:$0x3A78] =	vst v63  }
0xb3: {  	_ = 	snop  }
0xb4: {  	[spmem:s1] =	stream.indirect.scatter.add.f32 [tilespmem:s8], [sflag:$0x1], $0x1, s10, s7, $0xb8;
	[tilespmem:$0x3A78] =	vst v63  }
0xb5: {  	_ = 	snop  }
0xb6: {  	[spmem:s1] =	stream.indirect.scatter.add.f32 [tilespmem:s8], [sflag:$0x1], $0x1, s11, s7, $0xb8;
	[tilespmem:$0x3A78] =	vst v63  }
0xb7: {  	_ = 	snop  }
0xb8: {  	[spmem:s1] =	stream.indirect.scatter.add.f32 [tilespmem:s8], [sflag:$0x1], $0x1, s12, s7, $0xb8;
	[tilespmem:$0x3A78] =	vst v63  }
0xb9: {  	_ = 	snop  }
0xba: {  	[spmem:s1] =	stream.indirect.scatter.add.f32 [tilespmem:s8], [sflag:$0x1], $0x1, s13, s7, $0xb8;
	[tilespmem:$0x3A78] =	vst v63  }
0xbb: {  	_ = 	snop  }
0xbc: {  	[spmem:s1] =	stream.indirect.scatter.add.f32 [tilespmem:s8], [sflag:$0x1], $0x1, s14, s7, $0xb8;
	[tilespmem:$0x3A78] =	vst v63  }
0xbd: {  	_ = 	snop  }
0xbe: {  	[spmem:s1] =	stream.indirect.scatter.add.f32 [tilespmem:s8], [sflag:$0x1], $0x1, s15, s7, $0xb8;
	[tilespmem:$0x3A78] =	vst v63  }
0xbf: {  	_ = 	snop  }
0xc0: {  	[spmem:s1] =	stream.indirect.scatter.add.f32 [tilespmem:s8], [sflag:$0x1], $0x1, s16, s7, $0xb8;
	[tilespmem:$0x3A78] =	vst v63  }
0xc1: {  	_ = 	snop  }
0xc2: {  	[spmem:s1] =	stream.indirect.scatter.add.f32 [tilespmem:s8], [sflag:$0x1], $0x1, s17, s7, $0xb8;
	[tilespmem:$0x3A78] =	vst v63  }
0xc3: {  	_ = 	snop  }
0xc4: {  	[spmem:s1] =	stream.indirect.scatter.add.f32 [tilespmem:s8], [sflag:$0x1], $0x1, s18, s7, $0xb8;
	[tilespmem:$0x3A78] =	vst v63  }
0xc5: {  	_ = 	snop  }
0xc6: {  	[spmem:s1] =	stream.indirect.scatter.add.f32 [tilespmem:s8], [sflag:$0x1], $0x1, s19, s7, $0xb8;
	[tilespmem:$0x3A78] =	vst v63  }
0xc7: {  	_ = 	snop  }
0xc8: {  	[spmem:s1] =	stream.indirect.scatter.add.f32 [tilespmem:s8], [sflag:$0x1], $0x1, s20, s7, $0xb8;
	[tilespmem:$0x3A78] =	vst v63  }
0xc9: {  	_ = 	snop  }
0xca: {  	[spmem:s1] =	stream.indirect.scatter.add.f32 [tilespmem:s8], [sflag:$0x1], $0x1, s21, s7, $0xb8;
	[tilespmem:$0x3A78] =	vst v63  }
0xcb: {  	_ = 	snop  }
0xcc: {  	[spmem:s1] =	stream.indirect.scatter.add.f32 [tilespmem:s8], [sflag:$0x1], $0x1, s22, s7, $0xb8;
	[tilespmem:$0x3A78] =	vst v63  }
0xcd: {  	_ = 	snop  }
0xce: {  	[spmem:s1] =	stream.indirect.scatter.add.f32 [tilespmem:s8], [sflag:$0x1], $0x1, s23, s7, $0xb8;
	[tilespmem:$0x3A78] =	vst v63  }
0xcf: {  	_ = 	snop  }
0xd0: {  	[spmem:s1] =	stream.indirect.scatter.add.f32 [tilespmem:s8], [sflag:$0x1], $0x1, s24, s7, $0xb8;
	[tilespmem:$0x3A78] =	vst v63  }
0xd1: {  	_ = 	snop  }
0xd2: {  	[spmem:s1] =	stream.indirect.scatter.add.f32 [tilespmem:s8], [sflag:$0x1], $0x1, s25, s7, $0xb8;
	[tilespmem:$0x3A78] =	vst v63  }
0xd3: {  	_ = 	snop  }
0xd4: {  	[spmem:s1] =	stream.indirect.scatter.add.f32 [tilespmem:s8], [sflag:$0x1], $0x1, s26, s7, $0xb8;
	[tilespmem:$0x3A78] =	vst v63  }
0xd5: {  	_ = 	snop  }
0xd6: {  	[spmem:s1] =	stream.indirect.scatter.add.f32 [tilespmem:s8], [sflag:$0x1], $0x1, s28, s7, $0xb8;
	[tilespmem:$0x3A78] =	vst v63  }
0xd7: {  	_ = 	snop  }
0xd8: {  	[spmem:s1] =	stream.indirect.scatter.add.f32 [tilespmem:s8], [sflag:$0x1], $0x1, s29, s7, $0xb8;
	[tilespmem:$0x3A78] =	vst v63  }
0xd9: {  	_ = 	snop  }
0xda: {  	[spmem:s1] =	stream.indirect.scatter.add.f32 [tilespmem:s8], [sflag:$0x1], $0x1, s30, s7, $0xb8;
	[tilespmem:$0x3A78] =	vst v63  }
0xdb: {  	_ = 	snop  }
0xdc: {  	[spmem:s1] =	stream.indirect.scatter.add.f32 [tilespmem:s8], [sflag:$0x1], $0x1, s31, s7, $0xb8;
	[tilespmem:$0x3A78] =	vst v63  }
0xdd: {  	_ =	swait.ge [sflag:s0], $0x50  }
0xde: {  	[sflag:s0] =	ssyncset.done $0x0  }
0xdf: {  	[sflag:s0] =	ssyncadd.s32 $0xFFFFFFB0  }
0xe0: {  	_ =	swait.ge [sflag:s0], $0x50  }
0xe1: {  	[sflag:s0] =	ssyncset.done $0x0  }
0xe2: {  	[sflag:s0] =	ssyncadd.s32 $0xFFFFFFB0  }
0xe3: {  	_ =	swait.ge [sflag:s0], $0x50  }
0xe4: {  	[sflag:s0] =	ssyncset.done $0x0  }
0xe5: {  	[sflag:s0] =	ssyncadd.s32 $0xFFFFFFB0  }
0xe6: {  	_ =	swait.ge [sflag:s0], $0x50  }
0xe7: {  	[sflag:s0] =	ssyncset.done $0x0  }
0xe8: {  	[sflag:s0] =	ssyncadd.s32 $0xFFFFFFB0  }
0xe9: {  	_ =	swait.ge [sflag:s0], $0x50  }
0xea: {  	[sflag:s0] =	ssyncset.done $0x0  }
0xeb: {  	[sflag:s0] =	ssyncadd.s32 $0xFFFFFFB0  }
0xec: {  	_ =	swait.ge [sflag:s0], $0x50  }
0xed: {  	[sflag:s0] =	ssyncset.done $0x0  }
0xee: {  	[sflag:s0] =	ssyncadd.s32 $0xFFFFFFB0  }
0xef: {  	_ =	swait.ge [sflag:s0], $0x50  }
0xf0: {  	[sflag:s0] =	ssyncset.done $0x0  }
0xf1: {  	[sflag:s0] =	ssyncadd.s32 $0xFFFFFFB0  }
0xf2: {  	_ =	swait.ge [sflag:s0], $0x50  }
0xf3: {  	[sflag:s0] =	ssyncset.done $0x0  }
0xf4: {  	[sflag:s0] =	ssyncadd.s32 $0xFFFFFFB0  }
0xf5: {  	_ =	swait.ge [sflag:s0], $0x50  }
0xf6: {  	[sflag:s0] =	ssyncset.done $0x0  }
0xf7: {  	[sflag:s0] =	ssyncadd.s32 $0xFFFFFFB0  }
0xf8: {  	_ =	swait.ge [sflag:s0], $0x50  }
0xf9: {  	[sflag:s0] =	ssyncset.done $0x0  }
0xfa: {  	[sflag:s0] =	ssyncadd.s32 $0xFFFFFFB0  }
0xfb: {  	_ =	swait.ge [sflag:s0], $0x50  }
0xfc: {  	[sflag:s0] =	ssyncset.done $0x0  }
0xfd: {  	[sflag:s0] =	ssyncadd.s32 $0xFFFFFFB0  }
0xfe: {  	_ =	swait.ge [sflag:s0], $0x50  }
0xff: {  	[sflag:s0] =	ssyncset.done $0x0  }
0x100: {  	[sflag:s0] =	ssyncadd.s32 $0xFFFFFFB0  }
0x101: {  	_ =	swait.ge [sflag:s0], $0x50  }
0x102: {  	[sflag:s0] =	ssyncset.done $0x0  }
0x103: {  	[sflag:s0] =	ssyncadd.s32 $0xFFFFFFB0  }
0x104: {  	_ =	swait.ge [sflag:s0], $0x50  }
0x105: {  	[sflag:s0] =	ssyncset.done $0x0  }
0x106: {  	[sflag:s0] =	ssyncadd.s32 $0xFFFFFFB0  }
0x107: {  	_ =	swait.ge [sflag:s0], $0x50  }
0x108: {  	[sflag:s0] =	ssyncset.done $0x0  }
0x109: {  	[sflag:s0] =	ssyncadd.s32 $0xFFFFFFB0  }
0x10a: {  	_ =	swait.ge [sflag:s0], $0x50  }
0x10b: {  	[sflag:s0] =	ssyncset.done $0x0  }
0x10c: {  	[sflag:s0] =	ssyncadd.s32 $0xFFFFFFB0  }
0x10d: {  	_ =	swait.ge [sflag:s0], $0x50  }
0x10e: {  	[sflag:s0] =	ssyncset.done $0x0  }
0x10f: {  	[sflag:s0] =	ssyncadd.s32 $0xFFFFFFB0  }
0x110: {  	_ =	swait.ge [sflag:s0], $0x50  }
0x111: {  	[sflag:s0] =	ssyncset.done $0x0  }
0x112: {  	[sflag:s0] =	ssyncadd.s32 $0xFFFFFFB0  }
0x113: {  	_ =	swait.ge [sflag:s0], $0x50  }
0x114: {  	[sflag:s0] =	ssyncset.done $0x0  }
0x115: {  	[sflag:s0] =	ssyncadd.s32 $0xFFFFFFB0  }
0x116: {  	_ =	swait.ge [sflag:s0], $0x50  }
0x117: {  	[sflag:s0] =	ssyncset.done $0x0  }
0x118: {  	[sflag:s0] =	ssyncadd.s32 $0xFFFFFFB0  }
0x119: {  	_ =	swait.ge [sflag:s0], $0x50  }
0x11a: {  	[sflag:s0] =	ssyncset.done $0x0  }
0x11b: {  	[sflag:s0] =	ssyncadd.s32 $0xFFFFFFB0  }
0x11c: {  	_ =	swait.ge [sflag:s0], $0x50  }
0x11d: {  	[sflag:s0] =	ssyncset.done $0x0  }
0x11e: {  	[sflag:s0] =	ssyncadd.s32 $0xFFFFFFB0  }
0x11f: {  	_ =	swait.ge [sflag:s0], $0x50  }
0x120: {  	[sflag:s0] =	ssyncset.done $0x0  }
0x121: {  	p1 =	sne.s32 s4, $0x800;
	[sflag:s0] =	ssyncadd.s32 $0xFFFFFFB0  }
.Ltmp2:
0x122: {  	_ =	swait.ge [sflag:s0], $0x50;
	(pc) =	sbr.rel @p1 .LBB2_6-.Ltmp2, $4  }
0x123: {  	[sflag:s0] =	ssyncset.done $0x0  }
0x124: {  	[sflag:s0] =	ssyncadd.s32 $0xFFFFFFB0  }
0x125: {  	_ =	swait.ge [sflag:s0], $0x50  }
0x126: {  	s4 =	sadd.s32 $0x200, s4;
	s5 =	rddreg [dreg:$0x4];
	[sflag:s0] =	ssyncset.done $0x0  }
0x127: {  	[sflag:s0] =	ssyncadd.s32 $0xFFFFFFB0;
	s3 =	sadd.s32 s3, s5  }
0x128: {  	[tilespmem:s2], [sflag:$0x2] =	stream.linear.gather [hbm4b:s3+s2], $0xC80, $0x38;
	[tilespmem:$0x3A78] =	vst v63  }
0x129: {  	_ =	swait.ge [sflag:s6], $0xC80  }
0x12a: {  	[sflag:s6] =	ssyncset.done $0x0  }
0x12b: {  	[sflag:s6] =	ssyncadd.s32 $0xFFFFF380  }
0x12c: {  	[spmem:s1] =	stream.indirect.scatter.add.f32 [tilespmem:s8], [sflag:$0x1], $0x1, s2, s7, $0xb8;
	[tilespmem:$0x3A78] =	vst v63  }
0x12d: {  	s5 =	rddreg [dreg:$0x5]  }
0x12e: {  	[spmem:s1] =	stream.indirect.scatter.add.f32 [tilespmem:s8], [sflag:$0x1], $0x1, s5, s7, $0xb8;
	[tilespmem:$0x3A78] =	vst v63  }
0x12f: {  	s4 =	rddreg [dreg:$0x6]  }
0x130: {  	[spmem:s1] =	stream.indirect.scatter.add.f32 [tilespmem:s8], [sflag:$0x1], $0x1, s4, s7, $0xb8;
	[tilespmem:$0x3A78] =	vst v63  }
0x131: {  	_ = 	snop  }
0x132: {  	[spmem:s1] =	stream.indirect.scatter.add.f32 [tilespmem:s8], [sflag:$0x1], $0x1, s9, s7, $0xb8;
	[tilespmem:$0x3A78] =	vst v63  }
0x133: {  	_ = 	snop  }
0x134: {  	[spmem:s1] =	stream.indirect.scatter.add.f32 [tilespmem:s8], [sflag:$0x1], $0x1, s10, s7, $0xb8;
	[tilespmem:$0x3A78] =	vst v63  }
0x135: {  	_ = 	snop  }
0x136: {  	[spmem:s1] =	stream.indirect.scatter.add.f32 [tilespmem:s8], [sflag:$0x1], $0x1, s11, s7, $0xb8;
	[tilespmem:$0x3A78] =	vst v63  }
0x137: {  	_ = 	snop  }
0x138: {  	[spmem:s1] =	stream.indirect.scatter.add.f32 [tilespmem:s8], [sflag:$0x1], $0x1, s12, s7, $0xb8;
	[tilespmem:$0x3A78] =	vst v63  }
0x139: {  	_ = 	snop  }
0x13a: {  	[spmem:s1] =	stream.indirect.scatter.add.f32 [tilespmem:s8], [sflag:$0x1], $0x1, s13, s7, $0xb8;
	[tilespmem:$0x3A78] =	vst v63  }
0x13b: {  	_ = 	snop  }
0x13c: {  	[spmem:s1] =	stream.indirect.scatter.add.f32 [tilespmem:s8], [sflag:$0x1], $0x1, s14, s7, $0xb8;
	[tilespmem:$0x3A78] =	vst v63  }
0x13d: {  	_ = 	snop  }
0x13e: {  	[spmem:s1] =	stream.indirect.scatter.add.f32 [tilespmem:s8], [sflag:$0x1], $0x1, s15, s7, $0xb8;
	[tilespmem:$0x3A78] =	vst v63  }
0x13f: {  	_ = 	snop  }
0x140: {  	[spmem:s1] =	stream.indirect.scatter.add.f32 [tilespmem:s8], [sflag:$0x1], $0x1, s16, s7, $0xb8;
	[tilespmem:$0x3A78] =	vst v63  }
0x141: {  	_ = 	snop  }
0x142: {  	[spmem:s1] =	stream.indirect.scatter.add.f32 [tilespmem:s8], [sflag:$0x1], $0x1, s17, s7, $0xb8;
	[tilespmem:$0x3A78] =	vst v63  }
0x143: {  	_ = 	snop  }
0x144: {  	[spmem:s1] =	stream.indirect.scatter.add.f32 [tilespmem:s8], [sflag:$0x1], $0x1, s18, s7, $0xb8;
	[tilespmem:$0x3A78] =	vst v63  }
0x145: {  	_ = 	snop  }
0x146: {  	[spmem:s1] =	stream.indirect.scatter.add.f32 [tilespmem:s8], [sflag:$0x1], $0x1, s19, s7, $0xb8;
	[tilespmem:$0x3A78] =	vst v63  }
0x147: {  	_ = 	snop  }
0x148: {  	[spmem:s1] =	stream.indirect.scatter.add.f32 [tilespmem:s8], [sflag:$0x1], $0x1, s20, s7, $0xb8;
	[tilespmem:$0x3A78] =	vst v63  }
0x149: {  	_ = 	snop  }
0x14a: {  	[spmem:s1] =	stream.indirect.scatter.add.f32 [tilespmem:s8], [sflag:$0x1], $0x1, s21, s7, $0xb8;
	[tilespmem:$0x3A78] =	vst v63  }
0x14b: {  	_ = 	snop  }
0x14c: {  	[spmem:s1] =	stream.indirect.scatter.add.f32 [tilespmem:s8], [sflag:$0x1], $0x1, s22, s7, $0xb8;
	[tilespmem:$0x3A78] =	vst v63  }
0x14d: {  	_ = 	snop  }
0x14e: {  	[spmem:s1] =	stream.indirect.scatter.add.f32 [tilespmem:s8], [sflag:$0x1], $0x1, s23, s7, $0xb8;
	[tilespmem:$0x3A78] =	vst v63  }
0x14f: {  	_ = 	snop  }
0x150: {  	[spmem:s1] =	stream.indirect.scatter.add.f32 [tilespmem:s8], [sflag:$0x1], $0x1, s24, s7, $0xb8;
	[tilespmem:$0x3A78] =	vst v63  }
0x151: {  	_ = 	snop  }
0x152: {  	[spmem:s1] =	stream.indirect.scatter.add.f32 [tilespmem:s8], [sflag:$0x1], $0x1, s25, s7, $0xb8;
	[tilespmem:$0x3A78] =	vst v63  }
0x153: {  	_ = 	snop  }
0x154: {  	[spmem:s1] =	stream.indirect.scatter.add.f32 [tilespmem:s8], [sflag:$0x1], $0x1, s26, s7, $0xb8;
	[tilespmem:$0x3A78] =	vst v63  }
0x155: {  	_ = 	snop  }
0x156: {  	[spmem:s1] =	stream.indirect.scatter.add.f32 [tilespmem:s8], [sflag:$0x1], $0x1, s28, s7, $0xb8;
	[tilespmem:$0x3A78] =	vst v63  }
0x157: {  	_ = 	snop  }
0x158: {  	[spmem:s1] =	stream.indirect.scatter.add.f32 [tilespmem:s8], [sflag:$0x1], $0x1, s29, s7, $0xb8;
	[tilespmem:$0x3A78] =	vst v63  }
0x159: {  	_ = 	snop  }
0x15a: {  	[spmem:s1] =	stream.indirect.scatter.add.f32 [tilespmem:s8], [sflag:$0x1], $0x1, s30, s7, $0xb8;
	[tilespmem:$0x3A78] =	vst v63  }
0x15b: {  	_ = 	snop  }
0x15c: {  	[spmem:s1] =	stream.indirect.scatter.add.f32 [tilespmem:s8], [sflag:$0x1], $0x1, s31, s7, $0xb8;
	[tilespmem:$0x3A78] =	vst v63  }
0x15d: {  	_ =	swait.ge [sflag:s0], $0x50  }
0x15e: {  	[sflag:s0] =	ssyncset.done $0x0  }
0x15f: {  	[sflag:s0] =	ssyncadd.s32 $0xFFFFFFB0  }
0x160: {  	_ =	swait.ge [sflag:s0], $0x50  }
0x161: {  	[sflag:s0] =	ssyncset.done $0x0  }
0x162: {  	[sflag:s0] =	ssyncadd.s32 $0xFFFFFFB0  }
0x163: {  	_ =	swait.ge [sflag:s0], $0x50  }
0x164: {  	[sflag:s0] =	ssyncset.done $0x0  }
0x165: {  	[sflag:s0] =	ssyncadd.s32 $0xFFFFFFB0  }
0x166: {  	_ =	swait.ge [sflag:s0], $0x50  }
0x167: {  	[sflag:s0] =	ssyncset.done $0x0  }
0x168: {  	[sflag:s0] =	ssyncadd.s32 $0xFFFFFFB0  }
0x169: {  	_ =	swait.ge [sflag:s0], $0x50  }
0x16a: {  	[sflag:s0] =	ssyncset.done $0x0  }
0x16b: {  	[sflag:s0] =	ssyncadd.s32 $0xFFFFFFB0  }
0x16c: {  	_ =	swait.ge [sflag:s0], $0x50  }
0x16d: {  	[sflag:s0] =	ssyncset.done $0x0  }
0x16e: {  	[sflag:s0] =	ssyncadd.s32 $0xFFFFFFB0  }
0x16f: {  	_ =	swait.ge [sflag:s0], $0x50  }
0x170: {  	[sflag:s0] =	ssyncset.done $0x0  }
0x171: {  	[sflag:s0] =	ssyncadd.s32 $0xFFFFFFB0  }
0x172: {  	_ =	swait.ge [sflag:s0], $0x50  }
0x173: {  	[sflag:s0] =	ssyncset.done $0x0  }
0x174: {  	[sflag:s0] =	ssyncadd.s32 $0xFFFFFFB0  }
0x175: {  	_ =	swait.ge [sflag:s0], $0x50  }
0x176: {  	[sflag:s0] =	ssyncset.done $0x0  }
0x177: {  	[sflag:s0] =	ssyncadd.s32 $0xFFFFFFB0  }
0x178: {  	_ =	swait.ge [sflag:s0], $0x50  }
0x179: {  	[sflag:s0] =	ssyncset.done $0x0  }
0x17a: {  	[sflag:s0] =	ssyncadd.s32 $0xFFFFFFB0  }
0x17b: {  	_ =	swait.ge [sflag:s0], $0x50  }
0x17c: {  	[sflag:s0] =	ssyncset.done $0x0  }
0x17d: {  	[sflag:s0] =	ssyncadd.s32 $0xFFFFFFB0  }
0x17e: {  	_ =	swait.ge [sflag:s0], $0x50  }
0x17f: {  	[sflag:s0] =	ssyncset.done $0x0  }
0x180: {  	[sflag:s0] =	ssyncadd.s32 $0xFFFFFFB0  }
0x181: {  	_ =	swait.ge [sflag:s0], $0x50  }
0x182: {  	[sflag:s0] =	ssyncset.done $0x0  }
0x183: {  	[sflag:s0] =	ssyncadd.s32 $0xFFFFFFB0  }
0x184: {  	_ =	swait.ge [sflag:s0], $0x50  }
0x185: {  	[sflag:s0] =	ssyncset.done $0x0  }
0x186: {  	[sflag:s0] =	ssyncadd.s32 $0xFFFFFFB0  }
0x187: {  	_ =	swait.ge [sflag:s0], $0x50  }
0x188: {  	[sflag:s0] =	ssyncset.done $0x0  }
0x189: {  	[sflag:s0] =	ssyncadd.s32 $0xFFFFFFB0  }
0x18a: {  	_ =	swait.ge [sflag:s0], $0x50  }
0x18b: {  	[sflag:s0] =	ssyncset.done $0x0  }
0x18c: {  	[sflag:s0] =	ssyncadd.s32 $0xFFFFFFB0  }
0x18d: {  	_ =	swait.ge [sflag:s0], $0x50  }
0x18e: {  	[sflag:s0] =	ssyncset.done $0x0  }
0x18f: {  	[sflag:s0] =	ssyncadd.s32 $0xFFFFFFB0  }
0x190: {  	_ =	swait.ge [sflag:s0], $0x50  }
0x191: {  	[sflag:s0] =	ssyncset.done $0x0  }
0x192: {  	[sflag:s0] =	ssyncadd.s32 $0xFFFFFFB0  }
0x193: {  	_ =	swait.ge [sflag:s0], $0x50  }
0x194: {  	[sflag:s0] =	ssyncset.done $0x0  }
0x195: {  	[sflag:s0] =	ssyncadd.s32 $0xFFFFFFB0  }
0x196: {  	_ =	swait.ge [sflag:s0], $0x50  }
0x197: {  	[sflag:s0] =	ssyncset.done $0x0  }
0x198: {  	[sflag:s0] =	ssyncadd.s32 $0xFFFFFFB0  }
0x199: {  	_ =	swait.ge [sflag:s0], $0x50  }
0x19a: {  	[sflag:s0] =	ssyncset.done $0x0  }
0x19b: {  	[sflag:s0] =	ssyncadd.s32 $0xFFFFFFB0  }
0x19c: {  	_ =	swait.ge [sflag:s0], $0x50  }
0x19d: {  	[sflag:s0] =	ssyncset.done $0x0  }
0x19e: {  	[sflag:s0] =	ssyncadd.s32 $0xFFFFFFB0  }
0x19f: {  	_ =	swait.ge [sflag:s0], $0x50  }
0x1a0: {  	[sflag:s0] =	ssyncset.done $0x0  }
0x1a1: {  	[sflag:s0] =	ssyncadd.s32 $0xFFFFFFB0  }
0x1a2: {  	_ =	swait.ge [sflag:s0], $0x50  }
0x1a3: {  	[sflag:s0] =	ssyncset.done $0x0  }
0x1a4: {  	[sflag:s0] =	ssyncadd.s32 $0xFFFFFFB0  }
0x1a5: {  	_ =	swait.ge [sflag:s0], $0x50  }
0x1a6: {  	[sflag:s0] =	ssyncset.done $0x0  }
0x1a7: {  	[sflag:s0] =	ssyncadd.s32 $0xFFFFFFB0  }
0x1a8: {  	[bflag:$0x0] =	sbarrier.arrive $0xFFFF  }
0x1a9: {  	s3 =	sshrl.u32 @!p0 s1, $0x3;
	s4 =	simm.s32 @!p0 $0x1C02;
	s5 =	rddreg [dreg:$0x7]  }
0x1aa: {  	[hbm:s5], [sflag:s4] =	dma.local @!p0 [spmem:s3], $0x4F0  }
0x1ab: {  	s3 =	simm.s32 @!p0 $0x2  }
0x1ac: {  	_ =	swait.ge @!p0 [sflag:s3], $0x4F0  }
0x1ad: {  	s4 =	rddreg [dreg:$0x9]  }
0x1ae: {  	s5 =	sadd.s32 $0x1, s4;
	s4 =	rddreg [dreg:$0x8]  }
0x1af: {  	p1 =	sne.s32 s5, s4  }
.Ltmp3:
0x1b0: {  	_ = 	snop;
	(pc) =	sbr.rel @p1 .LBB2_1-.Ltmp3, $3  }
0x1b1: {  	_ =	sdelay $0x1  }
0x1b2: {  	[sflag:s3] =	ssyncset.done @!p0 $0x0  }
0x1b3: {  	[sflag:s3] =	ssyncadd.s32 @!p0 $0xFFFFFB10  }
0x1b4: {  	_ =	sfence.sel $0x180000  }
0x1b5: {  	[bflag:$0x0] =	sbarrier.arrive $0xFFFF  }
0x1b6: {  	_ =	strace $0x90000047  }
0x1b7: {  	[bflag:$0x2] =	sbarrier.arrive $0xFFFF  }
0x1b8: {  	s0 =	rddreg [dreg:$0x3]  }
0x1b9: {  	s0 =	sadd.s32 @!p0 $0x100000, s0  }
0x1ba: {  	[sflag:s0] =	ssyncadd.tile.s32 @!p0 $0x1;
	_ =	shalt  }
.Lfunc_end2:
_tile_overlayer_lowered:
.L_overlay_start_2:
0x1bb: {  	(tag) =	ssettag $0x2  }
0x1bc: {  	s0 =	rddreg [dreg:$0x0];
	s2 =	stileid.u32  }
0x1bd: {  	s1 =	rddreg [dreg:$0x1];
	p0 =	sne.s32 s2, $0x0  }
0x1be: {  	s3 =	rddreg [dreg:$0x2];
	[bflag:$0x3] =	sbarrier.arrive $0xFFFF;
	s2 =	simm.s32 @!p0 $0x1C02  }
0x1bf: {  	[timem:s3], [sflag:s2] =	dma.local @!p0 [hbm:s0], s1  }
0x1c0: {  	s0 =	simm.s32 @!p0 $0x2  }
0x1c1: {  	_ =	swait.ge @!p0 [sflag:s0], s1  }
0x1c2: {  	s1 =	ssub.s32 @!p0 $0x0, s1;
	[sflag:s0] =	ssyncset.done @!p0 $0x0  }
0x1c3: {  	[sflag:s0] =	ssyncadd.s32 @!p0 s1  }
0x1c4: {  	[bflag:$0x3] =	sbarrier.arrive $0xFFFF  }
0x1c5: {  	_ =	shalt  }

</sc_bundles>
